<compile_context>
chip_gen: v7x
topology: tpu7x:2x2x1
jax: 0.10.2.dev20260603
libtpu: 0.0.44.dev20260713+nightly
codegen_flags: <defaults>
</compile_context>

<pallas_src>
import functools

import jax
import jax.numpy as jnp
from jax import lax
from jax.experimental import pallas as pl
from jax.experimental.pallas import tpu as pltpu
from jax.experimental.pallas import tpu_sc as plsc

NC = 2
NS = 16
NW = NC * NS
LANES = 16
BATCH = 512

_MESH = plsc.VectorSubcoreMesh(core_axis_name="c", subcore_axis_name="s")


def _sc_scatter_add(src_r, dst_r, table, zeros, *, n_rows_out, k_batches):

    @functools.partial(
        pl.kernel,
        out_type=jax.ShapeDtypeStruct((NC, n_rows_out, LANES), jnp.float32),
        mesh=_MESH,
        scratch_types=[
            pltpu.VMEM((k_batches, BATCH), jnp.int32),
            pltpu.VMEM((k_batches, BATCH), jnp.int32),
            pltpu.VMEM((4, BATCH, LANES), jnp.float32),
            pltpu.VMEM_SHARED((n_rows_out, LANES), jnp.float32),
            pltpu.SemaphoreType.DMA((4,)),
            pltpu.SemaphoreType.DMA((4,)),
        ],
        compiler_params=pltpu.CompilerParams(use_tc_tiling_on_sc=False),
    )
    def k(src_hbm, dst_hbm, t_hbm, z_hbm, out_hbm, src_v, dst_v, rows_v, acc_sh,
          gsem, ssem):
        c = lax.axis_index("c")
        s = lax.axis_index("s")
        w = c * NS + s
        rows_per = n_rows_out // NS
        pltpu.sync_copy(z_hbm.at[pl.ds(s * rows_per, rows_per)],
                        acc_sh.at[pl.ds(s * rows_per, rows_per)])
        pltpu.sync_copy(src_hbm.at[w], src_v)
        pltpu.sync_copy(dst_hbm.at[w], dst_v)
        plsc.subcore_barrier()

        pltpu.async_copy(t_hbm.at[src_v.at[0]], rows_v.at[0], gsem.at[0])
        pltpu.async_copy(t_hbm.at[src_v.at[1]], rows_v.at[1], gsem.at[1])

        def body(step, carry):
            for b in range(4):
                j = step * 4 + b
                b2 = (b + 2) % 4
                pltpu.make_async_copy(
                    t_hbm.at[src_v.at[j]], rows_v.at[b], gsem.at[b]).wait()
                pltpu.async_copy(rows_v.at[b], acc_sh.at[dst_v.at[j]],
                                 ssem.at[b], add=True)

                def wait_sc(jj=j, bb=b2):
                    pltpu.make_async_copy(
                        rows_v.at[bb], acc_sh.at[dst_v.at[jj - 2]],
                        ssem.at[bb]).wait()

                pl.when(j >= 2)(wait_sc)

                def prefetch(jj=j, bb=b2):
                    pltpu.async_copy(
                        t_hbm.at[src_v.at[jj + 2]], rows_v.at[bb], gsem.at[bb])

                pl.when(j + 2 < k_batches)(prefetch)
            return carry

        lax.fori_loop(0, k_batches // 4, body, 0)
        for jj in (k_batches - 2, k_batches - 1):
            pltpu.make_async_copy(
                rows_v.at[jj % 4], acc_sh.at[dst_v.at[jj]],
                ssem.at[jj % 4]).wait()
        plsc.subcore_barrier()
        pltpu.sync_copy(acc_sh.at[pl.ds(s * rows_per, rows_per)],
                        out_hbm.at[c, pl.ds(s * rows_per, rows_per)])

    return k(src_r, dst_r, table, zeros)


def _sc_degree(dst_r, ones, zeros, *, n_rows_out, k_batches):

    @functools.partial(
        pl.kernel,
        out_type=jax.ShapeDtypeStruct((NC, n_rows_out, LANES), jnp.float32),
        mesh=_MESH,
        scratch_types=[
            pltpu.VMEM((k_batches, BATCH), jnp.int32),
            pltpu.VMEM((BATCH, LANES), jnp.float32),
            pltpu.VMEM_SHARED((n_rows_out, LANES), jnp.float32),
            pltpu.SemaphoreType.DMA,
        ],
        compiler_params=pltpu.CompilerParams(use_tc_tiling_on_sc=False),
    )
    def k(dst_hbm, ones_hbm, z_hbm, out_hbm, dst_v, ones_v, acc_sh, ssem):
        c = lax.axis_index("c")
        s = lax.axis_index("s")
        w = c * NS + s
        rows_per = n_rows_out // NS
        pltpu.sync_copy(z_hbm.at[pl.ds(s * rows_per, rows_per)],
                        acc_sh.at[pl.ds(s * rows_per, rows_per)])
        pltpu.sync_copy(dst_hbm.at[w], dst_v)
        pltpu.sync_copy(ones_hbm, ones_v)
        plsc.subcore_barrier()

        def body(step, carry):
            for b in range(4):
                pltpu.async_copy(ones_v, acc_sh.at[dst_v.at[step * 4 + b]],
                                 ssem, add=True)
            for b in range(4):
                pltpu.make_async_copy(
                    ones_v, acc_sh.at[dst_v.at[0]], ssem).wait()
            return carry

        lax.fori_loop(0, k_batches // 4, body, 0)
        plsc.subcore_barrier()
        pltpu.sync_copy(acc_sh.at[pl.ds(s * rows_per, rows_per)],
                        out_hbm.at[c, pl.ds(s * rows_per, rows_per)])

    return k(dst_r, ones, zeros)


def _tc_matmul1(x, W1, *, n, blk):

    def body(x_ref, w_ref, h_ref):
        h_ref[...] = jnp.dot(x_ref[...], w_ref[...],
                             preferred_element_type=jnp.float32)

    grid = (n // blk,)
    return pl.pallas_call(
        body,
        grid=grid,
        in_specs=[
            pl.BlockSpec((blk, x.shape[1]), lambda i: (i, 0)),
            pl.BlockSpec(W1.shape, lambda i: (0, 0)),
        ],
        out_specs=pl.BlockSpec((blk, LANES), lambda i: (i, 0)),
        out_shape=jax.ShapeDtypeStruct((n, LANES), jnp.float32),
    )(x, W1)


def _tc_scale1(h, degp, *, n, blk):

    def body(h_ref, deg_ref, t1_ref, dinv_ref):
        deg = deg_ref[0] + deg_ref[1] + 1.0
        dinv = lax.rsqrt(deg)
        dinv_ref[...] = dinv
        t1_ref[...] = h_ref[...] * dinv

    grid = (n // blk,)
    return pl.pallas_call(
        body,
        grid=grid,
        in_specs=[
            pl.BlockSpec((blk, LANES), lambda i: (i, 0)),
            pl.BlockSpec((NC, blk, LANES), lambda i: (0, i, 0)),
        ],
        out_specs=[
            pl.BlockSpec((blk, LANES), lambda i: (i, 0)),
            pl.BlockSpec((blk, LANES), lambda i: (i, 0)),
        ],
        out_shape=[
            jax.ShapeDtypeStruct((n, LANES), jnp.float32),
            jax.ShapeDtypeStruct((n, LANES), jnp.float32),
        ],
    )(h, degp)


def _tc_mid(p1, t1, dinv, b1, *, n, blk):

    def body(p_ref, t1_ref, dinv_ref, b_ref, t2_ref):
        dinv = dinv_ref[...]
        s = (p_ref[0] + p_ref[1] + t1_ref[...]) * dinv
        h1 = jnp.maximum(s + b_ref[...], 0.0)
        t2_ref[...] = h1 * dinv

    grid = (n // blk,)
    return pl.pallas_call(
        body,
        grid=grid,
        in_specs=[
            pl.BlockSpec((NC, blk, LANES), lambda i: (0, i, 0)),
            pl.BlockSpec((blk, LANES), lambda i: (i, 0)),
            pl.BlockSpec((blk, LANES), lambda i: (i, 0)),
            pl.BlockSpec((1, LANES), lambda i: (0, 0)),
        ],
        out_specs=pl.BlockSpec((blk, LANES), lambda i: (i, 0)),
        out_shape=jax.ShapeDtypeStruct((n, LANES), jnp.float32),
    )(p1, t1, dinv, b1)


def _tc_final(p2, t2, dinv, W2, b2, *, n, blk, out_ch):

    def body(p_ref, t2_ref, dinv_ref, w_ref, b_ref, o_ref):
        g = (p_ref[0] + p_ref[1] + t2_ref[...]) * dinv_ref[...]
        z = jnp.dot(g, w_ref[...], preferred_element_type=jnp.float32) + b_ref[...]
        m = jnp.max(z, axis=1, keepdims=True)
        zs = z - m
        lse = jnp.log(jnp.sum(jnp.exp(zs), axis=1, keepdims=True))
        o_ref[...] = zs - lse

    grid = (n // blk,)
    return pl.pallas_call(
        body,
        grid=grid,
        in_specs=[
            pl.BlockSpec((NC, blk, LANES), lambda i: (0, i, 0)),
            pl.BlockSpec((blk, LANES), lambda i: (i, 0)),
            pl.BlockSpec((blk, LANES), lambda i: (i, 0)),
            pl.BlockSpec(W2.shape, lambda i: (0, 0)),
            pl.BlockSpec((1, out_ch), lambda i: (0, 0)),
        ],
        out_specs=pl.BlockSpec((blk, out_ch), lambda i: (i, 0)),
        out_shape=jax.ShapeDtypeStruct((n, out_ch), jnp.float32),
    )(p2, t2, dinv, W2, b2)


def kernel(x, edge_index, W1, b1, W2, b2):
    n = x.shape[0]
    e = edge_index.shape[1]
    out_ch = W2.shape[1]
    blk = 1000

    n_rows = (n + 1 + NS * 8 - 1) // (NS * 8) * (NS * 8)
    dummy = n

    k_batches = -(-e // (NW * BATCH * 4)) * 4
    e_pad = k_batches * NW * BATCH
    src = edge_index[0].astype(jnp.int32)
    dst = edge_index[1].astype(jnp.int32)
    src_r = jnp.concatenate(
        [src, jnp.zeros((e_pad - e,), jnp.int32)]).reshape(NW, k_batches, BATCH)
    dst_r = jnp.concatenate(
        [dst, jnp.full((e_pad - e,), dummy, jnp.int32)]).reshape(NW, k_batches, BATCH)

    zeros = jnp.zeros((n_rows, LANES), jnp.float32)
    ones = jnp.ones((BATCH, LANES), jnp.float32)

    h = _tc_matmul1(x, W1, n=n, blk=blk)
    degp = _sc_degree(dst_r, ones, zeros, n_rows_out=n_rows, k_batches=k_batches)

    t1, dinv = _tc_scale1(h, degp, n=n, blk=blk)
    p1 = _sc_scatter_add(src_r, dst_r, t1, zeros,
                         n_rows_out=n_rows, k_batches=k_batches)
    t2 = _tc_mid(p1, t1, dinv, b1.reshape(1, LANES), n=n, blk=blk)
    p2 = _sc_scatter_add(src_r, dst_r, t2, zeros,
                         n_rows_out=n_rows, k_batches=k_batches)
    out = _tc_final(p2, t2, dinv, W2, b2.reshape(1, out_ch),
                    n=n, blk=blk, out_ch=out_ch)
    return out

# --- scband reference (transcript-rebuilt; emitter-appended) ---
"""Pipeline reference for scband-gnn3-d-51616916963867 (READ-ONLY COPY).

The authoritative reference and input builder live on the scoring server;
editing this copy changes nothing except your own understanding.
"""

import jax, jax.numpy as jnp
import numpy as np

IN_CH = 128
HID = 16
OUT_CH = 128
N_NODES = 10000
N_EDGES = 320000


def gcn_conv(x, edge_index, W, b):
    N = x.shape[0]
    loop = jnp.arange(N, dtype=edge_index.dtype)
    src = jnp.concatenate([edge_index[0], loop])
    dst = jnp.concatenate([edge_index[1], loop])
    deg = jnp.zeros((N,), dtype=x.dtype).at[dst].add(1.0)
    dinv = jnp.where(deg > 0, 1.0 / jnp.sqrt(deg), 0.0)
    norm = dinv[src] * dinv[dst]
    h = x @ W
    msg = jnp.take(h, src, axis=0) * norm[:, None]
    out = jnp.zeros((N, W.shape[1]), dtype=x.dtype).at[dst].add(msg)
    return out + b


def setup_inputs(seed: int = 0) -> dict:
    key = jax.random.key(seed)
    k1, k2, k3, k4, k5 = jax.random.split(key, 5)
    x = jax.random.normal(k1, (N_NODES, IN_CH), dtype=jnp.float32)
    edge_index = jax.random.randint(k2, (2, N_EDGES), 0, N_NODES, dtype=jnp.int64)
    W1 = jax.random.normal(k3, (IN_CH, HID), dtype=jnp.float32) * (1.0 / np.sqrt(IN_CH))
    b1 = jnp.zeros((HID,), dtype=jnp.float32)
    W2 = jax.random.normal(k4, (HID, OUT_CH), dtype=jnp.float32) * (1.0 / np.sqrt(HID))
    b2 = jnp.zeros((OUT_CH,), dtype=jnp.float32)
    return {"x": x, "edge_index": edge_index, "W1": W1, "b1": b1, "W2": W2, "b2": b2}


def reference(x, edge_index, W1, b1, W2, b2):
    h = jax.nn.relu(gcn_conv(x, edge_index, W1, b1))
    out = jax.nn.log_softmax(gcn_conv(h, edge_index, W2, b2), axis=1)
    return out

if __name__ == "__main__":
    import jax
    _d = setup_inputs()
    print(jax.jit(kernel)(*tuple(_d.values())))

</pallas_src>

<mosaic_0001>
#map = affine_map<(d0, d1) -> (0, 0, 0)>
#map1 = affine_map<(d0, d1) -> (0, 0)>
module attributes {stable_mosaic.version = 14 : i64} {
  func.func @k(%arg0: i32, %arg1: i32, %arg2: memref<32x20x512xi32, #tpu.memory_space<hbm>>, %arg3: memref<512x16xf32, #tpu.memory_space<hbm>>, %arg4: memref<10112x16xf32, #tpu.memory_space<hbm>>, %arg5: memref<2x10112x16xf32, #tpu.memory_space<hbm>>, %arg6: memref<20x512xi32, #tpu.memory_space<vmem>>, %arg7: memref<512x16xf32, #tpu.memory_space<vmem>>, %arg8: memref<10112x16xf32, #tpu.memory_space<vmem_shared>>, %arg9: memref<!tpu.dma_semaphore, #tpu.memory_space<semaphore_mem>>) attributes {dimension_semantics = [#tpu.dimension_semantics<core_parallel>, #tpu.dimension_semantics<subcore_parallel>], iteration_bounds = array<i64: 2, 16>, scalar_prefetch = 0 : i64, scratch_operands = 4 : i64, tpu.core_type = #tpu.core_type<sc_vector_subcore>, window_params = [{transform_indices = #map}, {transform_indices = #map1}, {transform_indices = #map1}, {transform_indices = #map}]} {
    %mul3A = arith.constant 16 : i32
    %mul3A_0 = arith.muli %arg0, %mul3A : i32
    %add3A = arith.addi %mul3A_0, %arg1 : i32
    %mul3A_1 = arith.constant 632 : i32
    %mul3A_2 = arith.muli %arg1, %mul3A_1 : i32
    %mul3A_3 = arith.constant 632 : i32
    %mul3A_4 = arith.muli %arg1, %mul3A_3 : i32
    "tpu.region"() ({
      %run_scoped3A = tpu.sem_alloc : memref<!tpu.dma_semaphore, #tpu.memory_space<semaphore_mem>>
      %dma_start3A = arith.constant 0 : i32
      %dma_start3A_15 = tpu.memref_slice %arg8[%mul3A_4, %dma_start3A] : memref<10112x16xf32, #tpu.memory_space<vmem_shared>> -> memref<632x16xf32, #tpu.memory_space<vmem_shared>>
      %dma_start3A_16 = arith.constant 0 : i32
      %dma_start3A_17 = tpu.memref_slice %arg4[%mul3A_2, %dma_start3A_16] : memref<10112x16xf32, #tpu.memory_space<hbm>> -> memref<632x16xf32, #tpu.memory_space<hbm>>
      tpu.enqueue_dma source(%dma_start3A_17 : memref<632x16xf32, #tpu.memory_space<hbm>>) target(%dma_start3A_15 : memref<632x16xf32, #tpu.memory_space<vmem_shared>>) target_semaphore(%run_scoped3A : memref<!tpu.dma_semaphore, #tpu.memory_space<semaphore_mem>>)
      %dma_wait3A = arith.constant 0 : i32
      %dma_wait3A_18 = tpu.memref_slice %arg8[%mul3A_4, %dma_wait3A] : memref<10112x16xf32, #tpu.memory_space<vmem_shared>> -> memref<632x16xf32, #tpu.memory_space<vmem_shared>>
      %dma_wait3A_19 = arith.constant 0 : i32
      %dma_wait3A_20 = tpu.memref_slice %arg4[%mul3A_2, %dma_wait3A_19] : memref<10112x16xf32, #tpu.memory_space<hbm>> -> memref<632x16xf32, #tpu.memory_space<hbm>>
      tpu.wait_dma2 semaphore(%run_scoped3A : memref<!tpu.dma_semaphore, #tpu.memory_space<semaphore_mem>>) src(%dma_wait3A_20 : memref<632x16xf32, #tpu.memory_space<hbm>>) dst(%dma_wait3A_18 : memref<632x16xf32, #tpu.memory_space<vmem_shared>>)
      tpu.yield
    }) : () -> ()
    "tpu.region"() ({
      %run_scoped3A = tpu.sem_alloc : memref<!tpu.dma_semaphore, #tpu.memory_space<semaphore_mem>>
      %dma_start3A = arith.constant 0 : i32
      %dma_start3A_15 = arith.constant 0 : i32
      %dma_start3A_16 = tpu.memref_slice %arg2[%add3A, %dma_start3A, %dma_start3A_15] : memref<32x20x512xi32, #tpu.memory_space<hbm>> -> memref<1x20x512xi32, #tpu.memory_space<hbm>>
      %dma_start3A_17 = tpu.memref_squeeze %dma_start3A_16 : memref<1x20x512xi32, #tpu.memory_space<hbm>> -> memref<20x512xi32, #tpu.memory_space<hbm>>
      %dma_start3A_18 = arith.constant 0 : i32
      %dma_start3A_19 = arith.constant 0 : i32
      %dma_start3A_20 = tpu.memref_slice %arg2[%add3A, %dma_start3A_18, %dma_start3A_19] : memref<32x20x512xi32, #tpu.memory_space<hbm>> -> memref<1x20x512xi32, #tpu.memory_space<hbm>>
      %dma_start3A_21 = tpu.memref_squeeze %dma_start3A_20 : memref<1x20x512xi32, #tpu.memory_space<hbm>> -> memref<20x512xi32, #tpu.memory_space<hbm>>
      tpu.enqueue_dma source(%dma_start3A_21 : memref<20x512xi32, #tpu.memory_space<hbm>>) target(%arg6 : memref<20x512xi32, #tpu.memory_space<vmem>>) target_semaphore(%run_scoped3A : memref<!tpu.dma_semaphore, #tpu.memory_space<semaphore_mem>>)
      %dma_wait3A = arith.constant 0 : i32
      %dma_wait3A_22 = arith.constant 0 : i32
      %dma_wait3A_23 = tpu.memref_slice %arg2[%add3A, %dma_wait3A, %dma_wait3A_22] : memref<32x20x512xi32, #tpu.memory_space<hbm>> -> memref<1x20x512xi32, #tpu.memory_space<hbm>>
      %dma_wait3A_24 = tpu.memref_squeeze %dma_wait3A_23 : memref<1x20x512xi32, #tpu.memory_space<hbm>> -> memref<20x512xi32, #tpu.memory_space<hbm>>
      %dma_wait3A_25 = arith.constant 0 : i32
      %dma_wait3A_26 = arith.constant 0 : i32
      %dma_wait3A_27 = tpu.memref_slice %arg2[%add3A, %dma_wait3A_25, %dma_wait3A_26] : memref<32x20x512xi32, #tpu.memory_space<hbm>> -> memref<1x20x512xi32, #tpu.memory_space<hbm>>
      %dma_wait3A_28 = tpu.memref_squeeze %dma_wait3A_27 : memref<1x20x512xi32, #tpu.memory_space<hbm>> -> memref<20x512xi32, #tpu.memory_space<hbm>>
      tpu.wait_dma2 semaphore(%run_scoped3A : memref<!tpu.dma_semaphore, #tpu.memory_space<semaphore_mem>>) src(%dma_wait3A_28 : memref<20x512xi32, #tpu.memory_space<hbm>>) dst(%arg6 : memref<20x512xi32, #tpu.memory_space<vmem>>)
      tpu.yield
    }) : () -> ()
    "tpu.region"() ({
      %run_scoped3A = tpu.sem_alloc : memref<!tpu.dma_semaphore, #tpu.memory_space<semaphore_mem>>
      tpu.enqueue_dma source(%arg3 : memref<512x16xf32, #tpu.memory_space<hbm>>) target(%arg7 : memref<512x16xf32, #tpu.memory_space<vmem>>) target_semaphore(%run_scoped3A : memref<!tpu.dma_semaphore, #tpu.memory_space<semaphore_mem>>)
      tpu.wait_dma2 semaphore(%run_scoped3A : memref<!tpu.dma_semaphore, #tpu.memory_space<semaphore_mem>>) src(%arg3 : memref<512x16xf32, #tpu.memory_space<hbm>>) dst(%arg7 : memref<512x16xf32, #tpu.memory_space<vmem>>)
      tpu.yield
    }) : () -> ()
    %barrier3A = arith.constant 0 : index
    tpu.barrier barrier_id(%barrier3A)
    %scan3A = arith.constant 0 : i32
    %scan3A_5 = arith.constant 0 : i32
    %scan3A_6 = arith.constant 5 : i32
    %scan3A_7 = arith.addi %scan3A_5, %scan3A_6 : i32
    %scan3A_8 = arith.constant 1 : i32
    scf.for %scan3A_15 = %scan3A_5 to %scan3A_7 step %scan3A_8  : i32 {
      %mul3A_16 = arith.constant 4 : i32
      %mul3A_17 = arith.muli %scan3A_15, %mul3A_16 : i32
      %add3A_18 = arith.constant 0 : i32
      %add3A_19 = arith.addi %mul3A_17, %add3A_18 : i32
      %dma_start3A = arith.constant 0 : i32
      %dma_start3A_20 = tpu.memref_slice %arg6[%add3A_19, %dma_start3A] : memref<20x512xi32, #tpu.memory_space<vmem>> -> memref<1x512xi32, #tpu.memory_space<vmem>>
      %dma_start3A_21 = tpu.memref_squeeze %dma_start3A_20 : memref<1x512xi32, #tpu.memory_space<vmem>> -> memref<512xi32, #tpu.memory_space<vmem>>
      %dma_start3A_22 = arith.constant 0 : i32
      %dma_start3A_23 = arith.constant 0 : i32
      %dma_start3A_24 = tpu.memref_slice %arg8[%dma_start3A_22, %dma_start3A_23] : memref<10112x16xf32, #tpu.memory_space<vmem_shared>> -> memref<10112x16xf32, #tpu.memory_space<vmem_shared>>
      tpu.enqueue_indirect_dma source(%arg7 : memref<512x16xf32, #tpu.memory_space<vmem>>) target(%dma_start3A_24 : memref<10112x16xf32, #tpu.memory_space<vmem_shared>>) offsets(%dma_start3A_21 : memref<512xi32, #tpu.memory_space<vmem>>) semaphore(%arg9 : memref<!tpu.dma_semaphore, #tpu.memory_space<semaphore_mem>>) {add = true}
      %mul3A_25 = arith.constant 4 : i32
      %mul3A_26 = arith.muli %scan3A_15, %mul3A_25 : i32
      %add3A_27 = arith.constant 1 : i32
      %add3A_28 = arith.addi %mul3A_26, %add3A_27 : i32
      %dma_start3A_29 = arith.constant 0 : i32
      %dma_start3A_30 = tpu.memref_slice %arg6[%add3A_28, %dma_start3A_29] : memref<20x512xi32, #tpu.memory_space<vmem>> -> memref<1x512xi32, #tpu.memory_space<vmem>>
      %dma_start3A_31 = tpu.memref_squeeze %dma_start3A_30 : memref<1x512xi32, #tpu.memory_space<vmem>> -> memref<512xi32, #tpu.memory_space<vmem>>
      %dma_start3A_32 = arith.constant 0 : i32
      %dma_start3A_33 = arith.constant 0 : i32
      %dma_start3A_34 = tpu.memref_slice %arg8[%dma_start3A_32, %dma_start3A_33] : memref<10112x16xf32, #tpu.memory_space<vmem_shared>> -> memref<10112x16xf32, #tpu.memory_space<vmem_shared>>
      tpu.enqueue_indirect_dma source(%arg7 : memref<512x16xf32, #tpu.memory_space<vmem>>) target(%dma_start3A_34 : memref<10112x16xf32, #tpu.memory_space<vmem_shared>>) offsets(%dma_start3A_31 : memref<512xi32, #tpu.memory_space<vmem>>) semaphore(%arg9 : memref<!tpu.dma_semaphore, #tpu.memory_space<semaphore_mem>>) {add = true}
      %mul3A_35 = arith.constant 4 : i32
      %mul3A_36 = arith.muli %scan3A_15, %mul3A_35 : i32
      %add3A_37 = arith.constant 2 : i32
      %add3A_38 = arith.addi %mul3A_36, %add3A_37 : i32
      %dma_start3A_39 = arith.constant 0 : i32
      %dma_start3A_40 = tpu.memref_slice %arg6[%add3A_38, %dma_start3A_39] : memref<20x512xi32, #tpu.memory_space<vmem>> -> memref<1x512xi32, #tpu.memory_space<vmem>>
      %dma_start3A_41 = tpu.memref_squeeze %dma_start3A_40 : memref<1x512xi32, #tpu.memory_space<vmem>> -> memref<512xi32, #tpu.memory_space<vmem>>
      %dma_start3A_42 = arith.constant 0 : i32
      %dma_start3A_43 = arith.constant 0 : i32
      %dma_start3A_44 = tpu.memref_slice %arg8[%dma_start3A_42, %dma_start3A_43] : memref<10112x16xf32, #tpu.memory_space<vmem_shared>> -> memref<10112x16xf32, #tpu.memory_space<vmem_shared>>
      tpu.enqueue_indirect_dma source(%arg7 : memref<512x16xf32, #tpu.memory_space<vmem>>) target(%dma_start3A_44 : memref<10112x16xf32, #tpu.memory_space<vmem_shared>>) offsets(%dma_start3A_41 : memref<512xi32, #tpu.memory_space<vmem>>) semaphore(%arg9 : memref<!tpu.dma_semaphore, #tpu.memory_space<semaphore_mem>>) {add = true}
      %mul3A_45 = arith.constant 4 : i32
      %mul3A_46 = arith.muli %scan3A_15, %mul3A_45 : i32
      %add3A_47 = arith.constant 3 : i32
      %add3A_48 = arith.addi %mul3A_46, %add3A_47 : i32
      %dma_start3A_49 = arith.constant 0 : i32
      %dma_start3A_50 = tpu.memref_slice %arg6[%add3A_48, %dma_start3A_49] : memref<20x512xi32, #tpu.memory_space<vmem>> -> memref<1x512xi32, #tpu.memory_space<vmem>>
      %dma_start3A_51 = tpu.memref_squeeze %dma_start3A_50 : memref<1x512xi32, #tpu.memory_space<vmem>> -> memref<512xi32, #tpu.memory_space<vmem>>
      %dma_start3A_52 = arith.constant 0 : i32
      %dma_start3A_53 = arith.constant 0 : i32
      %dma_start3A_54 = tpu.memref_slice %arg8[%dma_start3A_52, %dma_start3A_53] : memref<10112x16xf32, #tpu.memory_space<vmem_shared>> -> memref<10112x16xf32, #tpu.memory_space<vmem_shared>>
      tpu.enqueue_indirect_dma source(%arg7 : memref<512x16xf32, #tpu.memory_space<vmem>>) target(%dma_start3A_54 : memref<10112x16xf32, #tpu.memory_space<vmem_shared>>) offsets(%dma_start3A_51 : memref<512xi32, #tpu.memory_space<vmem>>) semaphore(%arg9 : memref<!tpu.dma_semaphore, #tpu.memory_space<semaphore_mem>>) {add = true}
      %dma_wait3A = arith.constant 0 : i32
      %dma_wait3A_55 = arith.constant 0 : i32
      %dma_wait3A_56 = tpu.memref_slice %arg6[%dma_wait3A, %dma_wait3A_55] : memref<20x512xi32, #tpu.memory_space<vmem>> -> memref<1x512xi32, #tpu.memory_space<vmem>>
      %dma_wait3A_57 = tpu.memref_squeeze %dma_wait3A_56 : memref<1x512xi32, #tpu.memory_space<vmem>> -> memref<512xi32, #tpu.memory_space<vmem>>
      %dma_wait3A_58 = arith.constant 0 : i32
      %dma_wait3A_59 = arith.constant 0 : i32
      %dma_wait3A_60 = tpu.memref_slice %arg8[%dma_wait3A_58, %dma_wait3A_59] : memref<10112x16xf32, #tpu.memory_space<vmem_shared>> -> memref<10112x16xf32, #tpu.memory_space<vmem_shared>>
      tpu.wait_indirect_dma semaphore(%arg9 : memref<!tpu.dma_semaphore, #tpu.memory_space<semaphore_mem>>) src(%arg7 : memref<512x16xf32, #tpu.memory_space<vmem>>) dst(%dma_wait3A_60 : memref<10112x16xf32, #tpu.memory_space<vmem_shared>>)
      %dma_wait3A_61 = arith.constant 0 : i32
      %dma_wait3A_62 = arith.constant 0 : i32
      %dma_wait3A_63 = tpu.memref_slice %arg6[%dma_wait3A_61, %dma_wait3A_62] : memref<20x512xi32, #tpu.memory_space<vmem>> -> memref<1x512xi32, #tpu.memory_space<vmem>>
      %dma_wait3A_64 = tpu.memref_squeeze %dma_wait3A_63 : memref<1x512xi32, #tpu.memory_space<vmem>> -> memref<512xi32, #tpu.memory_space<vmem>>
      %dma_wait3A_65 = arith.constant 0 : i32
      %dma_wait3A_66 = arith.constant 0 : i32
      %dma_wait3A_67 = tpu.memref_slice %arg8[%dma_wait3A_65, %dma_wait3A_66] : memref<10112x16xf32, #tpu.memory_space<vmem_shared>> -> memref<10112x16xf32, #tpu.memory_space<vmem_shared>>
      tpu.wait_indirect_dma semaphore(%arg9 : memref<!tpu.dma_semaphore, #tpu.memory_space<semaphore_mem>>) src(%arg7 : memref<512x16xf32, #tpu.memory_space<vmem>>) dst(%dma_wait3A_67 : memref<10112x16xf32, #tpu.memory_space<vmem_shared>>)
      %dma_wait3A_68 = arith.constant 0 : i32
      %dma_wait3A_69 = arith.constant 0 : i32
      %dma_wait3A_70 = tpu.memref_slice %arg6[%dma_wait3A_68, %dma_wait3A_69] : memref<20x512xi32, #tpu.memory_space<vmem>> -> memref<1x512xi32, #tpu.memory_space<vmem>>
      %dma_wait3A_71 = tpu.memref_squeeze %dma_wait3A_70 : memref<1x512xi32, #tpu.memory_space<vmem>> -> memref<512xi32, #tpu.memory_space<vmem>>
      %dma_wait3A_72 = arith.constant 0 : i32
      %dma_wait3A_73 = arith.constant 0 : i32
      %dma_wait3A_74 = tpu.memref_slice %arg8[%dma_wait3A_72, %dma_wait3A_73] : memref<10112x16xf32, #tpu.memory_space<vmem_shared>> -> memref<10112x16xf32, #tpu.memory_space<vmem_shared>>
      tpu.wait_indirect_dma semaphore(%arg9 : memref<!tpu.dma_semaphore, #tpu.memory_space<semaphore_mem>>) src(%arg7 : memref<512x16xf32, #tpu.memory_space<vmem>>) dst(%dma_wait3A_74 : memref<10112x16xf32, #tpu.memory_space<vmem_shared>>)
      %dma_wait3A_75 = arith.constant 0 : i32
      %dma_wait3A_76 = arith.constant 0 : i32
      %dma_wait3A_77 = tpu.memref_slice %arg6[%dma_wait3A_75, %dma_wait3A_76] : memref<20x512xi32, #tpu.memory_space<vmem>> -> memref<1x512xi32, #tpu.memory_space<vmem>>
      %dma_wait3A_78 = tpu.memref_squeeze %dma_wait3A_77 : memref<1x512xi32, #tpu.memory_space<vmem>> -> memref<512xi32, #tpu.memory_space<vmem>>
      %dma_wait3A_79 = arith.constant 0 : i32
      %dma_wait3A_80 = arith.constant 0 : i32
      %dma_wait3A_81 = tpu.memref_slice %arg8[%dma_wait3A_79, %dma_wait3A_80] : memref<10112x16xf32, #tpu.memory_space<vmem_shared>> -> memref<10112x16xf32, #tpu.memory_space<vmem_shared>>
      tpu.wait_indirect_dma semaphore(%arg9 : memref<!tpu.dma_semaphore, #tpu.memory_space<semaphore_mem>>) src(%arg7 : memref<512x16xf32, #tpu.memory_space<vmem>>) dst(%dma_wait3A_81 : memref<10112x16xf32, #tpu.memory_space<vmem_shared>>)
    }
    %scan3A_9 = arith.constant 5 : i32
    %barrier3A_10 = arith.constant 0 : index
    tpu.barrier barrier_id(%barrier3A_10)
    %mul3A_11 = arith.constant 632 : i32
    %mul3A_12 = arith.muli %arg1, %mul3A_11 : i32
    %mul3A_13 = arith.constant 632 : i32
    %mul3A_14 = arith.muli %arg1, %mul3A_13 : i32
    "tpu.region"() ({
      %run_scoped3A = tpu.sem_alloc : memref<!tpu.dma_semaphore, #tpu.memory_space<semaphore_mem>>
      %dma_start3A = arith.constant 0 : i32
      %dma_start3A_15 = tpu.memref_slice %arg5[%arg0, %mul3A_14, %dma_start3A] : memref<2x10112x16xf32, #tpu.memory_space<hbm>> -> memref<1x632x16xf32, #tpu.memory_space<hbm>>
      %dma_start3A_16 = tpu.memref_squeeze %dma_start3A_15 : memref<1x632x16xf32, #tpu.memory_space<hbm>> -> memref<632x16xf32, #tpu.memory_space<hbm>>
      %dma_start3A_17 = arith.constant 0 : i32
      %dma_start3A_18 = tpu.memref_slice %arg8[%mul3A_12, %dma_start3A_17] : memref<10112x16xf32, #tpu.memory_space<vmem_shared>> -> memref<632x16xf32, #tpu.memory_space<vmem_shared>>
      tpu.enqueue_dma source(%dma_start3A_18 : memref<632x16xf32, #tpu.memory_space<vmem_shared>>) target(%dma_start3A_16 : memref<632x16xf32, #tpu.memory_space<hbm>>) target_semaphore(%run_scoped3A : memref<!tpu.dma_semaphore, #tpu.memory_space<semaphore_mem>>)
      %dma_wait3A = arith.constant 0 : i32
      %dma_wait3A_19 = tpu.memref_slice %arg5[%arg0, %mul3A_14, %dma_wait3A] : memref<2x10112x16xf32, #tpu.memory_space<hbm>> -> memref<1x632x16xf32, #tpu.memory_space<hbm>>
      %dma_wait3A_20 = tpu.memref_squeeze %dma_wait3A_19 : memref<1x632x16xf32, #tpu.memory_space<hbm>> -> memref<632x16xf32, #tpu.memory_space<hbm>>
      %dma_wait3A_21 = arith.constant 0 : i32
      %dma_wait3A_22 = tpu.memref_slice %arg8[%mul3A_12, %dma_wait3A_21] : memref<10112x16xf32, #tpu.memory_space<vmem_shared>> -> memref<632x16xf32, #tpu.memory_space<vmem_shared>>
      tpu.wait_dma2 semaphore(%run_scoped3A : memref<!tpu.dma_semaphore, #tpu.memory_space<semaphore_mem>>) src(%dma_wait3A_22 : memref<632x16xf32, #tpu.memory_space<vmem_shared>>) dst(%dma_wait3A_20 : memref<632x16xf32, #tpu.memory_space<hbm>>)
      tpu.yield
    }) : () -> ()
    return
  }
}

#map = affine_map<(d0, d1) -> (0, 0, 0)>
#map1 = affine_map<(d0, d1) -> (0, 0)>
module attributes {stable_mosaic.version = 14 : i64} {
  func.func @k(%arg0: i32, %arg1: i32, %arg2: memref<32x20x512xi32, #tpu.memory_space<hbm>>, %arg3: memref<32x20x512xi32, #tpu.memory_space<hbm>>, %arg4: memref<10000x16xf32, #tpu.memory_space<hbm>>, %arg5: memref<10112x16xf32, #tpu.memory_space<hbm>>, %arg6: memref<2x10112x16xf32, #tpu.memory_space<hbm>>, %arg7: memref<20x512xi32, #tpu.memory_space<vmem>>, %arg8: memref<20x512xi32, #tpu.memory_space<vmem>>, %arg9: memref<4x512x16xf32, #tpu.memory_space<vmem>>, %arg10: memref<10112x16xf32, #tpu.memory_space<vmem_shared>>, %arg11: memref<4x!tpu.dma_semaphore, #tpu.memory_space<semaphore_mem>>, %arg12: memref<4x!tpu.dma_semaphore, #tpu.memory_space<semaphore_mem>>) attributes {dimension_semantics = [#tpu.dimension_semantics<core_parallel>, #tpu.dimension_semantics<subcore_parallel>], iteration_bounds = array<i64: 2, 16>, scalar_prefetch = 0 : i64, scratch_operands = 6 : i64, tpu.core_type = #tpu.core_type<sc_vector_subcore>, window_params = [{transform_indices = #map}, {transform_indices = #map}, {transform_indices = #map1}, {transform_indices = #map1}, {transform_indices = #map}]} {
    %mul3A = arith.constant 16 : i32
    %mul3A_0 = arith.muli %arg0, %mul3A : i32
    %add3A = arith.addi %mul3A_0, %arg1 : i32
    %mul3A_1 = arith.constant 632 : i32
    %mul3A_2 = arith.muli %arg1, %mul3A_1 : i32
    %mul3A_3 = arith.constant 632 : i32
    %mul3A_4 = arith.muli %arg1, %mul3A_3 : i32
    "tpu.region"() ({
      %run_scoped3A = tpu.sem_alloc : memref<!tpu.dma_semaphore, #tpu.memory_space<semaphore_mem>>
      %dma_start3A_73 = arith.constant 0 : i32
      %dma_start3A_74 = tpu.memref_slice %arg10[%mul3A_4, %dma_start3A_73] : memref<10112x16xf32, #tpu.memory_space<vmem_shared>> -> memref<632x16xf32, #tpu.memory_space<vmem_shared>>
      %dma_start3A_75 = arith.constant 0 : i32
      %dma_start3A_76 = tpu.memref_slice %arg5[%mul3A_2, %dma_start3A_75] : memref<10112x16xf32, #tpu.memory_space<hbm>> -> memref<632x16xf32, #tpu.memory_space<hbm>>
      tpu.enqueue_dma source(%dma_start3A_76 : memref<632x16xf32, #tpu.memory_space<hbm>>) target(%dma_start3A_74 : memref<632x16xf32, #tpu.memory_space<vmem_shared>>) target_semaphore(%run_scoped3A : memref<!tpu.dma_semaphore, #tpu.memory_space<semaphore_mem>>)
      %dma_wait3A_77 = arith.constant 0 : i32
      %dma_wait3A_78 = tpu.memref_slice %arg10[%mul3A_4, %dma_wait3A_77] : memref<10112x16xf32, #tpu.memory_space<vmem_shared>> -> memref<632x16xf32, #tpu.memory_space<vmem_shared>>
      %dma_wait3A_79 = arith.constant 0 : i32
      %dma_wait3A_80 = tpu.memref_slice %arg5[%mul3A_2, %dma_wait3A_79] : memref<10112x16xf32, #tpu.memory_space<hbm>> -> memref<632x16xf32, #tpu.memory_space<hbm>>
      tpu.wait_dma2 semaphore(%run_scoped3A : memref<!tpu.dma_semaphore, #tpu.memory_space<semaphore_mem>>) src(%dma_wait3A_80 : memref<632x16xf32, #tpu.memory_space<hbm>>) dst(%dma_wait3A_78 : memref<632x16xf32, #tpu.memory_space<vmem_shared>>)
      tpu.yield
    }) : () -> ()
    "tpu.region"() ({
      %run_scoped3A = tpu.sem_alloc : memref<!tpu.dma_semaphore, #tpu.memory_space<semaphore_mem>>
      %dma_start3A_73 = arith.constant 0 : i32
      %dma_start3A_74 = arith.constant 0 : i32
      %dma_start3A_75 = tpu.memref_slice %arg2[%add3A, %dma_start3A_73, %dma_start3A_74] : memref<32x20x512xi32, #tpu.memory_space<hbm>> -> memref<1x20x512xi32, #tpu.memory_space<hbm>>
      %dma_start3A_76 = tpu.memref_squeeze %dma_start3A_75 : memref<1x20x512xi32, #tpu.memory_space<hbm>> -> memref<20x512xi32, #tpu.memory_space<hbm>>
      %dma_start3A_77 = arith.constant 0 : i32
      %dma_start3A_78 = arith.constant 0 : i32
      %dma_start3A_79 = tpu.memref_slice %arg2[%add3A, %dma_start3A_77, %dma_start3A_78] : memref<32x20x512xi32, #tpu.memory_space<hbm>> -> memref<1x20x512xi32, #tpu.memory_space<hbm>>
      %dma_start3A_80 = tpu.memref_squeeze %dma_start3A_79 : memref<1x20x512xi32, #tpu.memory_space<hbm>> -> memref<20x512xi32, #tpu.memory_space<hbm>>
      tpu.enqueue_dma source(%dma_start3A_80 : memref<20x512xi32, #tpu.memory_space<hbm>>) target(%arg7 : memref<20x512xi32, #tpu.memory_space<vmem>>) target_semaphore(%run_scoped3A : memref<!tpu.dma_semaphore, #tpu.memory_space<semaphore_mem>>)
      %dma_wait3A_81 = arith.constant 0 : i32
      %dma_wait3A_82 = arith.constant 0 : i32
      %dma_wait3A_83 = tpu.memref_slice %arg2[%add3A, %dma_wait3A_81, %dma_wait3A_82] : memref<32x20x512xi32, #tpu.memory_space<hbm>> -> memref<1x20x512xi32, #tpu.memory_space<hbm>>
      %dma_wait3A_84 = tpu.memref_squeeze %dma_wait3A_83 : memref<1x20x512xi32, #tpu.memory_space<hbm>> -> memref<20x512xi32, #tpu.memory_space<hbm>>
      %dma_wait3A_85 = arith.constant 0 : i32
      %dma_wait3A_86 = arith.constant 0 : i32
      %dma_wait3A_87 = tpu.memref_slice %arg2[%add3A, %dma_wait3A_85, %dma_wait3A_86] : memref<32x20x512xi32, #tpu.memory_space<hbm>> -> memref<1x20x512xi32, #tpu.memory_space<hbm>>
      %dma_wait3A_88 = tpu.memref_squeeze %dma_wait3A_87 : memref<1x20x512xi32, #tpu.memory_space<hbm>> -> memref<20x512xi32, #tpu.memory_space<hbm>>
      tpu.wait_dma2 semaphore(%run_scoped3A : memref<!tpu.dma_semaphore, #tpu.memory_space<semaphore_mem>>) src(%dma_wait3A_88 : memref<20x512xi32, #tpu.memory_space<hbm>>) dst(%arg7 : memref<20x512xi32, #tpu.memory_space<vmem>>)
      tpu.yield
    }) : () -> ()
    "tpu.region"() ({
      %run_scoped3A = tpu.sem_alloc : memref<!tpu.dma_semaphore, #tpu.memory_space<semaphore_mem>>
      %dma_start3A_73 = arith.constant 0 : i32
      %dma_start3A_74 = arith.constant 0 : i32
      %dma_start3A_75 = tpu.memref_slice %arg3[%add3A, %dma_start3A_73, %dma_start3A_74] : memref<32x20x512xi32, #tpu.memory_space<hbm>> -> memref<1x20x512xi32, #tpu.memory_space<hbm>>
      %dma_start3A_76 = tpu.memref_squeeze %dma_start3A_75 : memref<1x20x512xi32, #tpu.memory_space<hbm>> -> memref<20x512xi32, #tpu.memory_space<hbm>>
      %dma_start3A_77 = arith.constant 0 : i32
      %dma_start3A_78 = arith.constant 0 : i32
      %dma_start3A_79 = tpu.memref_slice %arg3[%add3A, %dma_start3A_77, %dma_start3A_78] : memref<32x20x512xi32, #tpu.memory_space<hbm>> -> memref<1x20x512xi32, #tpu.memory_space<hbm>>
      %dma_start3A_80 = tpu.memref_squeeze %dma_start3A_79 : memref<1x20x512xi32, #tpu.memory_space<hbm>> -> memref<20x512xi32, #tpu.memory_space<hbm>>
      tpu.enqueue_dma source(%dma_start3A_80 : memref<20x512xi32, #tpu.memory_space<hbm>>) target(%arg8 : memref<20x512xi32, #tpu.memory_space<vmem>>) target_semaphore(%run_scoped3A : memref<!tpu.dma_semaphore, #tpu.memory_space<semaphore_mem>>)
      %dma_wait3A_81 = arith.constant 0 : i32
      %dma_wait3A_82 = arith.constant 0 : i32
      %dma_wait3A_83 = tpu.memref_slice %arg3[%add3A, %dma_wait3A_81, %dma_wait3A_82] : memref<32x20x512xi32, #tpu.memory_space<hbm>> -> memref<1x20x512xi32, #tpu.memory_space<hbm>>
      %dma_wait3A_84 = tpu.memref_squeeze %dma_wait3A_83 : memref<1x20x512xi32, #tpu.memory_space<hbm>> -> memref<20x512xi32, #tpu.memory_space<hbm>>
      %dma_wait3A_85 = arith.constant 0 : i32
      %dma_wait3A_86 = arith.constant 0 : i32
      %dma_wait3A_87 = tpu.memref_slice %arg3[%add3A, %dma_wait3A_85, %dma_wait3A_86] : memref<32x20x512xi32, #tpu.memory_space<hbm>> -> memref<1x20x512xi32, #tpu.memory_space<hbm>>
      %dma_wait3A_88 = tpu.memref_squeeze %dma_wait3A_87 : memref<1x20x512xi32, #tpu.memory_space<hbm>> -> memref<20x512xi32, #tpu.memory_space<hbm>>
      tpu.wait_dma2 semaphore(%run_scoped3A : memref<!tpu.dma_semaphore, #tpu.memory_space<semaphore_mem>>) src(%dma_wait3A_88 : memref<20x512xi32, #tpu.memory_space<hbm>>) dst(%arg8 : memref<20x512xi32, #tpu.memory_space<vmem>>)
      tpu.yield
    }) : () -> ()
    %barrier3A = arith.constant 0 : index
    tpu.barrier barrier_id(%barrier3A)
    %dma_start3A = arith.constant 0 : i32
    %dma_start3A_5 = arith.constant 0 : i32
    %dma_start3A_6 = arith.constant 0 : i32
    %dma_start3A_7 = arith.constant 0 : i32
    %dma_start3A_8 = arith.constant 0 : i32
    %dma_start3A_9 = tpu.memref_slice %arg9[%dma_start3A_5, %dma_start3A_7, %dma_start3A_8] : memref<4x512x16xf32, #tpu.memory_space<vmem>> -> memref<1x512x16xf32, #tpu.memory_space<vmem>>
    %dma_start3A_10 = tpu.memref_squeeze %dma_start3A_9 : memref<1x512x16xf32, #tpu.memory_space<vmem>> -> memref<512x16xf32, #tpu.memory_space<vmem>>
    %dma_start3A_11 = arith.constant 0 : i32
    %dma_start3A_12 = tpu.memref_slice %arg7[%dma_start3A, %dma_start3A_11] : memref<20x512xi32, #tpu.memory_space<vmem>> -> memref<1x512xi32, #tpu.memory_space<vmem>>
    %dma_start3A_13 = tpu.memref_squeeze %dma_start3A_12 : memref<1x512xi32, #tpu.memory_space<vmem>> -> memref<512xi32, #tpu.memory_space<vmem>>
    %dma_start3A_14 = arith.constant 0 : i32
    %dma_start3A_15 = arith.constant 0 : i32
    %dma_start3A_16 = tpu.memref_slice %arg4[%dma_start3A_14, %dma_start3A_15] : memref<10000x16xf32, #tpu.memory_space<hbm>> -> memref<10000x16xf32, #tpu.memory_space<hbm>>
    %dma_start3A_17 = tpu.memref_slice %arg11[%dma_start3A_6] : memref<4x!tpu.dma_semaphore, #tpu.memory_space<semaphore_mem>> -> memref<1x!tpu.dma_semaphore, #tpu.memory_space<semaphore_mem>>
    %dma_start3A_18 = tpu.memref_squeeze %dma_start3A_17 : memref<1x!tpu.dma_semaphore, #tpu.memory_space<semaphore_mem>> -> memref<!tpu.dma_semaphore, #tpu.memory_space<semaphore_mem>>
    tpu.enqueue_indirect_dma source(%dma_start3A_16 : memref<10000x16xf32, #tpu.memory_space<hbm>>) target(%dma_start3A_10 : memref<512x16xf32, #tpu.memory_space<vmem>>) offsets(%dma_start3A_13 : memref<512xi32, #tpu.memory_space<vmem>>) semaphore(%dma_start3A_18 : memref<!tpu.dma_semaphore, #tpu.memory_space<semaphore_mem>>)
    %dma_start3A_19 = arith.constant 1 : i32
    %dma_start3A_20 = arith.constant 1 : i32
    %dma_start3A_21 = arith.constant 1 : i32
    %dma_start3A_22 = arith.constant 0 : i32
    %dma_start3A_23 = arith.constant 0 : i32
    %dma_start3A_24 = tpu.memref_slice %arg9[%dma_start3A_20, %dma_start3A_22, %dma_start3A_23] : memref<4x512x16xf32, #tpu.memory_space<vmem>> -> memref<1x512x16xf32, #tpu.memory_space<vmem>>
    %dma_start3A_25 = tpu.memref_squeeze %dma_start3A_24 : memref<1x512x16xf32, #tpu.memory_space<vmem>> -> memref<512x16xf32, #tpu.memory_space<vmem>>
    %dma_start3A_26 = arith.constant 0 : i32
    %dma_start3A_27 = tpu.memref_slice %arg7[%dma_start3A_19, %dma_start3A_26] : memref<20x512xi32, #tpu.memory_space<vmem>> -> memref<1x512xi32, #tpu.memory_space<vmem>>
    %dma_start3A_28 = tpu.memref_squeeze %dma_start3A_27 : memref<1x512xi32, #tpu.memory_space<vmem>> -> memref<512xi32, #tpu.memory_space<vmem>>
    %dma_start3A_29 = arith.constant 0 : i32
    %dma_start3A_30 = arith.constant 0 : i32
    %dma_start3A_31 = tpu.memref_slice %arg4[%dma_start3A_29, %dma_start3A_30] : memref<10000x16xf32, #tpu.memory_space<hbm>> -> memref<10000x16xf32, #tpu.memory_space<hbm>>
    %dma_start3A_32 = tpu.memref_slice %arg11[%dma_start3A_21] : memref<4x!tpu.dma_semaphore, #tpu.memory_space<semaphore_mem>> -> memref<1x!tpu.dma_semaphore, #tpu.memory_space<semaphore_mem>>
    %dma_start3A_33 = tpu.memref_squeeze %dma_start3A_32 : memref<1x!tpu.dma_semaphore, #tpu.memory_space<semaphore_mem>> -> memref<!tpu.dma_semaphore, #tpu.memory_space<semaphore_mem>>
    tpu.enqueue_indirect_dma source(%dma_start3A_31 : memref<10000x16xf32, #tpu.memory_space<hbm>>) target(%dma_start3A_25 : memref<512x16xf32, #tpu.memory_space<vmem>>) offsets(%dma_start3A_28 : memref<512xi32, #tpu.memory_space<vmem>>) semaphore(%dma_start3A_33 : memref<!tpu.dma_semaphore, #tpu.memory_space<semaphore_mem>>)
    %scan3A = arith.constant 0 : i32
    %scan3A_34 = arith.constant 0 : i32
    %scan3A_35 = arith.constant 5 : i32
    %scan3A_36 = arith.addi %scan3A_34, %scan3A_35 : i32
    %scan3A_37 = arith.constant 1 : i32
    scf.for %scan3A_73 = %scan3A_34 to %scan3A_36 step %scan3A_37  : i32 {
      %mul3A_74 = arith.constant 4 : i32
      %mul3A_75 = arith.muli %scan3A_73, %mul3A_74 : i32
      %add3A_76 = arith.constant 0 : i32
      %add3A_77 = arith.addi %mul3A_75, %add3A_76 : i32
      %dma_wait3A_78 = arith.constant 0 : i32
      %dma_wait3A_79 = arith.constant 0 : i32
      %dma_wait3A_80 = arith.constant 0 : i32
      %dma_wait3A_81 = arith.constant 0 : i32
      %dma_wait3A_82 = tpu.memref_slice %arg9[%dma_wait3A_78, %dma_wait3A_80, %dma_wait3A_81] : memref<4x512x16xf32, #tpu.memory_space<vmem>> -> memref<1x512x16xf32, #tpu.memory_space<vmem>>
      %dma_wait3A_83 = tpu.memref_squeeze %dma_wait3A_82 : memref<1x512x16xf32, #tpu.memory_space<vmem>> -> memref<512x16xf32, #tpu.memory_space<vmem>>
      %dma_wait3A_84 = arith.constant 0 : i32
      %dma_wait3A_85 = tpu.memref_slice %arg7[%add3A_77, %dma_wait3A_84] : memref<20x512xi32, #tpu.memory_space<vmem>> -> memref<1x512xi32, #tpu.memory_space<vmem>>
      %dma_wait3A_86 = tpu.memref_squeeze %dma_wait3A_85 : memref<1x512xi32, #tpu.memory_space<vmem>> -> memref<512xi32, #tpu.memory_space<vmem>>
      %dma_wait3A_87 = arith.constant 0 : i32
      %dma_wait3A_88 = arith.constant 0 : i32
      %dma_wait3A_89 = tpu.memref_slice %arg4[%dma_wait3A_87, %dma_wait3A_88] : memref<10000x16xf32, #tpu.memory_space<hbm>> -> memref<10000x16xf32, #tpu.memory_space<hbm>>
      %dma_wait3A_90 = tpu.memref_slice %arg11[%dma_wait3A_79] : memref<4x!tpu.dma_semaphore, #tpu.memory_space<semaphore_mem>> -> memref<1x!tpu.dma_semaphore, #tpu.memory_space<semaphore_mem>>
      %dma_wait3A_91 = tpu.memref_squeeze %dma_wait3A_90 : memref<1x!tpu.dma_semaphore, #tpu.memory_space<semaphore_mem>> -> memref<!tpu.dma_semaphore, #tpu.memory_space<semaphore_mem>>
      tpu.wait_indirect_dma semaphore(%dma_wait3A_91 : memref<!tpu.dma_semaphore, #tpu.memory_space<semaphore_mem>>) src(%dma_wait3A_89 : memref<10000x16xf32, #tpu.memory_space<hbm>>) dst(%dma_wait3A_83 : memref<512x16xf32, #tpu.memory_space<vmem>>)
      %dma_start3A_92 = arith.constant 0 : i32
      %dma_start3A_93 = arith.constant 0 : i32
      %dma_start3A_94 = arith.constant 0 : i32
      %dma_start3A_95 = arith.constant 0 : i32
      %dma_start3A_96 = tpu.memref_slice %arg9[%dma_start3A_92, %dma_start3A_94, %dma_start3A_95] : memref<4x512x16xf32, #tpu.memory_space<vmem>> -> memref<1x512x16xf32, #tpu.memory_space<vmem>>
      %dma_start3A_97 = tpu.memref_squeeze %dma_start3A_96 : memref<1x512x16xf32, #tpu.memory_space<vmem>> -> memref<512x16xf32, #tpu.memory_space<vmem>>
      %dma_start3A_98 = arith.constant 0 : i32
      %dma_start3A_99 = tpu.memref_slice %arg8[%add3A_77, %dma_start3A_98] : memref<20x512xi32, #tpu.memory_space<vmem>> -> memref<1x512xi32, #tpu.memory_space<vmem>>
      %dma_start3A_100 = tpu.memref_squeeze %dma_start3A_99 : memref<1x512xi32, #tpu.memory_space<vmem>> -> memref<512xi32, #tpu.memory_space<vmem>>
      %dma_start3A_101 = arith.constant 0 : i32
      %dma_start3A_102 = arith.constant 0 : i32
      %dma_start3A_103 = tpu.memref_slice %arg10[%dma_start3A_101, %dma_start3A_102] : memref<10112x16xf32, #tpu.memory_space<vmem_shared>> -> memref<10112x16xf32, #tpu.memory_space<vmem_shared>>
      %dma_start3A_104 = tpu.memref_slice %arg12[%dma_start3A_93] : memref<4x!tpu.dma_semaphore, #tpu.memory_space<semaphore_mem>> -> memref<1x!tpu.dma_semaphore, #tpu.memory_space<semaphore_mem>>
      %dma_start3A_105 = tpu.memref_squeeze %dma_start3A_104 : memref<1x!tpu.dma_semaphore, #tpu.memory_space<semaphore_mem>> -> memref<!tpu.dma_semaphore, #tpu.memory_space<semaphore_mem>>
      tpu.enqueue_indirect_dma source(%dma_start3A_97 : memref<512x16xf32, #tpu.memory_space<vmem>>) target(%dma_start3A_103 : memref<10112x16xf32, #tpu.memory_space<vmem_shared>>) offsets(%dma_start3A_100 : memref<512xi32, #tpu.memory_space<vmem>>) semaphore(%dma_start3A_105 : memref<!tpu.dma_semaphore, #tpu.memory_space<semaphore_mem>>) {add = true}
      %ge3A = arith.constant 2 : i32
      %ge3A_106 = arith.cmpi sge, %add3A_77, %ge3A : i32
      %convert_element_type3A = arith.extui %ge3A_106 : i1 to i32
      %cond3A = arith.constant 0 : i32
      %cond3A_107 = arith.cmpi ne, %convert_element_type3A, %cond3A : i32
      scf.if %cond3A_107 {
        %sub3A = arith.constant 2 : i32
        %sub3A_246 = arith.subi %add3A_77, %sub3A : i32
        %dma_wait3A_247 = arith.constant 2 : i32
        %dma_wait3A_248 = arith.constant 2 : i32
        %dma_wait3A_249 = arith.constant 0 : i32
        %dma_wait3A_250 = arith.constant 0 : i32
        %dma_wait3A_251 = tpu.memref_slice %arg9[%dma_wait3A_247, %dma_wait3A_249, %dma_wait3A_250] : memref<4x512x16xf32, #tpu.memory_space<vmem>> -> memref<1x512x16xf32, #tpu.memory_space<vmem>>
        %dma_wait3A_252 = tpu.memref_squeeze %dma_wait3A_251 : memref<1x512x16xf32, #tpu.memory_space<vmem>> -> memref<512x16xf32, #tpu.memory_space<vmem>>
        %dma_wait3A_253 = arith.constant 0 : i32
        %dma_wait3A_254 = tpu.memref_slice %arg8[%sub3A_246, %dma_wait3A_253] : memref<20x512xi32, #tpu.memory_space<vmem>> -> memref<1x512xi32, #tpu.memory_space<vmem>>
        %dma_wait3A_255 = tpu.memref_squeeze %dma_wait3A_254 : memref<1x512xi32, #tpu.memory_space<vmem>> -> memref<512xi32, #tpu.memory_space<vmem>>
        %dma_wait3A_256 = arith.constant 0 : i32
        %dma_wait3A_257 = arith.constant 0 : i32
        %dma_wait3A_258 = tpu.memref_slice %arg10[%dma_wait3A_256, %dma_wait3A_257] : memref<10112x16xf32, #tpu.memory_space<vmem_shared>> -> memref<10112x16xf32, #tpu.memory_space<vmem_shared>>
        %dma_wait3A_259 = tpu.memref_slice %arg12[%dma_wait3A_248] : memref<4x!tpu.dma_semaphore, #tpu.memory_space<semaphore_mem>> -> memref<1x!tpu.dma_semaphore, #tpu.memory_space<semaphore_mem>>
        %dma_wait3A_260 = tpu.memref_squeeze %dma_wait3A_259 : memref<1x!tpu.dma_semaphore, #tpu.memory_space<semaphore_mem>> -> memref<!tpu.dma_semaphore, #tpu.memory_space<semaphore_mem>>
        tpu.wait_indirect_dma semaphore(%dma_wait3A_260 : memref<!tpu.dma_semaphore, #tpu.memory_space<semaphore_mem>>) src(%dma_wait3A_252 : memref<512x16xf32, #tpu.memory_space<vmem>>) dst(%dma_wait3A_258 : memref<10112x16xf32, #tpu.memory_space<vmem_shared>>)
      } else {
      }
      %add3A_108 = arith.constant 2 : i32
      %add3A_109 = arith.addi %add3A_77, %add3A_108 : i32
      %lt3A = arith.constant 20 : i32
      %lt3A_110 = arith.cmpi slt, %add3A_109, %lt3A : i32
      %convert_element_type3A_111 = arith.extui %lt3A_110 : i1 to i32
      %cond3A_112 = arith.constant 0 : i32
      %cond3A_113 = arith.cmpi ne, %convert_element_type3A_111, %cond3A_112 : i32
      scf.if %cond3A_113 {
        %add3A_246 = arith.constant 2 : i32
        %add3A_247 = arith.addi %add3A_77, %add3A_246 : i32
        %dma_start3A_248 = arith.constant 2 : i32
        %dma_start3A_249 = arith.constant 2 : i32
        %dma_start3A_250 = arith.constant 0 : i32
        %dma_start3A_251 = arith.constant 0 : i32
        %dma_start3A_252 = tpu.memref_slice %arg9[%dma_start3A_248, %dma_start3A_250, %dma_start3A_251] : memref<4x512x16xf32, #tpu.memory_space<vmem>> -> memref<1x512x16xf32, #tpu.memory_space<vmem>>
        %dma_start3A_253 = tpu.memref_squeeze %dma_start3A_252 : memref<1x512x16xf32, #tpu.memory_space<vmem>> -> memref<512x16xf32, #tpu.memory_space<vmem>>
        %dma_start3A_254 = arith.constant 0 : i32
        %dma_start3A_255 = tpu.memref_slice %arg7[%add3A_247, %dma_start3A_254] : memref<20x512xi32, #tpu.memory_space<vmem>> -> memref<1x512xi32, #tpu.memory_space<vmem>>
        %dma_start3A_256 = tpu.memref_squeeze %dma_start3A_255 : memref<1x512xi32, #tpu.memory_space<vmem>> -> memref<512xi32, #tpu.memory_space<vmem>>
        %dma_start3A_257 = arith.constant 0 : i32
        %dma_start3A_258 = arith.constant 0 : i32
        %dma_start3A_259 = tpu.memref_slice %arg4[%dma_start3A_257, %dma_start3A_258] : memref<10000x16xf32, #tpu.memory_space<hbm>> -> memref<10000x16xf32, #tpu.memory_space<hbm>>
        %dma_start3A_260 = tpu.memref_slice %arg11[%dma_start3A_249] : memref<4x!tpu.dma_semaphore, #tpu.memory_space<semaphore_mem>> -> memref<1x!tpu.dma_semaphore, #tpu.memory_space<semaphore_mem>>
        %dma_start3A_261 = tpu.memref_squeeze %dma_start3A_260 : memref<1x!tpu.dma_semaphore, #tpu.memory_space<semaphore_mem>> -> memref<!tpu.dma_semaphore, #tpu.memory_space<semaphore_mem>>
        tpu.enqueue_indirect_dma source(%dma_start3A_259 : memref<10000x16xf32, #tpu.memory_space<hbm>>) target(%dma_start3A_253 : memref<512x16xf32, #tpu.memory_space<vmem>>) offsets(%dma_start3A_256 : memref<512xi32, #tpu.memory_space<vmem>>) semaphore(%dma_start3A_261 : memref<!tpu.dma_semaphore, #tpu.memory_space<semaphore_mem>>)
      } else {
      }
      %mul3A_114 = arith.constant 4 : i32
      %mul3A_115 = arith.muli %scan3A_73, %mul3A_114 : i32
      %add3A_116 = arith.constant 1 : i32
      %add3A_117 = arith.addi %mul3A_115, %add3A_116 : i32
      %dma_wait3A_118 = arith.constant 1 : i32
      %dma_wait3A_119 = arith.constant 1 : i32
      %dma_wait3A_120 = arith.constant 0 : i32
      %dma_wait3A_121 = arith.constant 0 : i32
      %dma_wait3A_122 = tpu.memref_slice %arg9[%dma_wait3A_118, %dma_wait3A_120, %dma_wait3A_121] : memref<4x512x16xf32, #tpu.memory_space<vmem>> -> memref<1x512x16xf32, #tpu.memory_space<vmem>>
      %dma_wait3A_123 = tpu.memref_squeeze %dma_wait3A_122 : memref<1x512x16xf32, #tpu.memory_space<vmem>> -> memref<512x16xf32, #tpu.memory_space<vmem>>
      %dma_wait3A_124 = arith.constant 0 : i32
      %dma_wait3A_125 = tpu.memref_slice %arg7[%add3A_117, %dma_wait3A_124] : memref<20x512xi32, #tpu.memory_space<vmem>> -> memref<1x512xi32, #tpu.memory_space<vmem>>
      %dma_wait3A_126 = tpu.memref_squeeze %dma_wait3A_125 : memref<1x512xi32, #tpu.memory_space<vmem>> -> memref<512xi32, #tpu.memory_space<vmem>>
      %dma_wait3A_127 = arith.constant 0 : i32
      %dma_wait3A_128 = arith.constant 0 : i32
      %dma_wait3A_129 = tpu.memref_slice %arg4[%dma_wait3A_127, %dma_wait3A_128] : memref<10000x16xf32, #tpu.memory_space<hbm>> -> memref<10000x16xf32, #tpu.memory_space<hbm>>
      %dma_wait3A_130 = tpu.memref_slice %arg11[%dma_wait3A_119] : memref<4x!tpu.dma_semaphore, #tpu.memory_space<semaphore_mem>> -> memref<1x!tpu.dma_semaphore, #tpu.memory_space<semaphore_mem>>
      %dma_wait3A_131 = tpu.memref_squeeze %dma_wait3A_130 : memref<1x!tpu.dma_semaphore, #tpu.memory_space<semaphore_mem>> -> memref<!tpu.dma_semaphore, #tpu.memory_space<semaphore_mem>>
      tpu.wait_indirect_dma semaphore(%dma_wait3A_131 : memref<!tpu.dma_semaphore, #tpu.memory_space<semaphore_mem>>) src(%dma_wait3A_129 : memref<10000x16xf32, #tpu.memory_space<hbm>>) dst(%dma_wait3A_123 : memref<512x16xf32, #tpu.memory_space<vmem>>)
      %dma_start3A_132 = arith.constant 1 : i32
      %dma_start3A_133 = arith.constant 1 : i32
      %dma_start3A_134 = arith.constant 0 : i32
      %dma_start3A_135 = arith.constant 0 : i32
      %dma_start3A_136 = tpu.memref_slice %arg9[%dma_start3A_132, %dma_start3A_134, %dma_start3A_135] : memref<4x512x16xf32, #tpu.memory_space<vmem>> -> memref<1x512x16xf32, #tpu.memory_space<vmem>>
      %dma_start3A_137 = tpu.memref_squeeze %dma_start3A_136 : memref<1x512x16xf32, #tpu.memory_space<vmem>> -> memref<512x16xf32, #tpu.memory_space<vmem>>
      %dma_start3A_138 = arith.constant 0 : i32
      %dma_start3A_139 = tpu.memref_slice %arg8[%add3A_117, %dma_start3A_138] : memref<20x512xi32, #tpu.memory_space<vmem>> -> memref<1x512xi32, #tpu.memory_space<vmem>>
      %dma_start3A_140 = tpu.memref_squeeze %dma_start3A_139 : memref<1x512xi32, #tpu.memory_space<vmem>> -> memref<512xi32, #tpu.memory_space<vmem>>
      %dma_start3A_141 = arith.constant 0 : i32
      %dma_start3A_142 = arith.constant 0 : i32
      %dma_start3A_143 = tpu.memref_slice %arg10[%dma_start3A_141, %dma_start3A_142] : memref<10112x16xf32, #tpu.memory_space<vmem_shared>> -> memref<10112x16xf32, #tpu.memory_space<vmem_shared>>
      %dma_start3A_144 = tpu.memref_slice %arg12[%dma_start3A_133] : memref<4x!tpu.dma_semaphore, #tpu.memory_space<semaphore_mem>> -> memref<1x!tpu.dma_semaphore, #tpu.memory_space<semaphore_mem>>
      %dma_start3A_145 = tpu.memref_squeeze %dma_start3A_144 : memref<1x!tpu.dma_semaphore, #tpu.memory_space<semaphore_mem>> -> memref<!tpu.dma_semaphore, #tpu.memory_space<semaphore_mem>>
      tpu.enqueue_indirect_dma source(%dma_start3A_137 : memref<512x16xf32, #tpu.memory_space<vmem>>) target(%dma_start3A_143 : memref<10112x16xf32, #tpu.memory_space<vmem_shared>>) offsets(%dma_start3A_140 : memref<512xi32, #tpu.memory_space<vmem>>) semaphore(%dma_start3A_145 : memref<!tpu.dma_semaphore, #tpu.memory_space<semaphore_mem>>) {add = true}
      %ge3A_146 = arith.constant 2 : i32
      %ge3A_147 = arith.cmpi sge, %add3A_117, %ge3A_146 : i32
      %convert_element_type3A_148 = arith.extui %ge3A_147 : i1 to i32
      %cond3A_149 = arith.constant 0 : i32
      %cond3A_150 = arith.cmpi ne, %convert_element_type3A_148, %cond3A_149 : i32
      scf.if %cond3A_150 {
        %sub3A = arith.constant 2 : i32
        %sub3A_246 = arith.subi %add3A_117, %sub3A : i32
        %dma_wait3A_247 = arith.constant 3 : i32
        %dma_wait3A_248 = arith.constant 3 : i32
        %dma_wait3A_249 = arith.constant 0 : i32
        %dma_wait3A_250 = arith.constant 0 : i32
        %dma_wait3A_251 = tpu.memref_slice %arg9[%dma_wait3A_247, %dma_wait3A_249, %dma_wait3A_250] : memref<4x512x16xf32, #tpu.memory_space<vmem>> -> memref<1x512x16xf32, #tpu.memory_space<vmem>>
        %dma_wait3A_252 = tpu.memref_squeeze %dma_wait3A_251 : memref<1x512x16xf32, #tpu.memory_space<vmem>> -> memref<512x16xf32, #tpu.memory_space<vmem>>
        %dma_wait3A_253 = arith.constant 0 : i32
        %dma_wait3A_254 = tpu.memref_slice %arg8[%sub3A_246, %dma_wait3A_253] : memref<20x512xi32, #tpu.memory_space<vmem>> -> memref<1x512xi32, #tpu.memory_space<vmem>>
        %dma_wait3A_255 = tpu.memref_squeeze %dma_wait3A_254 : memref<1x512xi32, #tpu.memory_space<vmem>> -> memref<512xi32, #tpu.memory_space<vmem>>
        %dma_wait3A_256 = arith.constant 0 : i32
        %dma_wait3A_257 = arith.constant 0 : i32
        %dma_wait3A_258 = tpu.memref_slice %arg10[%dma_wait3A_256, %dma_wait3A_257] : memref<10112x16xf32, #tpu.memory_space<vmem_shared>> -> memref<10112x16xf32, #tpu.memory_space<vmem_shared>>
        %dma_wait3A_259 = tpu.memref_slice %arg12[%dma_wait3A_248] : memref<4x!tpu.dma_semaphore, #tpu.memory_space<semaphore_mem>> -> memref<1x!tpu.dma_semaphore, #tpu.memory_space<semaphore_mem>>
        %dma_wait3A_260 = tpu.memref_squeeze %dma_wait3A_259 : memref<1x!tpu.dma_semaphore, #tpu.memory_space<semaphore_mem>> -> memref<!tpu.dma_semaphore, #tpu.memory_space<semaphore_mem>>
        tpu.wait_indirect_dma semaphore(%dma_wait3A_260 : memref<!tpu.dma_semaphore, #tpu.memory_space<semaphore_mem>>) src(%dma_wait3A_252 : memref<512x16xf32, #tpu.memory_space<vmem>>) dst(%dma_wait3A_258 : memref<10112x16xf32, #tpu.memory_space<vmem_shared>>)
      } else {
      }
      %add3A_151 = arith.constant 2 : i32
      %add3A_152 = arith.addi %add3A_117, %add3A_151 : i32
      %lt3A_153 = arith.constant 20 : i32
      %lt3A_154 = arith.cmpi slt, %add3A_152, %lt3A_153 : i32
      %convert_element_type3A_155 = arith.extui %lt3A_154 : i1 to i32
      %cond3A_156 = arith.constant 0 : i32
      %cond3A_157 = arith.cmpi ne, %convert_element_type3A_155, %cond3A_156 : i32
      scf.if %cond3A_157 {
        %add3A_246 = arith.constant 2 : i32
        %add3A_247 = arith.addi %add3A_117, %add3A_246 : i32
        %dma_start3A_248 = arith.constant 3 : i32
        %dma_start3A_249 = arith.constant 3 : i32
        %dma_start3A_250 = arith.constant 0 : i32
        %dma_start3A_251 = arith.constant 0 : i32
        %dma_start3A_252 = tpu.memref_slice %arg9[%dma_start3A_248, %dma_start3A_250, %dma_start3A_251] : memref<4x512x16xf32, #tpu.memory_space<vmem>> -> memref<1x512x16xf32, #tpu.memory_space<vmem>>
        %dma_start3A_253 = tpu.memref_squeeze %dma_start3A_252 : memref<1x512x16xf32, #tpu.memory_space<vmem>> -> memref<512x16xf32, #tpu.memory_space<vmem>>
        %dma_start3A_254 = arith.constant 0 : i32
        %dma_start3A_255 = tpu.memref_slice %arg7[%add3A_247, %dma_start3A_254] : memref<20x512xi32, #tpu.memory_space<vmem>> -> memref<1x512xi32, #tpu.memory_space<vmem>>
        %dma_start3A_256 = tpu.memref_squeeze %dma_start3A_255 : memref<1x512xi32, #tpu.memory_space<vmem>> -> memref<512xi32, #tpu.memory_space<vmem>>
        %dma_start3A_257 = arith.constant 0 : i32
        %dma_start3A_258 = arith.constant 0 : i32
        %dma_start3A_259 = tpu.memref_slice %arg4[%dma_start3A_257, %dma_start3A_258] : memref<10000x16xf32, #tpu.memory_space<hbm>> -> memref<10000x16xf32, #tpu.memory_space<hbm>>
        %dma_start3A_260 = tpu.memref_slice %arg11[%dma_start3A_249] : memref<4x!tpu.dma_semaphore, #tpu.memory_space<semaphore_mem>> -> memref<1x!tpu.dma_semaphore, #tpu.memory_space<semaphore_mem>>
        %dma_start3A_261 = tpu.memref_squeeze %dma_start3A_260 : memref<1x!tpu.dma_semaphore, #tpu.memory_space<semaphore_mem>> -> memref<!tpu.dma_semaphore, #tpu.memory_space<semaphore_mem>>
        tpu.enqueue_indirect_dma source(%dma_start3A_259 : memref<10000x16xf32, #tpu.memory_space<hbm>>) target(%dma_start3A_253 : memref<512x16xf32, #tpu.memory_space<vmem>>) offsets(%dma_start3A_256 : memref<512xi32, #tpu.memory_space<vmem>>) semaphore(%dma_start3A_261 : memref<!tpu.dma_semaphore, #tpu.memory_space<semaphore_mem>>)
      } else {
      }
      %mul3A_158 = arith.constant 4 : i32
      %mul3A_159 = arith.muli %scan3A_73, %mul3A_158 : i32
      %add3A_160 = arith.constant 2 : i32
      %add3A_161 = arith.addi %mul3A_159, %add3A_160 : i32
      %dma_wait3A_162 = arith.constant 2 : i32
      %dma_wait3A_163 = arith.constant 2 : i32
      %dma_wait3A_164 = arith.constant 0 : i32
      %dma_wait3A_165 = arith.constant 0 : i32
      %dma_wait3A_166 = tpu.memref_slice %arg9[%dma_wait3A_162, %dma_wait3A_164, %dma_wait3A_165] : memref<4x512x16xf32, #tpu.memory_space<vmem>> -> memref<1x512x16xf32, #tpu.memory_space<vmem>>
      %dma_wait3A_167 = tpu.memref_squeeze %dma_wait3A_166 : memref<1x512x16xf32, #tpu.memory_space<vmem>> -> memref<512x16xf32, #tpu.memory_space<vmem>>
      %dma_wait3A_168 = arith.constant 0 : i32
      %dma_wait3A_169 = tpu.memref_slice %arg7[%add3A_161, %dma_wait3A_168] : memref<20x512xi32, #tpu.memory_space<vmem>> -> memref<1x512xi32, #tpu.memory_space<vmem>>
      %dma_wait3A_170 = tpu.memref_squeeze %dma_wait3A_169 : memref<1x512xi32, #tpu.memory_space<vmem>> -> memref<512xi32, #tpu.memory_space<vmem>>
      %dma_wait3A_171 = arith.constant 0 : i32
      %dma_wait3A_172 = arith.constant 0 : i32
      %dma_wait3A_173 = tpu.memref_slice %arg4[%dma_wait3A_171, %dma_wait3A_172] : memref<10000x16xf32, #tpu.memory_space<hbm>> -> memref<10000x16xf32, #tpu.memory_space<hbm>>
      %dma_wait3A_174 = tpu.memref_slice %arg11[%dma_wait3A_163] : memref<4x!tpu.dma_semaphore, #tpu.memory_space<semaphore_mem>> -> memref<1x!tpu.dma_semaphore, #tpu.memory_space<semaphore_mem>>
      %dma_wait3A_175 = tpu.memref_squeeze %dma_wait3A_174 : memref<1x!tpu.dma_semaphore, #tpu.memory_space<semaphore_mem>> -> memref<!tpu.dma_semaphore, #tpu.memory_space<semaphore_mem>>
      tpu.wait_indirect_dma semaphore(%dma_wait3A_175 : memref<!tpu.dma_semaphore, #tpu.memory_space<semaphore_mem>>) src(%dma_wait3A_173 : memref<10000x16xf32, #tpu.memory_space<hbm>>) dst(%dma_wait3A_167 : memref<512x16xf32, #tpu.memory_space<vmem>>)
      %dma_start3A_176 = arith.constant 2 : i32
      %dma_start3A_177 = arith.constant 2 : i32
      %dma_start3A_178 = arith.constant 0 : i32
      %dma_start3A_179 = arith.constant 0 : i32
      %dma_start3A_180 = tpu.memref_slice %arg9[%dma_start3A_176, %dma_start3A_178, %dma_start3A_179] : memref<4x512x16xf32, #tpu.memory_space<vmem>> -> memref<1x512x16xf32, #tpu.memory_space<vmem>>
      %dma_start3A_181 = tpu.memref_squeeze %dma_start3A_180 : memref<1x512x16xf32, #tpu.memory_space<vmem>> -> memref<512x16xf32, #tpu.memory_space<vmem>>
      %dma_start3A_182 = arith.constant 0 : i32
      %dma_start3A_183 = tpu.memref_slice %arg8[%add3A_161, %dma_start3A_182] : memref<20x512xi32, #tpu.memory_space<vmem>> -> memref<1x512xi32, #tpu.memory_space<vmem>>
      %dma_start3A_184 = tpu.memref_squeeze %dma_start3A_183 : memref<1x512xi32, #tpu.memory_space<vmem>> -> memref<512xi32, #tpu.memory_space<vmem>>
      %dma_start3A_185 = arith.constant 0 : i32
      %dma_start3A_186 = arith.constant 0 : i32
      %dma_start3A_187 = tpu.memref_slice %arg10[%dma_start3A_185, %dma_start3A_186] : memref<10112x16xf32, #tpu.memory_space<vmem_shared>> -> memref<10112x16xf32, #tpu.memory_space<vmem_shared>>
      %dma_start3A_188 = tpu.memref_slice %arg12[%dma_start3A_177] : memref<4x!tpu.dma_semaphore, #tpu.memory_space<semaphore_mem>> -> memref<1x!tpu.dma_semaphore, #tpu.memory_space<semaphore_mem>>
      %dma_start3A_189 = tpu.memref_squeeze %dma_start3A_188 : memref<1x!tpu.dma_semaphore, #tpu.memory_space<semaphore_mem>> -> memref<!tpu.dma_semaphore, #tpu.memory_space<semaphore_mem>>
      tpu.enqueue_indirect_dma source(%dma_start3A_181 : memref<512x16xf32, #tpu.memory_space<vmem>>) target(%dma_start3A_187 : memref<10112x16xf32, #tpu.memory_space<vmem_shared>>) offsets(%dma_start3A_184 : memref<512xi32, #tpu.memory_space<vmem>>) semaphore(%dma_start3A_189 : memref<!tpu.dma_semaphore, #tpu.memory_space<semaphore_mem>>) {add = true}
      %ge3A_190 = arith.constant 2 : i32
      %ge3A_191 = arith.cmpi sge, %add3A_161, %ge3A_190 : i32
      %convert_element_type3A_192 = arith.extui %ge3A_191 : i1 to i32
      %cond3A_193 = arith.constant 0 : i32
      %cond3A_194 = arith.cmpi ne, %convert_element_type3A_192, %cond3A_193 : i32
      scf.if %cond3A_194 {
        %sub3A = arith.constant 2 : i32
        %sub3A_246 = arith.subi %add3A_161, %sub3A : i32
        %dma_wait3A_247 = arith.constant 0 : i32
        %dma_wait3A_248 = arith.constant 0 : i32
        %dma_wait3A_249 = arith.constant 0 : i32
        %dma_wait3A_250 = arith.constant 0 : i32
        %dma_wait3A_251 = tpu.memref_slice %arg9[%dma_wait3A_247, %dma_wait3A_249, %dma_wait3A_250] : memref<4x512x16xf32, #tpu.memory_space<vmem>> -> memref<1x512x16xf32, #tpu.memory_space<vmem>>
        %dma_wait3A_252 = tpu.memref_squeeze %dma_wait3A_251 : memref<1x512x16xf32, #tpu.memory_space<vmem>> -> memref<512x16xf32, #tpu.memory_space<vmem>>
        %dma_wait3A_253 = arith.constant 0 : i32
        %dma_wait3A_254 = tpu.memref_slice %arg8[%sub3A_246, %dma_wait3A_253] : memref<20x512xi32, #tpu.memory_space<vmem>> -> memref<1x512xi32, #tpu.memory_space<vmem>>
        %dma_wait3A_255 = tpu.memref_squeeze %dma_wait3A_254 : memref<1x512xi32, #tpu.memory_space<vmem>> -> memref<512xi32, #tpu.memory_space<vmem>>
        %dma_wait3A_256 = arith.constant 0 : i32
        %dma_wait3A_257 = arith.constant 0 : i32
        %dma_wait3A_258 = tpu.memref_slice %arg10[%dma_wait3A_256, %dma_wait3A_257] : memref<10112x16xf32, #tpu.memory_space<vmem_shared>> -> memref<10112x16xf32, #tpu.memory_space<vmem_shared>>
        %dma_wait3A_259 = tpu.memref_slice %arg12[%dma_wait3A_248] : memref<4x!tpu.dma_semaphore, #tpu.memory_space<semaphore_mem>> -> memref<1x!tpu.dma_semaphore, #tpu.memory_space<semaphore_mem>>
        %dma_wait3A_260 = tpu.memref_squeeze %dma_wait3A_259 : memref<1x!tpu.dma_semaphore, #tpu.memory_space<semaphore_mem>> -> memref<!tpu.dma_semaphore, #tpu.memory_space<semaphore_mem>>
        tpu.wait_indirect_dma semaphore(%dma_wait3A_260 : memref<!tpu.dma_semaphore, #tpu.memory_space<semaphore_mem>>) src(%dma_wait3A_252 : memref<512x16xf32, #tpu.memory_space<vmem>>) dst(%dma_wait3A_258 : memref<10112x16xf32, #tpu.memory_space<vmem_shared>>)
      } else {
      }
      %add3A_195 = arith.constant 2 : i32
      %add3A_196 = arith.addi %add3A_161, %add3A_195 : i32
      %lt3A_197 = arith.constant 20 : i32
      %lt3A_198 = arith.cmpi slt, %add3A_196, %lt3A_197 : i32
      %convert_element_type3A_199 = arith.extui %lt3A_198 : i1 to i32
      %cond3A_200 = arith.constant 0 : i32
      %cond3A_201 = arith.cmpi ne, %convert_element_type3A_199, %cond3A_200 : i32
      scf.if %cond3A_201 {
        %add3A_246 = arith.constant 2 : i32
        %add3A_247 = arith.addi %add3A_161, %add3A_246 : i32
        %dma_start3A_248 = arith.constant 0 : i32
        %dma_start3A_249 = arith.constant 0 : i32
        %dma_start3A_250 = arith.constant 0 : i32
        %dma_start3A_251 = arith.constant 0 : i32
        %dma_start3A_252 = tpu.memref_slice %arg9[%dma_start3A_248, %dma_start3A_250, %dma_start3A_251] : memref<4x512x16xf32, #tpu.memory_space<vmem>> -> memref<1x512x16xf32, #tpu.memory_space<vmem>>
        %dma_start3A_253 = tpu.memref_squeeze %dma_start3A_252 : memref<1x512x16xf32, #tpu.memory_space<vmem>> -> memref<512x16xf32, #tpu.memory_space<vmem>>
        %dma_start3A_254 = arith.constant 0 : i32
        %dma_start3A_255 = tpu.memref_slice %arg7[%add3A_247, %dma_start3A_254] : memref<20x512xi32, #tpu.memory_space<vmem>> -> memref<1x512xi32, #tpu.memory_space<vmem>>
        %dma_start3A_256 = tpu.memref_squeeze %dma_start3A_255 : memref<1x512xi32, #tpu.memory_space<vmem>> -> memref<512xi32, #tpu.memory_space<vmem>>
        %dma_start3A_257 = arith.constant 0 : i32
        %dma_start3A_258 = arith.constant 0 : i32
        %dma_start3A_259 = tpu.memref_slice %arg4[%dma_start3A_257, %dma_start3A_258] : memref<10000x16xf32, #tpu.memory_space<hbm>> -> memref<10000x16xf32, #tpu.memory_space<hbm>>
        %dma_start3A_260 = tpu.memref_slice %arg11[%dma_start3A_249] : memref<4x!tpu.dma_semaphore, #tpu.memory_space<semaphore_mem>> -> memref<1x!tpu.dma_semaphore, #tpu.memory_space<semaphore_mem>>
        %dma_start3A_261 = tpu.memref_squeeze %dma_start3A_260 : memref<1x!tpu.dma_semaphore, #tpu.memory_space<semaphore_mem>> -> memref<!tpu.dma_semaphore, #tpu.memory_space<semaphore_mem>>
        tpu.enqueue_indirect_dma source(%dma_start3A_259 : memref<10000x16xf32, #tpu.memory_space<hbm>>) target(%dma_start3A_253 : memref<512x16xf32, #tpu.memory_space<vmem>>) offsets(%dma_start3A_256 : memref<512xi32, #tpu.memory_space<vmem>>) semaphore(%dma_start3A_261 : memref<!tpu.dma_semaphore, #tpu.memory_space<semaphore_mem>>)
      } else {
      }
      %mul3A_202 = arith.constant 4 : i32
      %mul3A_203 = arith.muli %scan3A_73, %mul3A_202 : i32
      %add3A_204 = arith.constant 3 : i32
      %add3A_205 = arith.addi %mul3A_203, %add3A_204 : i32
      %dma_wait3A_206 = arith.constant 3 : i32
      %dma_wait3A_207 = arith.constant 3 : i32
      %dma_wait3A_208 = arith.constant 0 : i32
      %dma_wait3A_209 = arith.constant 0 : i32
      %dma_wait3A_210 = tpu.memref_slice %arg9[%dma_wait3A_206, %dma_wait3A_208, %dma_wait3A_209] : memref<4x512x16xf32, #tpu.memory_space<vmem>> -> memref<1x512x16xf32, #tpu.memory_space<vmem>>
      %dma_wait3A_211 = tpu.memref_squeeze %dma_wait3A_210 : memref<1x512x16xf32, #tpu.memory_space<vmem>> -> memref<512x16xf32, #tpu.memory_space<vmem>>
      %dma_wait3A_212 = arith.constant 0 : i32
      %dma_wait3A_213 = tpu.memref_slice %arg7[%add3A_205, %dma_wait3A_212] : memref<20x512xi32, #tpu.memory_space<vmem>> -> memref<1x512xi32, #tpu.memory_space<vmem>>
      %dma_wait3A_214 = tpu.memref_squeeze %dma_wait3A_213 : memref<1x512xi32, #tpu.memory_space<vmem>> -> memref<512xi32, #tpu.memory_space<vmem>>
      %dma_wait3A_215 = arith.constant 0 : i32
      %dma_wait3A_216 = arith.constant 0 : i32
      %dma_wait3A_217 = tpu.memref_slice %arg4[%dma_wait3A_215, %dma_wait3A_216] : memref<10000x16xf32, #tpu.memory_space<hbm>> -> memref<10000x16xf32, #tpu.memory_space<hbm>>
      %dma_wait3A_218 = tpu.memref_slice %arg11[%dma_wait3A_207] : memref<4x!tpu.dma_semaphore, #tpu.memory_space<semaphore_mem>> -> memref<1x!tpu.dma_semaphore, #tpu.memory_space<semaphore_mem>>
      %dma_wait3A_219 = tpu.memref_squeeze %dma_wait3A_218 : memref<1x!tpu.dma_semaphore, #tpu.memory_space<semaphore_mem>> -> memref<!tpu.dma_semaphore, #tpu.memory_space<semaphore_mem>>
      tpu.wait_indirect_dma semaphore(%dma_wait3A_219 : memref<!tpu.dma_semaphore, #tpu.memory_space<semaphore_mem>>) src(%dma_wait3A_217 : memref<10000x16xf32, #tpu.memory_space<hbm>>) dst(%dma_wait3A_211 : memref<512x16xf32, #tpu.memory_space<vmem>>)
      %dma_start3A_220 = arith.constant 3 : i32
      %dma_start3A_221 = arith.constant 3 : i32
      %dma_start3A_222 = arith.constant 0 : i32
      %dma_start3A_223 = arith.constant 0 : i32
      %dma_start3A_224 = tpu.memref_slice %arg9[%dma_start3A_220, %dma_start3A_222, %dma_start3A_223] : memref<4x512x16xf32, #tpu.memory_space<vmem>> -> memref<1x512x16xf32, #tpu.memory_space<vmem>>
      %dma_start3A_225 = tpu.memref_squeeze %dma_start3A_224 : memref<1x512x16xf32, #tpu.memory_space<vmem>> -> memref<512x16xf32, #tpu.memory_space<vmem>>
      %dma_start3A_226 = arith.constant 0 : i32
      %dma_start3A_227 = tpu.memref_slice %arg8[%add3A_205, %dma_start3A_226] : memref<20x512xi32, #tpu.memory_space<vmem>> -> memref<1x512xi32, #tpu.memory_space<vmem>>
      %dma_start3A_228 = tpu.memref_squeeze %dma_start3A_227 : memref<1x512xi32, #tpu.memory_space<vmem>> -> memref<512xi32, #tpu.memory_space<vmem>>
      %dma_start3A_229 = arith.constant 0 : i32
      %dma_start3A_230 = arith.constant 0 : i32
      %dma_start3A_231 = tpu.memref_slice %arg10[%dma_start3A_229, %dma_start3A_230] : memref<10112x16xf32, #tpu.memory_space<vmem_shared>> -> memref<10112x16xf32, #tpu.memory_space<vmem_shared>>
      %dma_start3A_232 = tpu.memref_slice %arg12[%dma_start3A_221] : memref<4x!tpu.dma_semaphore, #tpu.memory_space<semaphore_mem>> -> memref<1x!tpu.dma_semaphore, #tpu.memory_space<semaphore_mem>>
      %dma_start3A_233 = tpu.memref_squeeze %dma_start3A_232 : memref<1x!tpu.dma_semaphore, #tpu.memory_space<semaphore_mem>> -> memref<!tpu.dma_semaphore, #tpu.memory_space<semaphore_mem>>
      tpu.enqueue_indirect_dma source(%dma_start3A_225 : memref<512x16xf32, #tpu.memory_space<vmem>>) target(%dma_start3A_231 : memref<10112x16xf32, #tpu.memory_space<vmem_shared>>) offsets(%dma_start3A_228 : memref<512xi32, #tpu.memory_space<vmem>>) semaphore(%dma_start3A_233 : memref<!tpu.dma_semaphore, #tpu.memory_space<semaphore_mem>>) {add = true}
      %ge3A_234 = arith.constant 2 : i32
      %ge3A_235 = arith.cmpi sge, %add3A_205, %ge3A_234 : i32
      %convert_element_type3A_236 = arith.extui %ge3A_235 : i1 to i32
      %cond3A_237 = arith.constant 0 : i32
      %cond3A_238 = arith.cmpi ne, %convert_element_type3A_236, %cond3A_237 : i32
      scf.if %cond3A_238 {
        %sub3A = arith.constant 2 : i32
        %sub3A_246 = arith.subi %add3A_205, %sub3A : i32
        %dma_wait3A_247 = arith.constant 1 : i32
        %dma_wait3A_248 = arith.constant 1 : i32
        %dma_wait3A_249 = arith.constant 0 : i32
        %dma_wait3A_250 = arith.constant 0 : i32
        %dma_wait3A_251 = tpu.memref_slice %arg9[%dma_wait3A_247, %dma_wait3A_249, %dma_wait3A_250] : memref<4x512x16xf32, #tpu.memory_space<vmem>> -> memref<1x512x16xf32, #tpu.memory_space<vmem>>
        %dma_wait3A_252 = tpu.memref_squeeze %dma_wait3A_251 : memref<1x512x16xf32, #tpu.memory_space<vmem>> -> memref<512x16xf32, #tpu.memory_space<vmem>>
        %dma_wait3A_253 = arith.constant 0 : i32
        %dma_wait3A_254 = tpu.memref_slice %arg8[%sub3A_246, %dma_wait3A_253] : memref<20x512xi32, #tpu.memory_space<vmem>> -> memref<1x512xi32, #tpu.memory_space<vmem>>
        %dma_wait3A_255 = tpu.memref_squeeze %dma_wait3A_254 : memref<1x512xi32, #tpu.memory_space<vmem>> -> memref<512xi32, #tpu.memory_space<vmem>>
        %dma_wait3A_256 = arith.constant 0 : i32
        %dma_wait3A_257 = arith.constant 0 : i32
        %dma_wait3A_258 = tpu.memref_slice %arg10[%dma_wait3A_256, %dma_wait3A_257] : memref<10112x16xf32, #tpu.memory_space<vmem_shared>> -> memref<10112x16xf32, #tpu.memory_space<vmem_shared>>
        %dma_wait3A_259 = tpu.memref_slice %arg12[%dma_wait3A_248] : memref<4x!tpu.dma_semaphore, #tpu.memory_space<semaphore_mem>> -> memref<1x!tpu.dma_semaphore, #tpu.memory_space<semaphore_mem>>
        %dma_wait3A_260 = tpu.memref_squeeze %dma_wait3A_259 : memref<1x!tpu.dma_semaphore, #tpu.memory_space<semaphore_mem>> -> memref<!tpu.dma_semaphore, #tpu.memory_space<semaphore_mem>>
        tpu.wait_indirect_dma semaphore(%dma_wait3A_260 : memref<!tpu.dma_semaphore, #tpu.memory_space<semaphore_mem>>) src(%dma_wait3A_252 : memref<512x16xf32, #tpu.memory_space<vmem>>) dst(%dma_wait3A_258 : memref<10112x16xf32, #tpu.memory_space<vmem_shared>>)
      } else {
      }
      %add3A_239 = arith.constant 2 : i32
      %add3A_240 = arith.addi %add3A_205, %add3A_239 : i32
      %lt3A_241 = arith.constant 20 : i32
      %lt3A_242 = arith.cmpi slt, %add3A_240, %lt3A_241 : i32
      %convert_element_type3A_243 = arith.extui %lt3A_242 : i1 to i32
      %cond3A_244 = arith.constant 0 : i32
      %cond3A_245 = arith.cmpi ne, %convert_element_type3A_243, %cond3A_244 : i32
      scf.if %cond3A_245 {
        %add3A_246 = arith.constant 2 : i32
        %add3A_247 = arith.addi %add3A_205, %add3A_246 : i32
        %dma_start3A_248 = arith.constant 1 : i32
        %dma_start3A_249 = arith.constant 1 : i32
        %dma_start3A_250 = arith.constant 0 : i32
        %dma_start3A_251 = arith.constant 0 : i32
        %dma_start3A_252 = tpu.memref_slice %arg9[%dma_start3A_248, %dma_start3A_250, %dma_start3A_251] : memref<4x512x16xf32, #tpu.memory_space<vmem>> -> memref<1x512x16xf32, #tpu.memory_space<vmem>>
        %dma_start3A_253 = tpu.memref_squeeze %dma_start3A_252 : memref<1x512x16xf32, #tpu.memory_space<vmem>> -> memref<512x16xf32, #tpu.memory_space<vmem>>
        %dma_start3A_254 = arith.constant 0 : i32
        %dma_start3A_255 = tpu.memref_slice %arg7[%add3A_247, %dma_start3A_254] : memref<20x512xi32, #tpu.memory_space<vmem>> -> memref<1x512xi32, #tpu.memory_space<vmem>>
        %dma_start3A_256 = tpu.memref_squeeze %dma_start3A_255 : memref<1x512xi32, #tpu.memory_space<vmem>> -> memref<512xi32, #tpu.memory_space<vmem>>
        %dma_start3A_257 = arith.constant 0 : i32
        %dma_start3A_258 = arith.constant 0 : i32
        %dma_start3A_259 = tpu.memref_slice %arg4[%dma_start3A_257, %dma_start3A_258] : memref<10000x16xf32, #tpu.memory_space<hbm>> -> memref<10000x16xf32, #tpu.memory_space<hbm>>
        %dma_start3A_260 = tpu.memref_slice %arg11[%dma_start3A_249] : memref<4x!tpu.dma_semaphore, #tpu.memory_space<semaphore_mem>> -> memref<1x!tpu.dma_semaphore, #tpu.memory_space<semaphore_mem>>
        %dma_start3A_261 = tpu.memref_squeeze %dma_start3A_260 : memref<1x!tpu.dma_semaphore, #tpu.memory_space<semaphore_mem>> -> memref<!tpu.dma_semaphore, #tpu.memory_space<semaphore_mem>>
        tpu.enqueue_indirect_dma source(%dma_start3A_259 : memref<10000x16xf32, #tpu.memory_space<hbm>>) target(%dma_start3A_253 : memref<512x16xf32, #tpu.memory_space<vmem>>) offsets(%dma_start3A_256 : memref<512xi32, #tpu.memory_space<vmem>>) semaphore(%dma_start3A_261 : memref<!tpu.dma_semaphore, #tpu.memory_space<semaphore_mem>>)
      } else {
      }
    }
    %scan3A_38 = arith.constant 5 : i32
    %dma_wait3A = arith.constant 2 : i32
    %dma_wait3A_39 = arith.constant 18 : i32
    %dma_wait3A_40 = arith.constant 2 : i32
    %dma_wait3A_41 = arith.constant 0 : i32
    %dma_wait3A_42 = arith.constant 0 : i32
    %dma_wait3A_43 = tpu.memref_slice %arg9[%dma_wait3A, %dma_wait3A_41, %dma_wait3A_42] : memref<4x512x16xf32, #tpu.memory_space<vmem>> -> memref<1x512x16xf32, #tpu.memory_space<vmem>>
    %dma_wait3A_44 = tpu.memref_squeeze %dma_wait3A_43 : memref<1x512x16xf32, #tpu.memory_space<vmem>> -> memref<512x16xf32, #tpu.memory_space<vmem>>
    %dma_wait3A_45 = arith.constant 0 : i32
    %dma_wait3A_46 = tpu.memref_slice %arg8[%dma_wait3A_39, %dma_wait3A_45] : memref<20x512xi32, #tpu.memory_space<vmem>> -> memref<1x512xi32, #tpu.memory_space<vmem>>
    %dma_wait3A_47 = tpu.memref_squeeze %dma_wait3A_46 : memref<1x512xi32, #tpu.memory_space<vmem>> -> memref<512xi32, #tpu.memory_space<vmem>>
    %dma_wait3A_48 = arith.constant 0 : i32
    %dma_wait3A_49 = arith.constant 0 : i32
    %dma_wait3A_50 = tpu.memref_slice %arg10[%dma_wait3A_48, %dma_wait3A_49] : memref<10112x16xf32, #tpu.memory_space<vmem_shared>> -> memref<10112x16xf32, #tpu.memory_space<vmem_shared>>
    %dma_wait3A_51 = tpu.memref_slice %arg12[%dma_wait3A_40] : memref<4x!tpu.dma_semaphore, #tpu.memory_space<semaphore_mem>> -> memref<1x!tpu.dma_semaphore, #tpu.memory_space<semaphore_mem>>
    %dma_wait3A_52 = tpu.memref_squeeze %dma_wait3A_51 : memref<1x!tpu.dma_semaphore, #tpu.memory_space<semaphore_mem>> -> memref<!tpu.dma_semaphore, #tpu.memory_space<semaphore_mem>>
    tpu.wait_indirect_dma semaphore(%dma_wait3A_52 : memref<!tpu.dma_semaphore, #tpu.memory_space<semaphore_mem>>) src(%dma_wait3A_44 : memref<512x16xf32, #tpu.memory_space<vmem>>) dst(%dma_wait3A_50 : memref<10112x16xf32, #tpu.memory_space<vmem_shared>>)
    %dma_wait3A_53 = arith.constant 3 : i32
    %dma_wait3A_54 = arith.constant 19 : i32
    %dma_wait3A_55 = arith.constant 3 : i32
    %dma_wait3A_56 = arith.constant 0 : i32
    %dma_wait3A_57 = arith.constant 0 : i32
    %dma_wait3A_58 = tpu.memref_slice %arg9[%dma_wait3A_53, %dma_wait3A_56, %dma_wait3A_57] : memref<4x512x16xf32, #tpu.memory_space<vmem>> -> memref<1x512x16xf32, #tpu.memory_space<vmem>>
    %dma_wait3A_59 = tpu.memref_squeeze %dma_wait3A_58 : memref<1x512x16xf32, #tpu.memory_space<vmem>> -> memref<512x16xf32, #tpu.memory_space<vmem>>
    %dma_wait3A_60 = arith.constant 0 : i32
    %dma_wait3A_61 = tpu.memref_slice %arg8[%dma_wait3A_54, %dma_wait3A_60] : memref<20x512xi32, #tpu.memory_space<vmem>> -> memref<1x512xi32, #tpu.memory_space<vmem>>
    %dma_wait3A_62 = tpu.memref_squeeze %dma_wait3A_61 : memref<1x512xi32, #tpu.memory_space<vmem>> -> memref<512xi32, #tpu.memory_space<vmem>>
    %dma_wait3A_63 = arith.constant 0 : i32
    %dma_wait3A_64 = arith.constant 0 : i32
    %dma_wait3A_65 = tpu.memref_slice %arg10[%dma_wait3A_63, %dma_wait3A_64] : memref<10112x16xf32, #tpu.memory_space<vmem_shared>> -> memref<10112x16xf32, #tpu.memory_space<vmem_shared>>
    %dma_wait3A_66 = tpu.memref_slice %arg12[%dma_wait3A_55] : memref<4x!tpu.dma_semaphore, #tpu.memory_space<semaphore_mem>> -> memref<1x!tpu.dma_semaphore, #tpu.memory_space<semaphore_mem>>
    %dma_wait3A_67 = tpu.memref_squeeze %dma_wait3A_66 : memref<1x!tpu.dma_semaphore, #tpu.memory_space<semaphore_mem>> -> memref<!tpu.dma_semaphore, #tpu.memory_space<semaphore_mem>>
    tpu.wait_indirect_dma semaphore(%dma_wait3A_67 : memref<!tpu.dma_semaphore, #tpu.memory_space<semaphore_mem>>) src(%dma_wait3A_59 : memref<512x16xf32, #tpu.memory_space<vmem>>) dst(%dma_wait3A_65 : memref<10112x16xf32, #tpu.memory_space<vmem_shared>>)
    %barrier3A_68 = arith.constant 0 : index
    tpu.barrier barrier_id(%barrier3A_68)
    %mul3A_69 = arith.constant 632 : i32
    %mul3A_70 = arith.muli %arg1, %mul3A_69 : i32
    %mul3A_71 = arith.constant 632 : i32
    %mul3A_72 = arith.muli %arg1, %mul3A_71 : i32
    "tpu.region"() ({
      %run_scoped3A = tpu.sem_alloc : memref<!tpu.dma_semaphore, #tpu.memory_space<semaphore_mem>>
      %dma_start3A_73 = arith.constant 0 : i32
      %dma_start3A_74 = tpu.memref_slice %arg6[%arg0, %mul3A_72, %dma_start3A_73] : memref<2x10112x16xf32, #tpu.memory_space<hbm>> -> memref<1x632x16xf32, #tpu.memory_space<hbm>>
      %dma_start3A_75 = tpu.memref_squeeze %dma_start3A_74 : memref<1x632x16xf32, #tpu.memory_space<hbm>> -> memref<632x16xf32, #tpu.memory_space<hbm>>
      %dma_start3A_76 = arith.constant 0 : i32
      %dma_start3A_77 = tpu.memref_slice %arg10[%mul3A_70, %dma_start3A_76] : memref<10112x16xf32, #tpu.memory_space<vmem_shared>> -> memref<632x16xf32, #tpu.memory_space<vmem_shared>>
      tpu.enqueue_dma source(%dma_start3A_77 : memref<632x16xf32, #tpu.memory_space<vmem_shared>>) target(%dma_start3A_75 : memref<632x16xf32, #tpu.memory_space<hbm>>) target_semaphore(%run_scoped3A : memref<!tpu.dma_semaphore, #tpu.memory_space<semaphore_mem>>)
      %dma_wait3A_78 = arith.constant 0 : i32
      %dma_wait3A_79 = tpu.memref_slice %arg6[%arg0, %mul3A_72, %dma_wait3A_78] : memref<2x10112x16xf32, #tpu.memory_space<hbm>> -> memref<1x632x16xf32, #tpu.memory_space<hbm>>
      %dma_wait3A_80 = tpu.memref_squeeze %dma_wait3A_79 : memref<1x632x16xf32, #tpu.memory_space<hbm>> -> memref<632x16xf32, #tpu.memory_space<hbm>>
      %dma_wait3A_81 = arith.constant 0 : i32
      %dma_wait3A_82 = tpu.memref_slice %arg10[%mul3A_70, %dma_wait3A_81] : memref<10112x16xf32, #tpu.memory_space<vmem_shared>> -> memref<632x16xf32, #tpu.memory_space<vmem_shared>>
      tpu.wait_dma2 semaphore(%run_scoped3A : memref<!tpu.dma_semaphore, #tpu.memory_space<semaphore_mem>>) src(%dma_wait3A_82 : memref<632x16xf32, #tpu.memory_space<vmem_shared>>) dst(%dma_wait3A_80 : memref<632x16xf32, #tpu.memory_space<hbm>>)
      tpu.yield
    }) : () -> ()
    return
  }
}

#map = affine_map<(d0, d1) -> (0, 0, 0)>
#map1 = affine_map<(d0, d1) -> (0, 0)>
module attributes {stable_mosaic.version = 14 : i64} {
  func.func @k(%arg0: i32, %arg1: i32, %arg2: memref<32x20x512xi32, #tpu.memory_space<hbm>>, %arg3: memref<32x20x512xi32, #tpu.memory_space<hbm>>, %arg4: memref<10000x16xf32, #tpu.memory_space<hbm>>, %arg5: memref<10112x16xf32, #tpu.memory_space<hbm>>, %arg6: memref<2x10112x16xf32, #tpu.memory_space<hbm>>, %arg7: memref<20x512xi32, #tpu.memory_space<vmem>>, %arg8: memref<20x512xi32, #tpu.memory_space<vmem>>, %arg9: memref<4x512x16xf32, #tpu.memory_space<vmem>>, %arg10: memref<10112x16xf32, #tpu.memory_space<vmem_shared>>, %arg11: memref<4x!tpu.dma_semaphore, #tpu.memory_space<semaphore_mem>>, %arg12: memref<4x!tpu.dma_semaphore, #tpu.memory_space<semaphore_mem>>) attributes {dimension_semantics = [#tpu.dimension_semantics<core_parallel>, #tpu.dimension_semantics<subcore_parallel>], iteration_bounds = array<i64: 2, 16>, scalar_prefetch = 0 : i64, scratch_operands = 6 : i64, tpu.core_type = #tpu.core_type<sc_vector_subcore>, window_params = [{transform_indices = #map}, {transform_indices = #map}, {transform_indices = #map1}, {transform_indices = #map1}, {transform_indices = #map}]} {
    %mul3A = arith.constant 16 : i32
    %mul3A_0 = arith.muli %arg0, %mul3A : i32
    %add3A = arith.addi %mul3A_0, %arg1 : i32
    %mul3A_1 = arith.constant 632 : i32
    %mul3A_2 = arith.muli %arg1, %mul3A_1 : i32
    %mul3A_3 = arith.constant 632 : i32
    %mul3A_4 = arith.muli %arg1, %mul3A_3 : i32
    "tpu.region"() ({
      %run_scoped3A = tpu.sem_alloc : memref<!tpu.dma_semaphore, #tpu.memory_space<semaphore_mem>>
      %dma_start3A_73 = arith.constant 0 : i32
      %dma_start3A_74 = tpu.memref_slice %arg10[%mul3A_4, %dma_start3A_73] : memref<10112x16xf32, #tpu.memory_space<vmem_shared>> -> memref<632x16xf32, #tpu.memory_space<vmem_shared>>
      %dma_start3A_75 = arith.constant 0 : i32
      %dma_start3A_76 = tpu.memref_slice %arg5[%mul3A_2, %dma_start3A_75] : memref<10112x16xf32, #tpu.memory_space<hbm>> -> memref<632x16xf32, #tpu.memory_space<hbm>>
      tpu.enqueue_dma source(%dma_start3A_76 : memref<632x16xf32, #tpu.memory_space<hbm>>) target(%dma_start3A_74 : memref<632x16xf32, #tpu.memory_space<vmem_shared>>) target_semaphore(%run_scoped3A : memref<!tpu.dma_semaphore, #tpu.memory_space<semaphore_mem>>)
      %dma_wait3A_77 = arith.constant 0 : i32
      %dma_wait3A_78 = tpu.memref_slice %arg10[%mul3A_4, %dma_wait3A_77] : memref<10112x16xf32, #tpu.memory_space<vmem_shared>> -> memref<632x16xf32, #tpu.memory_space<vmem_shared>>
      %dma_wait3A_79 = arith.constant 0 : i32
      %dma_wait3A_80 = tpu.memref_slice %arg5[%mul3A_2, %dma_wait3A_79] : memref<10112x16xf32, #tpu.memory_space<hbm>> -> memref<632x16xf32, #tpu.memory_space<hbm>>
      tpu.wait_dma2 semaphore(%run_scoped3A : memref<!tpu.dma_semaphore, #tpu.memory_space<semaphore_mem>>) src(%dma_wait3A_80 : memref<632x16xf32, #tpu.memory_space<hbm>>) dst(%dma_wait3A_78 : memref<632x16xf32, #tpu.memory_space<vmem_shared>>)
      tpu.yield
    }) : () -> ()
    "tpu.region"() ({
      %run_scoped3A = tpu.sem_alloc : memref<!tpu.dma_semaphore, #tpu.memory_space<semaphore_mem>>
      %dma_start3A_73 = arith.constant 0 : i32
      %dma_start3A_74 = arith.constant 0 : i32
      %dma_start3A_75 = tpu.memref_slice %arg2[%add3A, %dma_start3A_73, %dma_start3A_74] : memref<32x20x512xi32, #tpu.memory_space<hbm>> -> memref<1x20x512xi32, #tpu.memory_space<hbm>>
      %dma_start3A_76 = tpu.memref_squeeze %dma_start3A_75 : memref<1x20x512xi32, #tpu.memory_space<hbm>> -> memref<20x512xi32, #tpu.memory_space<hbm>>
      %dma_start3A_77 = arith.constant 0 : i32
      %dma_start3A_78 = arith.constant 0 : i32
      %dma_start3A_79 = tpu.memref_slice %arg2[%add3A, %dma_start3A_77, %dma_start3A_78] : memref<32x20x512xi32, #tpu.memory_space<hbm>> -> memref<1x20x512xi32, #tpu.memory_space<hbm>>
      %dma_start3A_80 = tpu.memref_squeeze %dma_start3A_79 : memref<1x20x512xi32, #tpu.memory_space<hbm>> -> memref<20x512xi32, #tpu.memory_space<hbm>>
      tpu.enqueue_dma source(%dma_start3A_80 : memref<20x512xi32, #tpu.memory_space<hbm>>) target(%arg7 : memref<20x512xi32, #tpu.memory_space<vmem>>) target_semaphore(%run_scoped3A : memref<!tpu.dma_semaphore, #tpu.memory_space<semaphore_mem>>)
      %dma_wait3A_81 = arith.constant 0 : i32
      %dma_wait3A_82 = arith.constant 0 : i32
      %dma_wait3A_83 = tpu.memref_slice %arg2[%add3A, %dma_wait3A_81, %dma_wait3A_82] : memref<32x20x512xi32, #tpu.memory_space<hbm>> -> memref<1x20x512xi32, #tpu.memory_space<hbm>>
      %dma_wait3A_84 = tpu.memref_squeeze %dma_wait3A_83 : memref<1x20x512xi32, #tpu.memory_space<hbm>> -> memref<20x512xi32, #tpu.memory_space<hbm>>
      %dma_wait3A_85 = arith.constant 0 : i32
      %dma_wait3A_86 = arith.constant 0 : i32
      %dma_wait3A_87 = tpu.memref_slice %arg2[%add3A, %dma_wait3A_85, %dma_wait3A_86] : memref<32x20x512xi32, #tpu.memory_space<hbm>> -> memref<1x20x512xi32, #tpu.memory_space<hbm>>
      %dma_wait3A_88 = tpu.memref_squeeze %dma_wait3A_87 : memref<1x20x512xi32, #tpu.memory_space<hbm>> -> memref<20x512xi32, #tpu.memory_space<hbm>>
      tpu.wait_dma2 semaphore(%run_scoped3A : memref<!tpu.dma_semaphore, #tpu.memory_space<semaphore_mem>>) src(%dma_wait3A_88 : memref<20x512xi32, #tpu.memory_space<hbm>>) dst(%arg7 : memref<20x512xi32, #tpu.memory_space<vmem>>)
      tpu.yield
    }) : () -> ()
    "tpu.region"() ({
      %run_scoped3A = tpu.sem_alloc : memref<!tpu.dma_semaphore, #tpu.memory_space<semaphore_mem>>
      %dma_start3A_73 = arith.constant 0 : i32
      %dma_start3A_74 = arith.constant 0 : i32
      %dma_start3A_75 = tpu.memref_slice %arg3[%add3A, %dma_start3A_73, %dma_start3A_74] : memref<32x20x512xi32, #tpu.memory_space<hbm>> -> memref<1x20x512xi32, #tpu.memory_space<hbm>>
      %dma_start3A_76 = tpu.memref_squeeze %dma_start3A_75 : memref<1x20x512xi32, #tpu.memory_space<hbm>> -> memref<20x512xi32, #tpu.memory_space<hbm>>
      %dma_start3A_77 = arith.constant 0 : i32
      %dma_start3A_78 = arith.constant 0 : i32
      %dma_start3A_79 = tpu.memref_slice %arg3[%add3A, %dma_start3A_77, %dma_start3A_78] : memref<32x20x512xi32, #tpu.memory_space<hbm>> -> memref<1x20x512xi32, #tpu.memory_space<hbm>>
      %dma_start3A_80 = tpu.memref_squeeze %dma_start3A_79 : memref<1x20x512xi32, #tpu.memory_space<hbm>> -> memref<20x512xi32, #tpu.memory_space<hbm>>
      tpu.enqueue_dma source(%dma_start3A_80 : memref<20x512xi32, #tpu.memory_space<hbm>>) target(%arg8 : memref<20x512xi32, #tpu.memory_space<vmem>>) target_semaphore(%run_scoped3A : memref<!tpu.dma_semaphore, #tpu.memory_space<semaphore_mem>>)
      %dma_wait3A_81 = arith.constant 0 : i32
      %dma_wait3A_82 = arith.constant 0 : i32
      %dma_wait3A_83 = tpu.memref_slice %arg3[%add3A, %dma_wait3A_81, %dma_wait3A_82] : memref<32x20x512xi32, #tpu.memory_space<hbm>> -> memref<1x20x512xi32, #tpu.memory_space<hbm>>
      %dma_wait3A_84 = tpu.memref_squeeze %dma_wait3A_83 : memref<1x20x512xi32, #tpu.memory_space<hbm>> -> memref<20x512xi32, #tpu.memory_space<hbm>>
      %dma_wait3A_85 = arith.constant 0 : i32
      %dma_wait3A_86 = arith.constant 0 : i32
      %dma_wait3A_87 = tpu.memref_slice %arg3[%add3A, %dma_wait3A_85, %dma_wait3A_86] : memref<32x20x512xi32, #tpu.memory_space<hbm>> -> memref<1x20x512xi32, #tpu.memory_space<hbm>>
      %dma_wait3A_88 = tpu.memref_squeeze %dma_wait3A_87 : memref<1x20x512xi32, #tpu.memory_space<hbm>> -> memref<20x512xi32, #tpu.memory_space<hbm>>
      tpu.wait_dma2 semaphore(%run_scoped3A : memref<!tpu.dma_semaphore, #tpu.memory_space<semaphore_mem>>) src(%dma_wait3A_88 : memref<20x512xi32, #tpu.memory_space<hbm>>) dst(%arg8 : memref<20x512xi32, #tpu.memory_space<vmem>>)
      tpu.yield
    }) : () -> ()
    %barrier3A = arith.constant 0 : index
    tpu.barrier barrier_id(%barrier3A)
    %dma_start3A = arith.constant 0 : i32
    %dma_start3A_5 = arith.constant 0 : i32
    %dma_start3A_6 = arith.constant 0 : i32
    %dma_start3A_7 = arith.constant 0 : i32
    %dma_start3A_8 = arith.constant 0 : i32
    %dma_start3A_9 = tpu.memref_slice %arg9[%dma_start3A_5, %dma_start3A_7, %dma_start3A_8] : memref<4x512x16xf32, #tpu.memory_space<vmem>> -> memref<1x512x16xf32, #tpu.memory_space<vmem>>
    %dma_start3A_10 = tpu.memref_squeeze %dma_start3A_9 : memref<1x512x16xf32, #tpu.memory_space<vmem>> -> memref<512x16xf32, #tpu.memory_space<vmem>>
    %dma_start3A_11 = arith.constant 0 : i32
    %dma_start3A_12 = tpu.memref_slice %arg7[%dma_start3A, %dma_start3A_11] : memref<20x512xi32, #tpu.memory_space<vmem>> -> memref<1x512xi32, #tpu.memory_space<vmem>>
    %dma_start3A_13 = tpu.memref_squeeze %dma_start3A_12 : memref<1x512xi32, #tpu.memory_space<vmem>> -> memref<512xi32, #tpu.memory_space<vmem>>
    %dma_start3A_14 = arith.constant 0 : i32
    %dma_start3A_15 = arith.constant 0 : i32
    %dma_start3A_16 = tpu.memref_slice %arg4[%dma_start3A_14, %dma_start3A_15] : memref<10000x16xf32, #tpu.memory_space<hbm>> -> memref<10000x16xf32, #tpu.memory_space<hbm>>
    %dma_start3A_17 = tpu.memref_slice %arg11[%dma_start3A_6] : memref<4x!tpu.dma_semaphore, #tpu.memory_space<semaphore_mem>> -> memref<1x!tpu.dma_semaphore, #tpu.memory_space<semaphore_mem>>
    %dma_start3A_18 = tpu.memref_squeeze %dma_start3A_17 : memref<1x!tpu.dma_semaphore, #tpu.memory_space<semaphore_mem>> -> memref<!tpu.dma_semaphore, #tpu.memory_space<semaphore_mem>>
    tpu.enqueue_indirect_dma source(%dma_start3A_16 : memref<10000x16xf32, #tpu.memory_space<hbm>>) target(%dma_start3A_10 : memref<512x16xf32, #tpu.memory_space<vmem>>) offsets(%dma_start3A_13 : memref<512xi32, #tpu.memory_space<vmem>>) semaphore(%dma_start3A_18 : memref<!tpu.dma_semaphore, #tpu.memory_space<semaphore_mem>>)
    %dma_start3A_19 = arith.constant 1 : i32
    %dma_start3A_20 = arith.constant 1 : i32
    %dma_start3A_21 = arith.constant 1 : i32
    %dma_start3A_22 = arith.constant 0 : i32
    %dma_start3A_23 = arith.constant 0 : i32
    %dma_start3A_24 = tpu.memref_slice %arg9[%dma_start3A_20, %dma_start3A_22, %dma_start3A_23] : memref<4x512x16xf32, #tpu.memory_space<vmem>> -> memref<1x512x16xf32, #tpu.memory_space<vmem>>
    %dma_start3A_25 = tpu.memref_squeeze %dma_start3A_24 : memref<1x512x16xf32, #tpu.memory_space<vmem>> -> memref<512x16xf32, #tpu.memory_space<vmem>>
    %dma_start3A_26 = arith.constant 0 : i32
    %dma_start3A_27 = tpu.memref_slice %arg7[%dma_start3A_19, %dma_start3A_26] : memref<20x512xi32, #tpu.memory_space<vmem>> -> memref<1x512xi32, #tpu.memory_space<vmem>>
    %dma_start3A_28 = tpu.memref_squeeze %dma_start3A_27 : memref<1x512xi32, #tpu.memory_space<vmem>> -> memref<512xi32, #tpu.memory_space<vmem>>
    %dma_start3A_29 = arith.constant 0 : i32
    %dma_start3A_30 = arith.constant 0 : i32
    %dma_start3A_31 = tpu.memref_slice %arg4[%dma_start3A_29, %dma_start3A_30] : memref<10000x16xf32, #tpu.memory_space<hbm>> -> memref<10000x16xf32, #tpu.memory_space<hbm>>
    %dma_start3A_32 = tpu.memref_slice %arg11[%dma_start3A_21] : memref<4x!tpu.dma_semaphore, #tpu.memory_space<semaphore_mem>> -> memref<1x!tpu.dma_semaphore, #tpu.memory_space<semaphore_mem>>
    %dma_start3A_33 = tpu.memref_squeeze %dma_start3A_32 : memref<1x!tpu.dma_semaphore, #tpu.memory_space<semaphore_mem>> -> memref<!tpu.dma_semaphore, #tpu.memory_space<semaphore_mem>>
    tpu.enqueue_indirect_dma source(%dma_start3A_31 : memref<10000x16xf32, #tpu.memory_space<hbm>>) target(%dma_start3A_25 : memref<512x16xf32, #tpu.memory_space<vmem>>) offsets(%dma_start3A_28 : memref<512xi32, #tpu.memory_space<vmem>>) semaphore(%dma_start3A_33 : memref<!tpu.dma_semaphore, #tpu.memory_space<semaphore_mem>>)
    %scan3A = arith.constant 0 : i32
    %scan3A_34 = arith.constant 0 : i32
    %scan3A_35 = arith.constant 5 : i32
    %scan3A_36 = arith.addi %scan3A_34, %scan3A_35 : i32
    %scan3A_37 = arith.constant 1 : i32
    scf.for %scan3A_73 = %scan3A_34 to %scan3A_36 step %scan3A_37  : i32 {
      %mul3A_74 = arith.constant 4 : i32
      %mul3A_75 = arith.muli %scan3A_73, %mul3A_74 : i32
      %add3A_76 = arith.constant 0 : i32
      %add3A_77 = arith.addi %mul3A_75, %add3A_76 : i32
      %dma_wait3A_78 = arith.constant 0 : i32
      %dma_wait3A_79 = arith.constant 0 : i32
      %dma_wait3A_80 = arith.constant 0 : i32
      %dma_wait3A_81 = arith.constant 0 : i32
      %dma_wait3A_82 = tpu.memref_slice %arg9[%dma_wait3A_78, %dma_wait3A_80, %dma_wait3A_81] : memref<4x512x16xf32, #tpu.memory_space<vmem>> -> memref<1x512x16xf32, #tpu.memory_space<vmem>>
      %dma_wait3A_83 = tpu.memref_squeeze %dma_wait3A_82 : memref<1x512x16xf32, #tpu.memory_space<vmem>> -> memref<512x16xf32, #tpu.memory_space<vmem>>
      %dma_wait3A_84 = arith.constant 0 : i32
      %dma_wait3A_85 = tpu.memref_slice %arg7[%add3A_77, %dma_wait3A_84] : memref<20x512xi32, #tpu.memory_space<vmem>> -> memref<1x512xi32, #tpu.memory_space<vmem>>
      %dma_wait3A_86 = tpu.memref_squeeze %dma_wait3A_85 : memref<1x512xi32, #tpu.memory_space<vmem>> -> memref<512xi32, #tpu.memory_space<vmem>>
      %dma_wait3A_87 = arith.constant 0 : i32
      %dma_wait3A_88 = arith.constant 0 : i32
      %dma_wait3A_89 = tpu.memref_slice %arg4[%dma_wait3A_87, %dma_wait3A_88] : memref<10000x16xf32, #tpu.memory_space<hbm>> -> memref<10000x16xf32, #tpu.memory_space<hbm>>
      %dma_wait3A_90 = tpu.memref_slice %arg11[%dma_wait3A_79] : memref<4x!tpu.dma_semaphore, #tpu.memory_space<semaphore_mem>> -> memref<1x!tpu.dma_semaphore, #tpu.memory_space<semaphore_mem>>
      %dma_wait3A_91 = tpu.memref_squeeze %dma_wait3A_90 : memref<1x!tpu.dma_semaphore, #tpu.memory_space<semaphore_mem>> -> memref<!tpu.dma_semaphore, #tpu.memory_space<semaphore_mem>>
      tpu.wait_indirect_dma semaphore(%dma_wait3A_91 : memref<!tpu.dma_semaphore, #tpu.memory_space<semaphore_mem>>) src(%dma_wait3A_89 : memref<10000x16xf32, #tpu.memory_space<hbm>>) dst(%dma_wait3A_83 : memref<512x16xf32, #tpu.memory_space<vmem>>)
      %dma_start3A_92 = arith.constant 0 : i32
      %dma_start3A_93 = arith.constant 0 : i32
      %dma_start3A_94 = arith.constant 0 : i32
      %dma_start3A_95 = arith.constant 0 : i32
      %dma_start3A_96 = tpu.memref_slice %arg9[%dma_start3A_92, %dma_start3A_94, %dma_start3A_95] : memref<4x512x16xf32, #tpu.memory_space<vmem>> -> memref<1x512x16xf32, #tpu.memory_space<vmem>>
      %dma_start3A_97 = tpu.memref_squeeze %dma_start3A_96 : memref<1x512x16xf32, #tpu.memory_space<vmem>> -> memref<512x16xf32, #tpu.memory_space<vmem>>
      %dma_start3A_98 = arith.constant 0 : i32
      %dma_start3A_99 = tpu.memref_slice %arg8[%add3A_77, %dma_start3A_98] : memref<20x512xi32, #tpu.memory_space<vmem>> -> memref<1x512xi32, #tpu.memory_space<vmem>>
      %dma_start3A_100 = tpu.memref_squeeze %dma_start3A_99 : memref<1x512xi32, #tpu.memory_space<vmem>> -> memref<512xi32, #tpu.memory_space<vmem>>
      %dma_start3A_101 = arith.constant 0 : i32
      %dma_start3A_102 = arith.constant 0 : i32
      %dma_start3A_103 = tpu.memref_slice %arg10[%dma_start3A_101, %dma_start3A_102] : memref<10112x16xf32, #tpu.memory_space<vmem_shared>> -> memref<10112x16xf32, #tpu.memory_space<vmem_shared>>
      %dma_start3A_104 = tpu.memref_slice %arg12[%dma_start3A_93] : memref<4x!tpu.dma_semaphore, #tpu.memory_space<semaphore_mem>> -> memref<1x!tpu.dma_semaphore, #tpu.memory_space<semaphore_mem>>
      %dma_start3A_105 = tpu.memref_squeeze %dma_start3A_104 : memref<1x!tpu.dma_semaphore, #tpu.memory_space<semaphore_mem>> -> memref<!tpu.dma_semaphore, #tpu.memory_space<semaphore_mem>>
      tpu.enqueue_indirect_dma source(%dma_start3A_97 : memref<512x16xf32, #tpu.memory_space<vmem>>) target(%dma_start3A_103 : memref<10112x16xf32, #tpu.memory_space<vmem_shared>>) offsets(%dma_start3A_100 : memref<512xi32, #tpu.memory_space<vmem>>) semaphore(%dma_start3A_105 : memref<!tpu.dma_semaphore, #tpu.memory_space<semaphore_mem>>) {add = true}
      %ge3A = arith.constant 2 : i32
      %ge3A_106 = arith.cmpi sge, %add3A_77, %ge3A : i32
      %convert_element_type3A = arith.extui %ge3A_106 : i1 to i32
      %cond3A = arith.constant 0 : i32
      %cond3A_107 = arith.cmpi ne, %convert_element_type3A, %cond3A : i32
      scf.if %cond3A_107 {
        %sub3A = arith.constant 2 : i32
        %sub3A_246 = arith.subi %add3A_77, %sub3A : i32
        %dma_wait3A_247 = arith.constant 2 : i32
        %dma_wait3A_248 = arith.constant 2 : i32
        %dma_wait3A_249 = arith.constant 0 : i32
        %dma_wait3A_250 = arith.constant 0 : i32
        %dma_wait3A_251 = tpu.memref_slice %arg9[%dma_wait3A_247, %dma_wait3A_249, %dma_wait3A_250] : memref<4x512x16xf32, #tpu.memory_space<vmem>> -> memref<1x512x16xf32, #tpu.memory_space<vmem>>
        %dma_wait3A_252 = tpu.memref_squeeze %dma_wait3A_251 : memref<1x512x16xf32, #tpu.memory_space<vmem>> -> memref<512x16xf32, #tpu.memory_space<vmem>>
        %dma_wait3A_253 = arith.constant 0 : i32
        %dma_wait3A_254 = tpu.memref_slice %arg8[%sub3A_246, %dma_wait3A_253] : memref<20x512xi32, #tpu.memory_space<vmem>> -> memref<1x512xi32, #tpu.memory_space<vmem>>
        %dma_wait3A_255 = tpu.memref_squeeze %dma_wait3A_254 : memref<1x512xi32, #tpu.memory_space<vmem>> -> memref<512xi32, #tpu.memory_space<vmem>>
        %dma_wait3A_256 = arith.constant 0 : i32
        %dma_wait3A_257 = arith.constant 0 : i32
        %dma_wait3A_258 = tpu.memref_slice %arg10[%dma_wait3A_256, %dma_wait3A_257] : memref<10112x16xf32, #tpu.memory_space<vmem_shared>> -> memref<10112x16xf32, #tpu.memory_space<vmem_shared>>
        %dma_wait3A_259 = tpu.memref_slice %arg12[%dma_wait3A_248] : memref<4x!tpu.dma_semaphore, #tpu.memory_space<semaphore_mem>> -> memref<1x!tpu.dma_semaphore, #tpu.memory_space<semaphore_mem>>
        %dma_wait3A_260 = tpu.memref_squeeze %dma_wait3A_259 : memref<1x!tpu.dma_semaphore, #tpu.memory_space<semaphore_mem>> -> memref<!tpu.dma_semaphore, #tpu.memory_space<semaphore_mem>>
        tpu.wait_indirect_dma semaphore(%dma_wait3A_260 : memref<!tpu.dma_semaphore, #tpu.memory_space<semaphore_mem>>) src(%dma_wait3A_252 : memref<512x16xf32, #tpu.memory_space<vmem>>) dst(%dma_wait3A_258 : memref<10112x16xf32, #tpu.memory_space<vmem_shared>>)
      } else {
      }
      %add3A_108 = arith.constant 2 : i32
      %add3A_109 = arith.addi %add3A_77, %add3A_108 : i32
      %lt3A = arith.constant 20 : i32
      %lt3A_110 = arith.cmpi slt, %add3A_109, %lt3A : i32
      %convert_element_type3A_111 = arith.extui %lt3A_110 : i1 to i32
      %cond3A_112 = arith.constant 0 : i32
      %cond3A_113 = arith.cmpi ne, %convert_element_type3A_111, %cond3A_112 : i32
      scf.if %cond3A_113 {
        %add3A_246 = arith.constant 2 : i32
        %add3A_247 = arith.addi %add3A_77, %add3A_246 : i32
        %dma_start3A_248 = arith.constant 2 : i32
        %dma_start3A_249 = arith.constant 2 : i32
        %dma_start3A_250 = arith.constant 0 : i32
        %dma_start3A_251 = arith.constant 0 : i32
        %dma_start3A_252 = tpu.memref_slice %arg9[%dma_start3A_248, %dma_start3A_250, %dma_start3A_251] : memref<4x512x16xf32, #tpu.memory_space<vmem>> -> memref<1x512x16xf32, #tpu.memory_space<vmem>>
        %dma_start3A_253 = tpu.memref_squeeze %dma_start3A_252 : memref<1x512x16xf32, #tpu.memory_space<vmem>> -> memref<512x16xf32, #tpu.memory_space<vmem>>
        %dma_start3A_254 = arith.constant 0 : i32
        %dma_start3A_255 = tpu.memref_slice %arg7[%add3A_247, %dma_start3A_254] : memref<20x512xi32, #tpu.memory_space<vmem>> -> memref<1x512xi32, #tpu.memory_space<vmem>>
        %dma_start3A_256 = tpu.memref_squeeze %dma_start3A_255 : memref<1x512xi32, #tpu.memory_space<vmem>> -> memref<512xi32, #tpu.memory_space<vmem>>
        %dma_start3A_257 = arith.constant 0 : i32
        %dma_start3A_258 = arith.constant 0 : i32
        %dma_start3A_259 = tpu.memref_slice %arg4[%dma_start3A_257, %dma_start3A_258] : memref<10000x16xf32, #tpu.memory_space<hbm>> -> memref<10000x16xf32, #tpu.memory_space<hbm>>
        %dma_start3A_260 = tpu.memref_slice %arg11[%dma_start3A_249] : memref<4x!tpu.dma_semaphore, #tpu.memory_space<semaphore_mem>> -> memref<1x!tpu.dma_semaphore, #tpu.memory_space<semaphore_mem>>
        %dma_start3A_261 = tpu.memref_squeeze %dma_start3A_260 : memref<1x!tpu.dma_semaphore, #tpu.memory_space<semaphore_mem>> -> memref<!tpu.dma_semaphore, #tpu.memory_space<semaphore_mem>>
        tpu.enqueue_indirect_dma source(%dma_start3A_259 : memref<10000x16xf32, #tpu.memory_space<hbm>>) target(%dma_start3A_253 : memref<512x16xf32, #tpu.memory_space<vmem>>) offsets(%dma_start3A_256 : memref<512xi32, #tpu.memory_space<vmem>>) semaphore(%dma_start3A_261 : memref<!tpu.dma_semaphore, #tpu.memory_space<semaphore_mem>>)
      } else {
      }
      %mul3A_114 = arith.constant 4 : i32
      %mul3A_115 = arith.muli %scan3A_73, %mul3A_114 : i32
      %add3A_116 = arith.constant 1 : i32
      %add3A_117 = arith.addi %mul3A_115, %add3A_116 : i32
      %dma_wait3A_118 = arith.constant 1 : i32
      %dma_wait3A_119 = arith.constant 1 : i32
      %dma_wait3A_120 = arith.constant 0 : i32
      %dma_wait3A_121 = arith.constant 0 : i32
      %dma_wait3A_122 = tpu.memref_slice %arg9[%dma_wait3A_118, %dma_wait3A_120, %dma_wait3A_121] : memref<4x512x16xf32, #tpu.memory_space<vmem>> -> memref<1x512x16xf32, #tpu.memory_space<vmem>>
      %dma_wait3A_123 = tpu.memref_squeeze %dma_wait3A_122 : memref<1x512x16xf32, #tpu.memory_space<vmem>> -> memref<512x16xf32, #tpu.memory_space<vmem>>
      %dma_wait3A_124 = arith.constant 0 : i32
      %dma_wait3A_125 = tpu.memref_slice %arg7[%add3A_117, %dma_wait3A_124] : memref<20x512xi32, #tpu.memory_space<vmem>> -> memref<1x512xi32, #tpu.memory_space<vmem>>
      %dma_wait3A_126 = tpu.memref_squeeze %dma_wait3A_125 : memref<1x512xi32, #tpu.memory_space<vmem>> -> memref<512xi32, #tpu.memory_space<vmem>>
      %dma_wait3A_127 = arith.constant 0 : i32
      %dma_wait3A_128 = arith.constant 0 : i32
      %dma_wait3A_129 = tpu.memref_slice %arg4[%dma_wait3A_127, %dma_wait3A_128] : memref<10000x16xf32, #tpu.memory_space<hbm>> -> memref<10000x16xf32, #tpu.memory_space<hbm>>
      %dma_wait3A_130 = tpu.memref_slice %arg11[%dma_wait3A_119] : memref<4x!tpu.dma_semaphore, #tpu.memory_space<semaphore_mem>> -> memref<1x!tpu.dma_semaphore, #tpu.memory_space<semaphore_mem>>
      %dma_wait3A_131 = tpu.memref_squeeze %dma_wait3A_130 : memref<1x!tpu.dma_semaphore, #tpu.memory_space<semaphore_mem>> -> memref<!tpu.dma_semaphore, #tpu.memory_space<semaphore_mem>>
      tpu.wait_indirect_dma semaphore(%dma_wait3A_131 : memref<!tpu.dma_semaphore, #tpu.memory_space<semaphore_mem>>) src(%dma_wait3A_129 : memref<10000x16xf32, #tpu.memory_space<hbm>>) dst(%dma_wait3A_123 : memref<512x16xf32, #tpu.memory_space<vmem>>)
      %dma_start3A_132 = arith.constant 1 : i32
      %dma_start3A_133 = arith.constant 1 : i32
      %dma_start3A_134 = arith.constant 0 : i32
      %dma_start3A_135 = arith.constant 0 : i32
      %dma_start3A_136 = tpu.memref_slice %arg9[%dma_start3A_132, %dma_start3A_134, %dma_start3A_135] : memref<4x512x16xf32, #tpu.memory_space<vmem>> -> memref<1x512x16xf32, #tpu.memory_space<vmem>>
      %dma_start3A_137 = tpu.memref_squeeze %dma_start3A_136 : memref<1x512x16xf32, #tpu.memory_space<vmem>> -> memref<512x16xf32, #tpu.memory_space<vmem>>
      %dma_start3A_138 = arith.constant 0 : i32
      %dma_start3A_139 = tpu.memref_slice %arg8[%add3A_117, %dma_start3A_138] : memref<20x512xi32, #tpu.memory_space<vmem>> -> memref<1x512xi32, #tpu.memory_space<vmem>>
      %dma_start3A_140 = tpu.memref_squeeze %dma_start3A_139 : memref<1x512xi32, #tpu.memory_space<vmem>> -> memref<512xi32, #tpu.memory_space<vmem>>
      %dma_start3A_141 = arith.constant 0 : i32
      %dma_start3A_142 = arith.constant 0 : i32
      %dma_start3A_143 = tpu.memref_slice %arg10[%dma_start3A_141, %dma_start3A_142] : memref<10112x16xf32, #tpu.memory_space<vmem_shared>> -> memref<10112x16xf32, #tpu.memory_space<vmem_shared>>
      %dma_start3A_144 = tpu.memref_slice %arg12[%dma_start3A_133] : memref<4x!tpu.dma_semaphore, #tpu.memory_space<semaphore_mem>> -> memref<1x!tpu.dma_semaphore, #tpu.memory_space<semaphore_mem>>
      %dma_start3A_145 = tpu.memref_squeeze %dma_start3A_144 : memref<1x!tpu.dma_semaphore, #tpu.memory_space<semaphore_mem>> -> memref<!tpu.dma_semaphore, #tpu.memory_space<semaphore_mem>>
      tpu.enqueue_indirect_dma source(%dma_start3A_137 : memref<512x16xf32, #tpu.memory_space<vmem>>) target(%dma_start3A_143 : memref<10112x16xf32, #tpu.memory_space<vmem_shared>>) offsets(%dma_start3A_140 : memref<512xi32, #tpu.memory_space<vmem>>) semaphore(%dma_start3A_145 : memref<!tpu.dma_semaphore, #tpu.memory_space<semaphore_mem>>) {add = true}
      %ge3A_146 = arith.constant 2 : i32
      %ge3A_147 = arith.cmpi sge, %add3A_117, %ge3A_146 : i32
      %convert_element_type3A_148 = arith.extui %ge3A_147 : i1 to i32
      %cond3A_149 = arith.constant 0 : i32
      %cond3A_150 = arith.cmpi ne, %convert_element_type3A_148, %cond3A_149 : i32
      scf.if %cond3A_150 {
        %sub3A = arith.constant 2 : i32
        %sub3A_246 = arith.subi %add3A_117, %sub3A : i32
        %dma_wait3A_247 = arith.constant 3 : i32
        %dma_wait3A_248 = arith.constant 3 : i32
        %dma_wait3A_249 = arith.constant 0 : i32
        %dma_wait3A_250 = arith.constant 0 : i32
        %dma_wait3A_251 = tpu.memref_slice %arg9[%dma_wait3A_247, %dma_wait3A_249, %dma_wait3A_250] : memref<4x512x16xf32, #tpu.memory_space<vmem>> -> memref<1x512x16xf32, #tpu.memory_space<vmem>>
        %dma_wait3A_252 = tpu.memref_squeeze %dma_wait3A_251 : memref<1x512x16xf32, #tpu.memory_space<vmem>> -> memref<512x16xf32, #tpu.memory_space<vmem>>
        %dma_wait3A_253 = arith.constant 0 : i32
        %dma_wait3A_254 = tpu.memref_slice %arg8[%sub3A_246, %dma_wait3A_253] : memref<20x512xi32, #tpu.memory_space<vmem>> -> memref<1x512xi32, #tpu.memory_space<vmem>>
        %dma_wait3A_255 = tpu.memref_squeeze %dma_wait3A_254 : memref<1x512xi32, #tpu.memory_space<vmem>> -> memref<512xi32, #tpu.memory_space<vmem>>
        %dma_wait3A_256 = arith.constant 0 : i32
        %dma_wait3A_257 = arith.constant 0 : i32
        %dma_wait3A_258 = tpu.memref_slice %arg10[%dma_wait3A_256, %dma_wait3A_257] : memref<10112x16xf32, #tpu.memory_space<vmem_shared>> -> memref<10112x16xf32, #tpu.memory_space<vmem_shared>>
        %dma_wait3A_259 = tpu.memref_slice %arg12[%dma_wait3A_248] : memref<4x!tpu.dma_semaphore, #tpu.memory_space<semaphore_mem>> -> memref<1x!tpu.dma_semaphore, #tpu.memory_space<semaphore_mem>>
        %dma_wait3A_260 = tpu.memref_squeeze %dma_wait3A_259 : memref<1x!tpu.dma_semaphore, #tpu.memory_space<semaphore_mem>> -> memref<!tpu.dma_semaphore, #tpu.memory_space<semaphore_mem>>
        tpu.wait_indirect_dma semaphore(%dma_wait3A_260 : memref<!tpu.dma_semaphore, #tpu.memory_space<semaphore_mem>>) src(%dma_wait3A_252 : memref<512x16xf32, #tpu.memory_space<vmem>>) dst(%dma_wait3A_258 : memref<10112x16xf32, #tpu.memory_space<vmem_shared>>)
      } else {
      }
      %add3A_151 = arith.constant 2 : i32
      %add3A_152 = arith.addi %add3A_117, %add3A_151 : i32
      %lt3A_153 = arith.constant 20 : i32
      %lt3A_154 = arith.cmpi slt, %add3A_152, %lt3A_153 : i32
      %convert_element_type3A_155 = arith.extui %lt3A_154 : i1 to i32
      %cond3A_156 = arith.constant 0 : i32
      %cond3A_157 = arith.cmpi ne, %convert_element_type3A_155, %cond3A_156 : i32
      scf.if %cond3A_157 {
        %add3A_246 = arith.constant 2 : i32
        %add3A_247 = arith.addi %add3A_117, %add3A_246 : i32
        %dma_start3A_248 = arith.constant 3 : i32
        %dma_start3A_249 = arith.constant 3 : i32
        %dma_start3A_250 = arith.constant 0 : i32
        %dma_start3A_251 = arith.constant 0 : i32
        %dma_start3A_252 = tpu.memref_slice %arg9[%dma_start3A_248, %dma_start3A_250, %dma_start3A_251] : memref<4x512x16xf32, #tpu.memory_space<vmem>> -> memref<1x512x16xf32, #tpu.memory_space<vmem>>
        %dma_start3A_253 = tpu.memref_squeeze %dma_start3A_252 : memref<1x512x16xf32, #tpu.memory_space<vmem>> -> memref<512x16xf32, #tpu.memory_space<vmem>>
        %dma_start3A_254 = arith.constant 0 : i32
        %dma_start3A_255 = tpu.memref_slice %arg7[%add3A_247, %dma_start3A_254] : memref<20x512xi32, #tpu.memory_space<vmem>> -> memref<1x512xi32, #tpu.memory_space<vmem>>
        %dma_start3A_256 = tpu.memref_squeeze %dma_start3A_255 : memref<1x512xi32, #tpu.memory_space<vmem>> -> memref<512xi32, #tpu.memory_space<vmem>>
        %dma_start3A_257 = arith.constant 0 : i32
        %dma_start3A_258 = arith.constant 0 : i32
        %dma_start3A_259 = tpu.memref_slice %arg4[%dma_start3A_257, %dma_start3A_258] : memref<10000x16xf32, #tpu.memory_space<hbm>> -> memref<10000x16xf32, #tpu.memory_space<hbm>>
        %dma_start3A_260 = tpu.memref_slice %arg11[%dma_start3A_249] : memref<4x!tpu.dma_semaphore, #tpu.memory_space<semaphore_mem>> -> memref<1x!tpu.dma_semaphore, #tpu.memory_space<semaphore_mem>>
        %dma_start3A_261 = tpu.memref_squeeze %dma_start3A_260 : memref<1x!tpu.dma_semaphore, #tpu.memory_space<semaphore_mem>> -> memref<!tpu.dma_semaphore, #tpu.memory_space<semaphore_mem>>
        tpu.enqueue_indirect_dma source(%dma_start3A_259 : memref<10000x16xf32, #tpu.memory_space<hbm>>) target(%dma_start3A_253 : memref<512x16xf32, #tpu.memory_space<vmem>>) offsets(%dma_start3A_256 : memref<512xi32, #tpu.memory_space<vmem>>) semaphore(%dma_start3A_261 : memref<!tpu.dma_semaphore, #tpu.memory_space<semaphore_mem>>)
      } else {
      }
      %mul3A_158 = arith.constant 4 : i32
      %mul3A_159 = arith.muli %scan3A_73, %mul3A_158 : i32
      %add3A_160 = arith.constant 2 : i32
      %add3A_161 = arith.addi %mul3A_159, %add3A_160 : i32
      %dma_wait3A_162 = arith.constant 2 : i32
      %dma_wait3A_163 = arith.constant 2 : i32
      %dma_wait3A_164 = arith.constant 0 : i32
      %dma_wait3A_165 = arith.constant 0 : i32
      %dma_wait3A_166 = tpu.memref_slice %arg9[%dma_wait3A_162, %dma_wait3A_164, %dma_wait3A_165] : memref<4x512x16xf32, #tpu.memory_space<vmem>> -> memref<1x512x16xf32, #tpu.memory_space<vmem>>
      %dma_wait3A_167 = tpu.memref_squeeze %dma_wait3A_166 : memref<1x512x16xf32, #tpu.memory_space<vmem>> -> memref<512x16xf32, #tpu.memory_space<vmem>>
      %dma_wait3A_168 = arith.constant 0 : i32
      %dma_wait3A_169 = tpu.memref_slice %arg7[%add3A_161, %dma_wait3A_168] : memref<20x512xi32, #tpu.memory_space<vmem>> -> memref<1x512xi32, #tpu.memory_space<vmem>>
      %dma_wait3A_170 = tpu.memref_squeeze %dma_wait3A_169 : memref<1x512xi32, #tpu.memory_space<vmem>> -> memref<512xi32, #tpu.memory_space<vmem>>
      %dma_wait3A_171 = arith.constant 0 : i32
      %dma_wait3A_172 = arith.constant 0 : i32
      %dma_wait3A_173 = tpu.memref_slice %arg4[%dma_wait3A_171, %dma_wait3A_172] : memref<10000x16xf32, #tpu.memory_space<hbm>> -> memref<10000x16xf32, #tpu.memory_space<hbm>>
      %dma_wait3A_174 = tpu.memref_slice %arg11[%dma_wait3A_163] : memref<4x!tpu.dma_semaphore, #tpu.memory_space<semaphore_mem>> -> memref<1x!tpu.dma_semaphore, #tpu.memory_space<semaphore_mem>>
      %dma_wait3A_175 = tpu.memref_squeeze %dma_wait3A_174 : memref<1x!tpu.dma_semaphore, #tpu.memory_space<semaphore_mem>> -> memref<!tpu.dma_semaphore, #tpu.memory_space<semaphore_mem>>
      tpu.wait_indirect_dma semaphore(%dma_wait3A_175 : memref<!tpu.dma_semaphore, #tpu.memory_space<semaphore_mem>>) src(%dma_wait3A_173 : memref<10000x16xf32, #tpu.memory_space<hbm>>) dst(%dma_wait3A_167 : memref<512x16xf32, #tpu.memory_space<vmem>>)
      %dma_start3A_176 = arith.constant 2 : i32
      %dma_start3A_177 = arith.constant 2 : i32
      %dma_start3A_178 = arith.constant 0 : i32
      %dma_start3A_179 = arith.constant 0 : i32
      %dma_start3A_180 = tpu.memref_slice %arg9[%dma_start3A_176, %dma_start3A_178, %dma_start3A_179] : memref<4x512x16xf32, #tpu.memory_space<vmem>> -> memref<1x512x16xf32, #tpu.memory_space<vmem>>
      %dma_start3A_181 = tpu.memref_squeeze %dma_start3A_180 : memref<1x512x16xf32, #tpu.memory_space<vmem>> -> memref<512x16xf32, #tpu.memory_space<vmem>>
      %dma_start3A_182 = arith.constant 0 : i32
      %dma_start3A_183 = tpu.memref_slice %arg8[%add3A_161, %dma_start3A_182] : memref<20x512xi32, #tpu.memory_space<vmem>> -> memref<1x512xi32, #tpu.memory_space<vmem>>
      %dma_start3A_184 = tpu.memref_squeeze %dma_start3A_183 : memref<1x512xi32, #tpu.memory_space<vmem>> -> memref<512xi32, #tpu.memory_space<vmem>>
      %dma_start3A_185 = arith.constant 0 : i32
      %dma_start3A_186 = arith.constant 0 : i32
      %dma_start3A_187 = tpu.memref_slice %arg10[%dma_start3A_185, %dma_start3A_186] : memref<10112x16xf32, #tpu.memory_space<vmem_shared>> -> memref<10112x16xf32, #tpu.memory_space<vmem_shared>>
      %dma_start3A_188 = tpu.memref_slice %arg12[%dma_start3A_177] : memref<4x!tpu.dma_semaphore, #tpu.memory_space<semaphore_mem>> -> memref<1x!tpu.dma_semaphore, #tpu.memory_space<semaphore_mem>>
      %dma_start3A_189 = tpu.memref_squeeze %dma_start3A_188 : memref<1x!tpu.dma_semaphore, #tpu.memory_space<semaphore_mem>> -> memref<!tpu.dma_semaphore, #tpu.memory_space<semaphore_mem>>
      tpu.enqueue_indirect_dma source(%dma_start3A_181 : memref<512x16xf32, #tpu.memory_space<vmem>>) target(%dma_start3A_187 : memref<10112x16xf32, #tpu.memory_space<vmem_shared>>) offsets(%dma_start3A_184 : memref<512xi32, #tpu.memory_space<vmem>>) semaphore(%dma_start3A_189 : memref<!tpu.dma_semaphore, #tpu.memory_space<semaphore_mem>>) {add = true}
      %ge3A_190 = arith.constant 2 : i32
      %ge3A_191 = arith.cmpi sge, %add3A_161, %ge3A_190 : i32
      %convert_element_type3A_192 = arith.extui %ge3A_191 : i1 to i32
      %cond3A_193 = arith.constant 0 : i32
      %cond3A_194 = arith.cmpi ne, %convert_element_type3A_192, %cond3A_193 : i32
      scf.if %cond3A_194 {
        %sub3A = arith.constant 2 : i32
        %sub3A_246 = arith.subi %add3A_161, %sub3A : i32
        %dma_wait3A_247 = arith.constant 0 : i32
        %dma_wait3A_248 = arith.constant 0 : i32
        %dma_wait3A_249 = arith.constant 0 : i32
        %dma_wait3A_250 = arith.constant 0 : i32
        %dma_wait3A_251 = tpu.memref_slice %arg9[%dma_wait3A_247, %dma_wait3A_249, %dma_wait3A_250] : memref<4x512x16xf32, #tpu.memory_space<vmem>> -> memref<1x512x16xf32, #tpu.memory_space<vmem>>
        %dma_wait3A_252 = tpu.memref_squeeze %dma_wait3A_251 : memref<1x512x16xf32, #tpu.memory_space<vmem>> -> memref<512x16xf32, #tpu.memory_space<vmem>>
        %dma_wait3A_253 = arith.constant 0 : i32
        %dma_wait3A_254 = tpu.memref_slice %arg8[%sub3A_246, %dma_wait3A_253] : memref<20x512xi32, #tpu.memory_space<vmem>> -> memref<1x512xi32, #tpu.memory_space<vmem>>
        %dma_wait3A_255 = tpu.memref_squeeze %dma_wait3A_254 : memref<1x512xi32, #tpu.memory_space<vmem>> -> memref<512xi32, #tpu.memory_space<vmem>>
        %dma_wait3A_256 = arith.constant 0 : i32
        %dma_wait3A_257 = arith.constant 0 : i32
        %dma_wait3A_258 = tpu.memref_slice %arg10[%dma_wait3A_256, %dma_wait3A_257] : memref<10112x16xf32, #tpu.memory_space<vmem_shared>> -> memref<10112x16xf32, #tpu.memory_space<vmem_shared>>
        %dma_wait3A_259 = tpu.memref_slice %arg12[%dma_wait3A_248] : memref<4x!tpu.dma_semaphore, #tpu.memory_space<semaphore_mem>> -> memref<1x!tpu.dma_semaphore, #tpu.memory_space<semaphore_mem>>
        %dma_wait3A_260 = tpu.memref_squeeze %dma_wait3A_259 : memref<1x!tpu.dma_semaphore, #tpu.memory_space<semaphore_mem>> -> memref<!tpu.dma_semaphore, #tpu.memory_space<semaphore_mem>>
        tpu.wait_indirect_dma semaphore(%dma_wait3A_260 : memref<!tpu.dma_semaphore, #tpu.memory_space<semaphore_mem>>) src(%dma_wait3A_252 : memref<512x16xf32, #tpu.memory_space<vmem>>) dst(%dma_wait3A_258 : memref<10112x16xf32, #tpu.memory_space<vmem_shared>>)
      } else {
      }
      %add3A_195 = arith.constant 2 : i32
      %add3A_196 = arith.addi %add3A_161, %add3A_195 : i32
      %lt3A_197 = arith.constant 20 : i32
      %lt3A_198 = arith.cmpi slt, %add3A_196, %lt3A_197 : i32
      %convert_element_type3A_199 = arith.extui %lt3A_198 : i1 to i32
      %cond3A_200 = arith.constant 0 : i32
      %cond3A_201 = arith.cmpi ne, %convert_element_type3A_199, %cond3A_200 : i32
      scf.if %cond3A_201 {
        %add3A_246 = arith.constant 2 : i32
        %add3A_247 = arith.addi %add3A_161, %add3A_246 : i32
        %dma_start3A_248 = arith.constant 0 : i32
        %dma_start3A_249 = arith.constant 0 : i32
        %dma_start3A_250 = arith.constant 0 : i32
        %dma_start3A_251 = arith.constant 0 : i32
        %dma_start3A_252 = tpu.memref_slice %arg9[%dma_start3A_248, %dma_start3A_250, %dma_start3A_251] : memref<4x512x16xf32, #tpu.memory_space<vmem>> -> memref<1x512x16xf32, #tpu.memory_space<vmem>>
        %dma_start3A_253 = tpu.memref_squeeze %dma_start3A_252 : memref<1x512x16xf32, #tpu.memory_space<vmem>> -> memref<512x16xf32, #tpu.memory_space<vmem>>
        %dma_start3A_254 = arith.constant 0 : i32
        %dma_start3A_255 = tpu.memref_slice %arg7[%add3A_247, %dma_start3A_254] : memref<20x512xi32, #tpu.memory_space<vmem>> -> memref<1x512xi32, #tpu.memory_space<vmem>>
        %dma_start3A_256 = tpu.memref_squeeze %dma_start3A_255 : memref<1x512xi32, #tpu.memory_space<vmem>> -> memref<512xi32, #tpu.memory_space<vmem>>
        %dma_start3A_257 = arith.constant 0 : i32
        %dma_start3A_258 = arith.constant 0 : i32
        %dma_start3A_259 = tpu.memref_slice %arg4[%dma_start3A_257, %dma_start3A_258] : memref<10000x16xf32, #tpu.memory_space<hbm>> -> memref<10000x16xf32, #tpu.memory_space<hbm>>
        %dma_start3A_260 = tpu.memref_slice %arg11[%dma_start3A_249] : memref<4x!tpu.dma_semaphore, #tpu.memory_space<semaphore_mem>> -> memref<1x!tpu.dma_semaphore, #tpu.memory_space<semaphore_mem>>
        %dma_start3A_261 = tpu.memref_squeeze %dma_start3A_260 : memref<1x!tpu.dma_semaphore, #tpu.memory_space<semaphore_mem>> -> memref<!tpu.dma_semaphore, #tpu.memory_space<semaphore_mem>>
        tpu.enqueue_indirect_dma source(%dma_start3A_259 : memref<10000x16xf32, #tpu.memory_space<hbm>>) target(%dma_start3A_253 : memref<512x16xf32, #tpu.memory_space<vmem>>) offsets(%dma_start3A_256 : memref<512xi32, #tpu.memory_space<vmem>>) semaphore(%dma_start3A_261 : memref<!tpu.dma_semaphore, #tpu.memory_space<semaphore_mem>>)
      } else {
      }
      %mul3A_202 = arith.constant 4 : i32
      %mul3A_203 = arith.muli %scan3A_73, %mul3A_202 : i32
      %add3A_204 = arith.constant 3 : i32
      %add3A_205 = arith.addi %mul3A_203, %add3A_204 : i32
      %dma_wait3A_206 = arith.constant 3 : i32
      %dma_wait3A_207 = arith.constant 3 : i32
      %dma_wait3A_208 = arith.constant 0 : i32
      %dma_wait3A_209 = arith.constant 0 : i32
      %dma_wait3A_210 = tpu.memref_slice %arg9[%dma_wait3A_206, %dma_wait3A_208, %dma_wait3A_209] : memref<4x512x16xf32, #tpu.memory_space<vmem>> -> memref<1x512x16xf32, #tpu.memory_space<vmem>>
      %dma_wait3A_211 = tpu.memref_squeeze %dma_wait3A_210 : memref<1x512x16xf32, #tpu.memory_space<vmem>> -> memref<512x16xf32, #tpu.memory_space<vmem>>
      %dma_wait3A_212 = arith.constant 0 : i32
      %dma_wait3A_213 = tpu.memref_slice %arg7[%add3A_205, %dma_wait3A_212] : memref<20x512xi32, #tpu.memory_space<vmem>> -> memref<1x512xi32, #tpu.memory_space<vmem>>
      %dma_wait3A_214 = tpu.memref_squeeze %dma_wait3A_213 : memref<1x512xi32, #tpu.memory_space<vmem>> -> memref<512xi32, #tpu.memory_space<vmem>>
      %dma_wait3A_215 = arith.constant 0 : i32
      %dma_wait3A_216 = arith.constant 0 : i32
      %dma_wait3A_217 = tpu.memref_slice %arg4[%dma_wait3A_215, %dma_wait3A_216] : memref<10000x16xf32, #tpu.memory_space<hbm>> -> memref<10000x16xf32, #tpu.memory_space<hbm>>
      %dma_wait3A_218 = tpu.memref_slice %arg11[%dma_wait3A_207] : memref<4x!tpu.dma_semaphore, #tpu.memory_space<semaphore_mem>> -> memref<1x!tpu.dma_semaphore, #tpu.memory_space<semaphore_mem>>
      %dma_wait3A_219 = tpu.memref_squeeze %dma_wait3A_218 : memref<1x!tpu.dma_semaphore, #tpu.memory_space<semaphore_mem>> -> memref<!tpu.dma_semaphore, #tpu.memory_space<semaphore_mem>>
      tpu.wait_indirect_dma semaphore(%dma_wait3A_219 : memref<!tpu.dma_semaphore, #tpu.memory_space<semaphore_mem>>) src(%dma_wait3A_217 : memref<10000x16xf32, #tpu.memory_space<hbm>>) dst(%dma_wait3A_211 : memref<512x16xf32, #tpu.memory_space<vmem>>)
      %dma_start3A_220 = arith.constant 3 : i32
      %dma_start3A_221 = arith.constant 3 : i32
      %dma_start3A_222 = arith.constant 0 : i32
      %dma_start3A_223 = arith.constant 0 : i32
      %dma_start3A_224 = tpu.memref_slice %arg9[%dma_start3A_220, %dma_start3A_222, %dma_start3A_223] : memref<4x512x16xf32, #tpu.memory_space<vmem>> -> memref<1x512x16xf32, #tpu.memory_space<vmem>>
      %dma_start3A_225 = tpu.memref_squeeze %dma_start3A_224 : memref<1x512x16xf32, #tpu.memory_space<vmem>> -> memref<512x16xf32, #tpu.memory_space<vmem>>
      %dma_start3A_226 = arith.constant 0 : i32
      %dma_start3A_227 = tpu.memref_slice %arg8[%add3A_205, %dma_start3A_226] : memref<20x512xi32, #tpu.memory_space<vmem>> -> memref<1x512xi32, #tpu.memory_space<vmem>>
      %dma_start3A_228 = tpu.memref_squeeze %dma_start3A_227 : memref<1x512xi32, #tpu.memory_space<vmem>> -> memref<512xi32, #tpu.memory_space<vmem>>
      %dma_start3A_229 = arith.constant 0 : i32
      %dma_start3A_230 = arith.constant 0 : i32
      %dma_start3A_231 = tpu.memref_slice %arg10[%dma_start3A_229, %dma_start3A_230] : memref<10112x16xf32, #tpu.memory_space<vmem_shared>> -> memref<10112x16xf32, #tpu.memory_space<vmem_shared>>
      %dma_start3A_232 = tpu.memref_slice %arg12[%dma_start3A_221] : memref<4x!tpu.dma_semaphore, #tpu.memory_space<semaphore_mem>> -> memref<1x!tpu.dma_semaphore, #tpu.memory_space<semaphore_mem>>
      %dma_start3A_233 = tpu.memref_squeeze %dma_start3A_232 : memref<1x!tpu.dma_semaphore, #tpu.memory_space<semaphore_mem>> -> memref<!tpu.dma_semaphore, #tpu.memory_space<semaphore_mem>>
      tpu.enqueue_indirect_dma source(%dma_start3A_225 : memref<512x16xf32, #tpu.memory_space<vmem>>) target(%dma_start3A_231 : memref<10112x16xf32, #tpu.memory_space<vmem_shared>>) offsets(%dma_start3A_228 : memref<512xi32, #tpu.memory_space<vmem>>) semaphore(%dma_start3A_233 : memref<!tpu.dma_semaphore, #tpu.memory_space<semaphore_mem>>) {add = true}
      %ge3A_234 = arith.constant 2 : i32
      %ge3A_235 = arith.cmpi sge, %add3A_205, %ge3A_234 : i32
      %convert_element_type3A_236 = arith.extui %ge3A_235 : i1 to i32
      %cond3A_237 = arith.constant 0 : i32
      %cond3A_238 = arith.cmpi ne, %convert_element_type3A_236, %cond3A_237 : i32
      scf.if %cond3A_238 {
        %sub3A = arith.constant 2 : i32
        %sub3A_246 = arith.subi %add3A_205, %sub3A : i32
        %dma_wait3A_247 = arith.constant 1 : i32
        %dma_wait3A_248 = arith.constant 1 : i32
        %dma_wait3A_249 = arith.constant 0 : i32
        %dma_wait3A_250 = arith.constant 0 : i32
        %dma_wait3A_251 = tpu.memref_slice %arg9[%dma_wait3A_247, %dma_wait3A_249, %dma_wait3A_250] : memref<4x512x16xf32, #tpu.memory_space<vmem>> -> memref<1x512x16xf32, #tpu.memory_space<vmem>>
        %dma_wait3A_252 = tpu.memref_squeeze %dma_wait3A_251 : memref<1x512x16xf32, #tpu.memory_space<vmem>> -> memref<512x16xf32, #tpu.memory_space<vmem>>
        %dma_wait3A_253 = arith.constant 0 : i32
        %dma_wait3A_254 = tpu.memref_slice %arg8[%sub3A_246, %dma_wait3A_253] : memref<20x512xi32, #tpu.memory_space<vmem>> -> memref<1x512xi32, #tpu.memory_space<vmem>>
        %dma_wait3A_255 = tpu.memref_squeeze %dma_wait3A_254 : memref<1x512xi32, #tpu.memory_space<vmem>> -> memref<512xi32, #tpu.memory_space<vmem>>
        %dma_wait3A_256 = arith.constant 0 : i32
        %dma_wait3A_257 = arith.constant 0 : i32
        %dma_wait3A_258 = tpu.memref_slice %arg10[%dma_wait3A_256, %dma_wait3A_257] : memref<10112x16xf32, #tpu.memory_space<vmem_shared>> -> memref<10112x16xf32, #tpu.memory_space<vmem_shared>>
        %dma_wait3A_259 = tpu.memref_slice %arg12[%dma_wait3A_248] : memref<4x!tpu.dma_semaphore, #tpu.memory_space<semaphore_mem>> -> memref<1x!tpu.dma_semaphore, #tpu.memory_space<semaphore_mem>>
        %dma_wait3A_260 = tpu.memref_squeeze %dma_wait3A_259 : memref<1x!tpu.dma_semaphore, #tpu.memory_space<semaphore_mem>> -> memref<!tpu.dma_semaphore, #tpu.memory_space<semaphore_mem>>
        tpu.wait_indirect_dma semaphore(%dma_wait3A_260 : memref<!tpu.dma_semaphore, #tpu.memory_space<semaphore_mem>>) src(%dma_wait3A_252 : memref<512x16xf32, #tpu.memory_space<vmem>>) dst(%dma_wait3A_258 : memref<10112x16xf32, #tpu.memory_space<vmem_shared>>)
      } else {
      }
      %add3A_239 = arith.constant 2 : i32
      %add3A_240 = arith.addi %add3A_205, %add3A_239 : i32
      %lt3A_241 = arith.constant 20 : i32
      %lt3A_242 = arith.cmpi slt, %add3A_240, %lt3A_241 : i32
      %convert_element_type3A_243 = arith.extui %lt3A_242 : i1 to i32
      %cond3A_244 = arith.constant 0 : i32
      %cond3A_245 = arith.cmpi ne, %convert_element_type3A_243, %cond3A_244 : i32
      scf.if %cond3A_245 {
        %add3A_246 = arith.constant 2 : i32
        %add3A_247 = arith.addi %add3A_205, %add3A_246 : i32
        %dma_start3A_248 = arith.constant 1 : i32
        %dma_start3A_249 = arith.constant 1 : i32
        %dma_start3A_250 = arith.constant 0 : i32
        %dma_start3A_251 = arith.constant 0 : i32
        %dma_start3A_252 = tpu.memref_slice %arg9[%dma_start3A_248, %dma_start3A_250, %dma_start3A_251] : memref<4x512x16xf32, #tpu.memory_space<vmem>> -> memref<1x512x16xf32, #tpu.memory_space<vmem>>
        %dma_start3A_253 = tpu.memref_squeeze %dma_start3A_252 : memref<1x512x16xf32, #tpu.memory_space<vmem>> -> memref<512x16xf32, #tpu.memory_space<vmem>>
        %dma_start3A_254 = arith.constant 0 : i32
        %dma_start3A_255 = tpu.memref_slice %arg7[%add3A_247, %dma_start3A_254] : memref<20x512xi32, #tpu.memory_space<vmem>> -> memref<1x512xi32, #tpu.memory_space<vmem>>
        %dma_start3A_256 = tpu.memref_squeeze %dma_start3A_255 : memref<1x512xi32, #tpu.memory_space<vmem>> -> memref<512xi32, #tpu.memory_space<vmem>>
        %dma_start3A_257 = arith.constant 0 : i32
        %dma_start3A_258 = arith.constant 0 : i32
        %dma_start3A_259 = tpu.memref_slice %arg4[%dma_start3A_257, %dma_start3A_258] : memref<10000x16xf32, #tpu.memory_space<hbm>> -> memref<10000x16xf32, #tpu.memory_space<hbm>>
        %dma_start3A_260 = tpu.memref_slice %arg11[%dma_start3A_249] : memref<4x!tpu.dma_semaphore, #tpu.memory_space<semaphore_mem>> -> memref<1x!tpu.dma_semaphore, #tpu.memory_space<semaphore_mem>>
        %dma_start3A_261 = tpu.memref_squeeze %dma_start3A_260 : memref<1x!tpu.dma_semaphore, #tpu.memory_space<semaphore_mem>> -> memref<!tpu.dma_semaphore, #tpu.memory_space<semaphore_mem>>
        tpu.enqueue_indirect_dma source(%dma_start3A_259 : memref<10000x16xf32, #tpu.memory_space<hbm>>) target(%dma_start3A_253 : memref<512x16xf32, #tpu.memory_space<vmem>>) offsets(%dma_start3A_256 : memref<512xi32, #tpu.memory_space<vmem>>) semaphore(%dma_start3A_261 : memref<!tpu.dma_semaphore, #tpu.memory_space<semaphore_mem>>)
      } else {
      }
    }
    %scan3A_38 = arith.constant 5 : i32
    %dma_wait3A = arith.constant 2 : i32
    %dma_wait3A_39 = arith.constant 18 : i32
    %dma_wait3A_40 = arith.constant 2 : i32
    %dma_wait3A_41 = arith.constant 0 : i32
    %dma_wait3A_42 = arith.constant 0 : i32
    %dma_wait3A_43 = tpu.memref_slice %arg9[%dma_wait3A, %dma_wait3A_41, %dma_wait3A_42] : memref<4x512x16xf32, #tpu.memory_space<vmem>> -> memref<1x512x16xf32, #tpu.memory_space<vmem>>
    %dma_wait3A_44 = tpu.memref_squeeze %dma_wait3A_43 : memref<1x512x16xf32, #tpu.memory_space<vmem>> -> memref<512x16xf32, #tpu.memory_space<vmem>>
    %dma_wait3A_45 = arith.constant 0 : i32
    %dma_wait3A_46 = tpu.memref_slice %arg8[%dma_wait3A_39, %dma_wait3A_45] : memref<20x512xi32, #tpu.memory_space<vmem>> -> memref<1x512xi32, #tpu.memory_space<vmem>>
    %dma_wait3A_47 = tpu.memref_squeeze %dma_wait3A_46 : memref<1x512xi32, #tpu.memory_space<vmem>> -> memref<512xi32, #tpu.memory_space<vmem>>
    %dma_wait3A_48 = arith.constant 0 : i32
    %dma_wait3A_49 = arith.constant 0 : i32
    %dma_wait3A_50 = tpu.memref_slice %arg10[%dma_wait3A_48, %dma_wait3A_49] : memref<10112x16xf32, #tpu.memory_space<vmem_shared>> -> memref<10112x16xf32, #tpu.memory_space<vmem_shared>>
    %dma_wait3A_51 = tpu.memref_slice %arg12[%dma_wait3A_40] : memref<4x!tpu.dma_semaphore, #tpu.memory_space<semaphore_mem>> -> memref<1x!tpu.dma_semaphore, #tpu.memory_space<semaphore_mem>>
    %dma_wait3A_52 = tpu.memref_squeeze %dma_wait3A_51 : memref<1x!tpu.dma_semaphore, #tpu.memory_space<semaphore_mem>> -> memref<!tpu.dma_semaphore, #tpu.memory_space<semaphore_mem>>
    tpu.wait_indirect_dma semaphore(%dma_wait3A_52 : memref<!tpu.dma_semaphore, #tpu.memory_space<semaphore_mem>>) src(%dma_wait3A_44 : memref<512x16xf32, #tpu.memory_space<vmem>>) dst(%dma_wait3A_50 : memref<10112x16xf32, #tpu.memory_space<vmem_shared>>)
    %dma_wait3A_53 = arith.constant 3 : i32
    %dma_wait3A_54 = arith.constant 19 : i32
    %dma_wait3A_55 = arith.constant 3 : i32
    %dma_wait3A_56 = arith.constant 0 : i32
    %dma_wait3A_57 = arith.constant 0 : i32
    %dma_wait3A_58 = tpu.memref_slice %arg9[%dma_wait3A_53, %dma_wait3A_56, %dma_wait3A_57] : memref<4x512x16xf32, #tpu.memory_space<vmem>> -> memref<1x512x16xf32, #tpu.memory_space<vmem>>
    %dma_wait3A_59 = tpu.memref_squeeze %dma_wait3A_58 : memref<1x512x16xf32, #tpu.memory_space<vmem>> -> memref<512x16xf32, #tpu.memory_space<vmem>>
    %dma_wait3A_60 = arith.constant 0 : i32
    %dma_wait3A_61 = tpu.memref_slice %arg8[%dma_wait3A_54, %dma_wait3A_60] : memref<20x512xi32, #tpu.memory_space<vmem>> -> memref<1x512xi32, #tpu.memory_space<vmem>>
    %dma_wait3A_62 = tpu.memref_squeeze %dma_wait3A_61 : memref<1x512xi32, #tpu.memory_space<vmem>> -> memref<512xi32, #tpu.memory_space<vmem>>
    %dma_wait3A_63 = arith.constant 0 : i32
    %dma_wait3A_64 = arith.constant 0 : i32
    %dma_wait3A_65 = tpu.memref_slice %arg10[%dma_wait3A_63, %dma_wait3A_64] : memref<10112x16xf32, #tpu.memory_space<vmem_shared>> -> memref<10112x16xf32, #tpu.memory_space<vmem_shared>>
    %dma_wait3A_66 = tpu.memref_slice %arg12[%dma_wait3A_55] : memref<4x!tpu.dma_semaphore, #tpu.memory_space<semaphore_mem>> -> memref<1x!tpu.dma_semaphore, #tpu.memory_space<semaphore_mem>>
    %dma_wait3A_67 = tpu.memref_squeeze %dma_wait3A_66 : memref<1x!tpu.dma_semaphore, #tpu.memory_space<semaphore_mem>> -> memref<!tpu.dma_semaphore, #tpu.memory_space<semaphore_mem>>
    tpu.wait_indirect_dma semaphore(%dma_wait3A_67 : memref<!tpu.dma_semaphore, #tpu.memory_space<semaphore_mem>>) src(%dma_wait3A_59 : memref<512x16xf32, #tpu.memory_space<vmem>>) dst(%dma_wait3A_65 : memref<10112x16xf32, #tpu.memory_space<vmem_shared>>)
    %barrier3A_68 = arith.constant 0 : index
    tpu.barrier barrier_id(%barrier3A_68)
    %mul3A_69 = arith.constant 632 : i32
    %mul3A_70 = arith.muli %arg1, %mul3A_69 : i32
    %mul3A_71 = arith.constant 632 : i32
    %mul3A_72 = arith.muli %arg1, %mul3A_71 : i32
    "tpu.region"() ({
      %run_scoped3A = tpu.sem_alloc : memref<!tpu.dma_semaphore, #tpu.memory_space<semaphore_mem>>
      %dma_start3A_73 = arith.constant 0 : i32
      %dma_start3A_74 = tpu.memref_slice %arg6[%arg0, %mul3A_72, %dma_start3A_73] : memref<2x10112x16xf32, #tpu.memory_space<hbm>> -> memref<1x632x16xf32, #tpu.memory_space<hbm>>
      %dma_start3A_75 = tpu.memref_squeeze %dma_start3A_74 : memref<1x632x16xf32, #tpu.memory_space<hbm>> -> memref<632x16xf32, #tpu.memory_space<hbm>>
      %dma_start3A_76 = arith.constant 0 : i32
      %dma_start3A_77 = tpu.memref_slice %arg10[%mul3A_70, %dma_start3A_76] : memref<10112x16xf32, #tpu.memory_space<vmem_shared>> -> memref<632x16xf32, #tpu.memory_space<vmem_shared>>
      tpu.enqueue_dma source(%dma_start3A_77 : memref<632x16xf32, #tpu.memory_space<vmem_shared>>) target(%dma_start3A_75 : memref<632x16xf32, #tpu.memory_space<hbm>>) target_semaphore(%run_scoped3A : memref<!tpu.dma_semaphore, #tpu.memory_space<semaphore_mem>>)
      %dma_wait3A_78 = arith.constant 0 : i32
      %dma_wait3A_79 = tpu.memref_slice %arg6[%arg0, %mul3A_72, %dma_wait3A_78] : memref<2x10112x16xf32, #tpu.memory_space<hbm>> -> memref<1x632x16xf32, #tpu.memory_space<hbm>>
      %dma_wait3A_80 = tpu.memref_squeeze %dma_wait3A_79 : memref<1x632x16xf32, #tpu.memory_space<hbm>> -> memref<632x16xf32, #tpu.memory_space<hbm>>
      %dma_wait3A_81 = arith.constant 0 : i32
      %dma_wait3A_82 = tpu.memref_slice %arg10[%mul3A_70, %dma_wait3A_81] : memref<10112x16xf32, #tpu.memory_space<vmem_shared>> -> memref<632x16xf32, #tpu.memory_space<vmem_shared>>
      tpu.wait_dma2 semaphore(%run_scoped3A : memref<!tpu.dma_semaphore, #tpu.memory_space<semaphore_mem>>) src(%dma_wait3A_82 : memref<632x16xf32, #tpu.memory_space<vmem_shared>>) dst(%dma_wait3A_80 : memref<632x16xf32, #tpu.memory_space<hbm>>)
      tpu.yield
    }) : () -> ()
    return
  }
}

module attributes {stable_mosaic.version = 14 : i64} {
  func.func @body(%arg0: i32, %arg1: memref<1000x128xf32, #tpu.memory_space<vmem>>, %arg2: memref<128x16xf32, #tpu.memory_space<vmem>>, %arg3: memref<1000x16xf32, #tpu.memory_space<vmem>>) attributes {dimension_semantics = [#tpu.dimension_semantics<arbitrary>], iteration_bounds = array<i64: 10>, scalar_prefetch = 0 : i64, scratch_operands = 0 : i64, tpu.core_type = #tpu.core_type<tc>, window_params = [{transform_indices = @transform_0, window_bounds = array<i64: 1000, 128>}, {pipeline_mode = #tpu.pipeline_mode<synchronous>, transform_indices = @transform_1, window_bounds = array<i64: 128, 16>}, {transform_indices = @transform_2, window_bounds = array<i64: 1000, 16>}]} {
    %get3A = arith.constant 0 : index
    %get3A_0 = arith.constant 0 : index
    %get3A_1 = vector.load %arg1[%get3A, %get3A_0] : memref<1000x128xf32, #tpu.memory_space<vmem>>, vector<1000x128xf32>
    %get3A_2 = arith.constant 0 : index
    %get3A_3 = arith.constant 0 : index
    %get3A_4 = vector.load %arg2[%get3A_2, %get3A_3] : memref<128x16xf32, #tpu.memory_space<vmem>>, vector<128x16xf32>
    %dot_general3A = arith.constant dense<0.000000e+00> : vector<1000x16xf32>
    %dot_general3A_5 = tpu.matmul %get3A_1, %get3A_4, %dot_general3A {dimension_numbers = #tpu.dot_dimension_numbers<[1], [0], [0], [1], [0, 0, 1, 1], [], []>, transpose_lhs_hint = false} : vector<1000x128xf32>, vector<128x16xf32>, vector<1000x16xf32> -> vector<1000x16xf32>
    %swap3A = arith.constant 0 : index
    %swap3A_6 = arith.constant 0 : index
    %swap3A_7 = vector.load %arg3[%swap3A, %swap3A_6] : memref<1000x16xf32, #tpu.memory_space<vmem>>, vector<1000x16xf32>
    tpu.vector_store %arg3[%swap3A, %swap3A_6], %dot_general3A_5 {strides = array<i32>} : memref<1000x16xf32, #tpu.memory_space<vmem>>, vector<1000x16xf32>,
    return
  }
  func.func @transform_0(%arg0: i32) -> (i32, i32) {
    %c0_i32 = arith.constant 0 : i32
    %c0_i32_0 = arith.constant 0 : i32
    return %arg0, %c0_i32 : i32, i32
  }
  func.func @transform_1(%arg0: i32) -> (i32, i32) {
    %c0_i32 = arith.constant 0 : i32
    %c0_i32_0 = arith.constant 0 : i32
    %c0_i32_1 = arith.constant 0 : i32
    return %c0_i32, %c0_i32_0 : i32, i32
  }
  func.func @transform_2(%arg0: i32) -> (i32, i32) {
    %c0_i32 = arith.constant 0 : i32
    %c0_i32_0 = arith.constant 0 : i32
    return %arg0, %c0_i32 : i32, i32
  }
}

module attributes {stable_mosaic.version = 14 : i64} {
  func.func @body(%arg0: i32, %arg1: memref<1000x16xf32, #tpu.memory_space<vmem>>, %arg2: memref<2x1000x16xf32, #tpu.memory_space<vmem>>, %arg3: memref<1000x16xf32, #tpu.memory_space<vmem>>, %arg4: memref<1000x16xf32, #tpu.memory_space<vmem>>) attributes {dimension_semantics = [#tpu.dimension_semantics<arbitrary>], iteration_bounds = array<i64: 10>, scalar_prefetch = 0 : i64, scratch_operands = 0 : i64, tpu.core_type = #tpu.core_type<tc>, window_params = [{transform_indices = @transform_0, window_bounds = array<i64: 1000, 16>}, {transform_indices = @transform_1, window_bounds = array<i64: 2, 1000, 16>}, {transform_indices = @transform_2, window_bounds = array<i64: 1000, 16>}, {transform_indices = @transform_3, window_bounds = array<i64: 1000, 16>}]} {
    %get3A = arith.constant 0 : index
    %get3A_0 = arith.constant 0 : index
    %get3A_1 = arith.constant 0 : index
    %get3A_2 = vector.load %arg2[%get3A, %get3A_0, %get3A_1] : memref<2x1000x16xf32, #tpu.memory_space<vmem>>, vector<1x1000x16xf32>
    %get3A_3 = vector.shape_cast %get3A_2 : vector<1x1000x16xf32> to vector<1000x16xf32>
    %get3A_4 = arith.constant 1 : index
    %get3A_5 = arith.constant 0 : index
    %get3A_6 = arith.constant 0 : index
    %get3A_7 = vector.load %arg2[%get3A_4, %get3A_5, %get3A_6] : memref<2x1000x16xf32, #tpu.memory_space<vmem>>, vector<1x1000x16xf32>
    %get3A_8 = vector.shape_cast %get3A_7 : vector<1x1000x16xf32> to vector<1000x16xf32>
    %add3A = arith.addf %get3A_3, %get3A_8 : vector<1000x16xf32>
    %add3A_9 = arith.constant 1.000000e+00 : f32
    %add3A_10 = vector.broadcast %add3A_9 : f32 to vector<1000x16xf32>
    %add3A_11 = arith.addf %add3A, %add3A_10 : vector<1000x16xf32>
    %rsqrt3A = math.rsqrt %add3A_11 : vector<1000x16xf32>
    %swap3A = arith.constant 0 : index
    %swap3A_12 = arith.constant 0 : index
    %swap3A_13 = vector.load %arg4[%swap3A, %swap3A_12] : memref<1000x16xf32, #tpu.memory_space<vmem>>, vector<1000x16xf32>
    tpu.vector_store %arg4[%swap3A, %swap3A_12], %rsqrt3A {strides = array<i32>} : memref<1000x16xf32, #tpu.memory_space<vmem>>, vector<1000x16xf32>,
    %get3A_14 = arith.constant 0 : index
    %get3A_15 = arith.constant 0 : index
    %get3A_16 = vector.load %arg1[%get3A_14, %get3A_15] : memref<1000x16xf32, #tpu.memory_space<vmem>>, vector<1000x16xf32>
    %mul3A = arith.mulf %get3A_16, %rsqrt3A : vector<1000x16xf32>
    %swap3A_17 = arith.constant 0 : index
    %swap3A_18 = arith.constant 0 : index
    %swap3A_19 = vector.load %arg3[%swap3A_17, %swap3A_18] : memref<1000x16xf32, #tpu.memory_space<vmem>>, vector<1000x16xf32>
    tpu.vector_store %arg3[%swap3A_17, %swap3A_18], %mul3A {strides = array<i32>} : memref<1000x16xf32, #tpu.memory_space<vmem>>, vector<1000x16xf32>,
    return
  }
  func.func @transform_0(%arg0: i32) -> (i32, i32) {
    %c0_i32 = arith.constant 0 : i32
    %c0_i32_0 = arith.constant 0 : i32
    return %arg0, %c0_i32 : i32, i32
  }
  func.func @transform_1(%arg0: i32) -> (i32, i32, i32) {
    %c0_i32 = arith.constant 0 : i32
    %c0_i32_0 = arith.constant 0 : i32
    %c0_i32_1 = arith.constant 0 : i32
    return %c0_i32, %arg0, %c0_i32_0 : i32, i32, i32
  }
  func.func @transform_2(%arg0: i32) -> (i32, i32) {
    %c0_i32 = arith.constant 0 : i32
    %c0_i32_0 = arith.constant 0 : i32
    return %arg0, %c0_i32 : i32, i32
  }
  func.func @transform_3(%arg0: i32) -> (i32, i32) {
    %c0_i32 = arith.constant 0 : i32
    %c0_i32_0 = arith.constant 0 : i32
    return %arg0, %c0_i32 : i32, i32
  }
}

module attributes {stable_mosaic.version = 14 : i64} {
  func.func @body(%arg0: i32, %arg1: memref<2x1000x16xf32, #tpu.memory_space<vmem>>, %arg2: memref<1000x16xf32, #tpu.memory_space<vmem>>, %arg3: memref<1000x16xf32, #tpu.memory_space<vmem>>, %arg4: memref<1x16xf32, #tpu.memory_space<vmem>>, %arg5: memref<1000x16xf32, #tpu.memory_space<vmem>>) attributes {dimension_semantics = [#tpu.dimension_semantics<arbitrary>], iteration_bounds = array<i64: 10>, scalar_prefetch = 0 : i64, scratch_operands = 0 : i64, tpu.core_type = #tpu.core_type<tc>, window_params = [{transform_indices = @transform_0, window_bounds = array<i64: 2, 1000, 16>}, {transform_indices = @transform_1, window_bounds = array<i64: 1000, 16>}, {transform_indices = @transform_2, window_bounds = array<i64: 1000, 16>}, {pipeline_mode = #tpu.pipeline_mode<synchronous>, transform_indices = @transform_3, window_bounds = array<i64: 1, 16>}, {transform_indices = @transform_4, window_bounds = array<i64: 1000, 16>}]} {
    %get3A = arith.constant 0 : index
    %get3A_0 = arith.constant 0 : index
    %get3A_1 = vector.load %arg3[%get3A, %get3A_0] : memref<1000x16xf32, #tpu.memory_space<vmem>>, vector<1000x16xf32>
    %get3A_2 = arith.constant 0 : index
    %get3A_3 = arith.constant 0 : index
    %get3A_4 = arith.constant 0 : index
    %get3A_5 = vector.load %arg1[%get3A_2, %get3A_3, %get3A_4] : memref<2x1000x16xf32, #tpu.memory_space<vmem>>, vector<1x1000x16xf32>
    %get3A_6 = vector.shape_cast %get3A_5 : vector<1x1000x16xf32> to vector<1000x16xf32>
    %get3A_7 = arith.constant 1 : index
    %get3A_8 = arith.constant 0 : index
    %get3A_9 = arith.constant 0 : index
    %get3A_10 = vector.load %arg1[%get3A_7, %get3A_8, %get3A_9] : memref<2x1000x16xf32, #tpu.memory_space<vmem>>, vector<1x1000x16xf32>
    %get3A_11 = vector.shape_cast %get3A_10 : vector<1x1000x16xf32> to vector<1000x16xf32>
    %add3A = arith.addf %get3A_6, %get3A_11 : vector<1000x16xf32>
    %get3A_12 = arith.constant 0 : index
    %get3A_13 = arith.constant 0 : index
    %get3A_14 = vector.load %arg2[%get3A_12, %get3A_13] : memref<1000x16xf32, #tpu.memory_space<vmem>>, vector<1000x16xf32>
    %add3A_15 = arith.addf %add3A, %get3A_14 : vector<1000x16xf32>
    %mul3A = arith.mulf %add3A_15, %get3A_1 : vector<1000x16xf32>
    %get3A_16 = arith.constant 0 : index
    %get3A_17 = arith.constant 0 : index
    %get3A_18 = vector.load %arg4[%get3A_16, %get3A_17] : memref<1x16xf32, #tpu.memory_space<vmem>>, vector<1x16xf32>
    %add3A_19 = vector.broadcast %get3A_18 : vector<1x16xf32> to vector<1000x16xf32>
    %add3A_20 = arith.addf %mul3A, %add3A_19 : vector<1000x16xf32>
    %max3A = arith.constant 0.000000e+00 : f32
    %max3A_21 = vector.broadcast %max3A : f32 to vector<1000x16xf32>
    %max3A_22 = arith.maximumf %add3A_20, %max3A_21 : vector<1000x16xf32>
    %mul3A_23 = arith.mulf %max3A_22, %get3A_1 : vector<1000x16xf32>
    %swap3A = arith.constant 0 : index
    %swap3A_24 = arith.constant 0 : index
    %swap3A_25 = vector.load %arg5[%swap3A, %swap3A_24] : memref<1000x16xf32, #tpu.memory_space<vmem>>, vector<1000x16xf32>
    tpu.vector_store %arg5[%swap3A, %swap3A_24], %mul3A_23 {strides = array<i32>} : memref<1000x16xf32, #tpu.memory_space<vmem>>, vector<1000x16xf32>,
    return
  }
  func.func @transform_0(%arg0: i32) -> (i32, i32, i32) {
    %c0_i32 = arith.constant 0 : i32
    %c0_i32_0 = arith.constant 0 : i32
    %c0_i32_1 = arith.constant 0 : i32
    return %c0_i32, %arg0, %c0_i32_0 : i32, i32, i32
  }
  func.func @transform_1(%arg0: i32) -> (i32, i32) {
    %c0_i32 = arith.constant 0 : i32
    %c0_i32_0 = arith.constant 0 : i32
    return %arg0, %c0_i32 : i32, i32
  }
  func.func @transform_2(%arg0: i32) -> (i32, i32) {
    %c0_i32 = arith.constant 0 : i32
    %c0_i32_0 = arith.constant 0 : i32
    return %arg0, %c0_i32 : i32, i32
  }
  func.func @transform_3(%arg0: i32) -> (i32, i32) {
    %c0_i32 = arith.constant 0 : i32
    %c0_i32_0 = arith.constant 0 : i32
    %c0_i32_1 = arith.constant 0 : i32
    return %c0_i32, %c0_i32_0 : i32, i32
  }
  func.func @transform_4(%arg0: i32) -> (i32, i32) {
    %c0_i32 = arith.constant 0 : i32
    %c0_i32_0 = arith.constant 0 : i32
    return %arg0, %c0_i32 : i32, i32
  }
}

module attributes {stable_mosaic.version = 14 : i64} {
  func.func @body(%arg0: i32, %arg1: memref<2x1000x16xf32, #tpu.memory_space<vmem>>, %arg2: memref<1000x16xf32, #tpu.memory_space<vmem>>, %arg3: memref<1000x16xf32, #tpu.memory_space<vmem>>, %arg4: memref<16x128xf32, #tpu.memory_space<vmem>>, %arg5: memref<1x128xf32, #tpu.memory_space<vmem>>, %arg6: memref<1000x128xf32, #tpu.memory_space<vmem>>) attributes {dimension_semantics = [#tpu.dimension_semantics<arbitrary>], iteration_bounds = array<i64: 10>, scalar_prefetch = 0 : i64, scratch_operands = 0 : i64, tpu.core_type = #tpu.core_type<tc>, window_params = [{transform_indices = @transform_0, window_bounds = array<i64: 2, 1000, 16>}, {transform_indices = @transform_1, window_bounds = array<i64: 1000, 16>}, {transform_indices = @transform_2, window_bounds = array<i64: 1000, 16>}, {pipeline_mode = #tpu.pipeline_mode<synchronous>, transform_indices = @transform_3, window_bounds = array<i64: 16, 128>}, {pipeline_mode = #tpu.pipeline_mode<synchronous>, transform_indices = @transform_4, window_bounds = array<i64: 1, 128>}, {transform_indices = @transform_5, window_bounds = array<i64: 1000, 128>}]} {
    %get3A = arith.constant 0 : index
    %get3A_0 = arith.constant 0 : index
    %get3A_1 = arith.constant 0 : index
    %get3A_2 = vector.load %arg1[%get3A, %get3A_0, %get3A_1] : memref<2x1000x16xf32, #tpu.memory_space<vmem>>, vector<1x1000x16xf32>
    %get3A_3 = vector.shape_cast %get3A_2 : vector<1x1000x16xf32> to vector<1000x16xf32>
    %get3A_4 = arith.constant 1 : index
    %get3A_5 = arith.constant 0 : index
    %get3A_6 = arith.constant 0 : index
    %get3A_7 = vector.load %arg1[%get3A_4, %get3A_5, %get3A_6] : memref<2x1000x16xf32, #tpu.memory_space<vmem>>, vector<1x1000x16xf32>
    %get3A_8 = vector.shape_cast %get3A_7 : vector<1x1000x16xf32> to vector<1000x16xf32>
    %add3A = arith.addf %get3A_3, %get3A_8 : vector<1000x16xf32>
    %get3A_9 = arith.constant 0 : index
    %get3A_10 = arith.constant 0 : index
    %get3A_11 = vector.load %arg2[%get3A_9, %get3A_10] : memref<1000x16xf32, #tpu.memory_space<vmem>>, vector<1000x16xf32>
    %add3A_12 = arith.addf %add3A, %get3A_11 : vector<1000x16xf32>
    %get3A_13 = arith.constant 0 : index
    %get3A_14 = arith.constant 0 : index
    %get3A_15 = vector.load %arg3[%get3A_13, %get3A_14] : memref<1000x16xf32, #tpu.memory_space<vmem>>, vector<1000x16xf32>
    %mul3A = arith.mulf %add3A_12, %get3A_15 : vector<1000x16xf32>
    %get3A_16 = arith.constant 0 : index
    %get3A_17 = arith.constant 0 : index
    %get3A_18 = vector.load %arg4[%get3A_16, %get3A_17] : memref<16x128xf32, #tpu.memory_space<vmem>>, vector<16x128xf32>
    %dot_general3A = arith.constant dense<0.000000e+00> : vector<1000x128xf32>
    %dot_general3A_19 = tpu.matmul %mul3A, %get3A_18, %dot_general3A {dimension_numbers = #tpu.dot_dimension_numbers<[1], [0], [0], [1], [0, 0, 1, 1], [], []>, transpose_lhs_hint = false} : vector<1000x16xf32>, vector<16x128xf32>, vector<1000x128xf32> -> vector<1000x128xf32>
    %get3A_20 = arith.constant 0 : index
    %get3A_21 = arith.constant 0 : index
    %get3A_22 = vector.load %arg5[%get3A_20, %get3A_21] : memref<1x128xf32, #tpu.memory_space<vmem>>, vector<1x128xf32>
    %add3A_23 = vector.broadcast %get3A_22 : vector<1x128xf32> to vector<1000x128xf32>
    %add3A_24 = arith.addf %dot_general3A_19, %add3A_23 : vector<1000x128xf32>
    %reduce_max3A = arith.constant dense<0xFF800000> : vector<1000xf32>
    %reduce_max3A_25 = vector.multi_reduction <maximumf>, %add3A_24, %reduce_max3A [1] : vector<1000x128xf32> to vector<1000xf32>
    %broadcast_in_dim3A = vector.shape_cast %reduce_max3A_25 : vector<1000xf32> to vector<1000x1xf32>
    %sub3A = vector.broadcast %broadcast_in_dim3A : vector<1000x1xf32> to vector<1000x128xf32>
    %sub3A_26 = arith.subf %add3A_24, %sub3A : vector<1000x128xf32>
    %exp3A = math.exp %sub3A_26 : vector<1000x128xf32>
    %reduce_sum3A = arith.constant dense<0.000000e+00> : vector<1000xf32>
    %reduce_sum3A_27 = vector.multi_reduction <add>, %exp3A, %reduce_sum3A [1] : vector<1000x128xf32> to vector<1000xf32>
    %broadcast_in_dim3A_28 = vector.shape_cast %reduce_sum3A_27 : vector<1000xf32> to vector<1000x1xf32>
    %log3A = math.log %broadcast_in_dim3A_28 : vector<1000x1xf32>
    %sub3A_29 = vector.broadcast %log3A : vector<1000x1xf32> to vector<1000x128xf32>
    %sub3A_30 = arith.subf %sub3A_26, %sub3A_29 : vector<1000x128xf32>
    %swap3A = arith.constant 0 : index
    %swap3A_31 = arith.constant 0 : index
    %swap3A_32 = vector.load %arg6[%swap3A, %swap3A_31] : memref<1000x128xf32, #tpu.memory_space<vmem>>, vector<1000x128xf32>
    tpu.vector_store %arg6[%swap3A, %swap3A_31], %sub3A_30 {strides = array<i32>} : memref<1000x128xf32, #tpu.memory_space<vmem>>, vector<1000x128xf32>,
    return
  }
  func.func @transform_0(%arg0: i32) -> (i32, i32, i32) {
    %c0_i32 = arith.constant 0 : i32
    %c0_i32_0 = arith.constant 0 : i32
    %c0_i32_1 = arith.constant 0 : i32
    return %c0_i32, %arg0, %c0_i32_0 : i32, i32, i32
  }
  func.func @transform_1(%arg0: i32) -> (i32, i32) {
    %c0_i32 = arith.constant 0 : i32
    %c0_i32_0 = arith.constant 0 : i32
    return %arg0, %c0_i32 : i32, i32
  }
  func.func @transform_2(%arg0: i32) -> (i32, i32) {
    %c0_i32 = arith.constant 0 : i32
    %c0_i32_0 = arith.constant 0 : i32
    return %arg0, %c0_i32 : i32, i32
  }
  func.func @transform_3(%arg0: i32) -> (i32, i32) {
    %c0_i32 = arith.constant 0 : i32
    %c0_i32_0 = arith.constant 0 : i32
    %c0_i32_1 = arith.constant 0 : i32
    return %c0_i32, %c0_i32_0 : i32, i32
  }
  func.func @transform_4(%arg0: i32) -> (i32, i32) {
    %c0_i32 = arith.constant 0 : i32
    %c0_i32_0 = arith.constant 0 : i32
    %c0_i32_1 = arith.constant 0 : i32
    return %c0_i32, %c0_i32_0 : i32, i32
  }
  func.func @transform_5(%arg0: i32) -> (i32, i32) {
    %c0_i32 = arith.constant 0 : i32
    %c0_i32_0 = arith.constant 0 : i32
    return %arg0, %c0_i32 : i32, i32
  }
}

</mosaic_0001>

<sc_bundles>
// kernel: kernel.12.cloned.1.call-start
scs
__scs_entry_jumppad:
0x0: {  	(pc) =	sbr.rel $0x88, $3  }
0x1: {  	(tag) =	ssettag $0x0;
	lr =	simm.s32 $0x1  }
0x2: {  	[smem:$0x3F9B] =	sst lr;
	_ =	strace $0xD0000000  }
0x3: {  	_ = 	snop  }
0x4: {  	_ = 	snop  }
0x5: {  	_ = 	snop  }
0x6: {  	_ = 	snop  }
0x7: {  	_ = 	snop  }
__scs_overlays_trampoline_lowered:
0x8: {  	[smem:$0x3FAA] =	sst s0  }
0x9: {  	[smem:$0x3FAB] =	sst s1  }
0xa: {  	[smem:$0x3FAC] =	sst s2  }
0xb: {  	[smem:$0x3FAD] =	sst s3  }
0xc: {  	[smem:$0x3FAE] =	sst s4  }
0xd: {  	[smem:$0x3FAF] =	sst s5  }
0xe: {  	[smem:$0x3FB0] =	sst s6  }
0xf: {  	[smem:$0x3FB1] =	sst s7  }
0x10: {  	[smem:$0x3FB2] =	sst s8  }
0x11: {  	[smem:$0x3FB3] =	sst s9;
	s0 =	simm.s32 @!p0 $0x0  }
0x12: {  	s1 =	sld [smem:$0x3F99];
	s0 =	simm.s32 @p0 $0x1  }
0x13: {  	[smem:$0x3FB4] =	sst s0;
	s0 =	simm.s32 @!p1 $0x0  }
0x14: {  	s2 =	sld [smem:$0x3F98];
	s0 =	simm.s32 @p1 $0x1  }
0x15: {  	[smem:$0x3FB5] =	sst s0;
	s0 =	simm.s32 @!p2 $0x0  }
0x16: {  	s3 =	sld [smem:$0x3FDB];
	s0 =	simm.s32 @p2 $0x1  }
0x17: {  	s4 =	simm.s32 $0x1BF5;
	[smem:$0x3FB7] =	sst s0  }
0x18: {  	s0 =	sld [smem:$0x3F9A];
	_ =	swait.ge [sflag:s4], $0x0  }
0x19: {  	s7 =	sld [smem:$0x3F9B]  }
0x1a: {  	s8 =	sadd.s32 $0xFFFFE003, lr  }
0x1b: {  	s9 =	sadd.s32 $0xFFFFFEF7, lr;
	s5 =	simm.s32 $0xFFFFFFFF;
	p2 =	slt.u32 s8, $0xFFFFF086  }
0x1c: {  	p1 =	slt.u32 s9, $0xF7A;
	s5 =	simm.s32 @!p2 $0x0  }
0x1d: {  	s5 =	simm.s32 @p1 $0x1;
	p0 =	seq.s32 s7, s2  }
0x1e: {  	s7 =	smul.u32 @!p0 $0xF7A, s2;
	p2 =	seq.s32 @!p0 s5, $0x0  }
0x1f: {  	s9 =	smul.u32 $0xF7A, s1;
	s8 =	simm.s32 @!p0 $0x1BF5;
	p2 =	por !p2, p0  }
0x20: {  	[sflag:s8] =	ssyncset.s32 @!p0 $0xFFFFF086;
	s6 =	sadd.s32 @!p0 s3, s7;
	s7 =	simm.s32 @!p0 $0x108  }
0x21: {  	s3 =	sadd.s32 s3, s9;
	s6 =	sadd.s32 @!p0 $0x88, s6;
	s7 =	simm.s32 @p2 $0x1082  }
0x22: {  	[simem:s7], [sflag:s8] =	dma.local @!p0 [hbm:s6], $0xF7A  }
0x23: {  	s9 =	sor.u32 $0xD0000000, s2;
	s6 =	simm.s32 $0x108;
	_ =	swait.ge @!p0 [sflag:s8], $0x0  }
0x24: {  	s3 =	sadd.s32 $0x88, s3;
	s6 =	simm.s32 @!p1 $0x1082;
	[sflag:s4] =	ssyncset.s32 $0xFFFFF086  }
0x25: {  	[simem:s6], [sflag:s4] =	dma.local [hbm:s3], $0xF7A  }
0x26: {  	[smem:$0x3F9B] =	sst s1;
	(tag) =	ssettag s2;
	_ =	strace s9  }
0x27: {  	s1 =	sld [smem:$0x3FAB]  }
0x28: {  	s2 =	sld [smem:$0x3FAC]  }
0x29: {  	s4 =	sld [smem:$0x3FAE]  }
0x2a: {  	p0 =	seq.s32 s5, $0x0;
	s5 =	sld [smem:$0x3FAF]  }
0x2b: {  	s6 =	sld [smem:$0x3FB0]  }
0x2c: {  	s7 =	sld [smem:$0x3FB1]  }
0x2d: {  	s3 =	simm.s32 $0x108;
	s8 =	sld [smem:$0x3FB2]  }
0x2e: {  	s3 =	simm.s32 @!p0 $0x1082;
	s9 =	sld [smem:$0x3FB3]  }
0x2f: {  	lr =	sadd.s32 s0, s3;
	s0 =	sld [smem:$0x3FAA]  }
0x30: {  	s3 =	sld [smem:$0x3FAD]  }
0x31: {  	[smem:$0x3FB6] =	sst s10  }
0x32: {  	s10 =	sld [smem:$0x3FB4];
	_ =	sdelay $0x3  }
0x33: {  	p0 =	seq.s32 s10, $0x1;
	s10 =	sld [smem:$0x3FB6];
	_ =	sdelay $0x3  }
0x34: {  	[smem:$0x3FB6] =	sst s10  }
0x35: {  	s10 =	sld [smem:$0x3FB5];
	_ =	sdelay $0x3  }
0x36: {  	p1 =	seq.s32 s10, $0x1;
	s10 =	sld [smem:$0x3FB6];
	_ =	sdelay $0x3  }
0x37: {  	[smem:$0x3FB6] =	sst s10  }
0x38: {  	s10 =	sld [smem:$0x3FB7]  }
0x39: {  	_ = 	snop;
	(pc) =	sbr.ind lr, $3  }
0x3a: {  	_ = 	snop  }
0x3b: {  	_ = 	snop  }
0x3c: {  	p2 =	seq.s32 s10, $0x1;
	s10 =	sld [smem:$0x3FB6]  }
0x3d: {  	_ =	shalt  }
0x3e: {  	_ =	shalt  }
0x3f: {  	_ =	shalt  }
0x40: {  	_ =	shalt  }
0x41: {  	_ =	shalt  }
0x42: {  	_ =	shalt  }
0x43: {  	_ =	shalt  }
0x44: {  	_ =	shalt  }
0x45: {  	_ =	shalt  }
0x46: {  	_ =	shalt  }
0x47: {  	_ =	shalt  }
0x48: {  	_ =	shalt  }
0x49: {  	_ =	shalt  }
0x4a: {  	_ =	shalt  }
0x4b: {  	_ =	shalt  }
0x4c: {  	_ =	shalt  }
0x4d: {  	_ =	shalt  }
0x4e: {  	_ =	shalt  }
0x4f: {  	_ =	shalt  }
0x50: {  	_ =	shalt  }
0x51: {  	_ =	shalt  }
0x52: {  	_ =	shalt  }
0x53: {  	_ =	shalt  }
0x54: {  	_ =	shalt  }
0x55: {  	_ =	shalt  }
0x56: {  	_ =	shalt  }
0x57: {  	_ =	shalt  }
0x58: {  	_ =	shalt  }
0x59: {  	_ =	shalt  }
0x5a: {  	_ =	shalt  }
0x5b: {  	_ =	shalt  }
0x5c: {  	_ =	shalt  }
0x5d: {  	_ =	shalt  }
0x5e: {  	_ =	shalt  }
0x5f: {  	_ =	shalt  }
0x60: {  	_ =	shalt  }
0x61: {  	_ =	shalt  }
0x62: {  	_ =	shalt  }
0x63: {  	_ =	shalt  }
0x64: {  	_ =	shalt  }
0x65: {  	_ =	shalt  }
0x66: {  	_ =	shalt  }
0x67: {  	_ =	shalt  }
0x68: {  	_ =	shalt  }
0x69: {  	_ =	shalt  }
0x6a: {  	_ =	shalt  }
0x6b: {  	_ =	shalt  }
0x6c: {  	_ =	shalt  }
0x6d: {  	_ =	shalt  }
0x6e: {  	_ =	shalt  }
0x6f: {  	_ =	shalt  }
0x70: {  	_ =	shalt  }
0x71: {  	_ =	shalt  }
0x72: {  	_ =	shalt  }
0x73: {  	_ =	shalt  }
0x74: {  	_ =	shalt  }
0x75: {  	_ =	shalt  }
0x76: {  	_ =	shalt  }
0x77: {  	_ =	shalt  }
0x78: {  	_ =	shalt  }
0x79: {  	_ =	shalt  }
0x7a: {  	_ =	shalt  }
0x7b: {  	_ =	shalt  }
0x7c: {  	_ =	shalt  }
0x7d: {  	_ =	shalt  }
0x7e: {  	_ =	shalt  }
0x7f: {  	_ =	shalt  }
0x80: {  	_ =	shalt  }
0x81: {  	_ =	shalt  }
0x82: {  	_ =	shalt  }
0x83: {  	_ =	shalt  }
0x84: {  	_ =	shalt  }
0x85: {  	_ =	shalt  }
0x86: {  	_ =	shalt  }
0x87: {  	_ =	shalt  }
.Lfunc_end0:
.L_simem_size_0:
called_computation.1_lowered:
.L_overlay_start_0:
0x88: {  	s2 =	sld [smem:$0x3FD9]  }
0x89: {  	s3 =	sld [smem:$0x3FFE];
	_ =	sdelay $0x1  }
0x8a: {  	s1 =	srdreg.scid  }
0x8b: {  	s0 =	sand.u32 $0x1, s1  }
0x8c: {  	s17 =	sshll.u32 s0, $0xA;
	s2 =	sadd.s32 s3, s2  }
0x8d: {  	s2 =	sadd.s32 s2, s17  }
0x8e: {  	[smem:$0x3FC2] =	sst s2  }
0x8f: {  	_ = 	snop  }
0x90: {  	s2 =	sld [smem:$0x3FD0];
	(tm) =	ssettm $0x1  }
0x91: {  	s18 =	sld [smem:$0x3FFB];
	_ =	sdelay $0x3  }
0x92: {  	_ =	strace s18  }
0x93: {  	s3 =	sld [smem:$0x3FFC];
	_ =	sdelay $0x3  }
0x94: {  	_ =	strace s3  }
0x95: {  	s3 =	sld [smem:$0x3FFD];
	_ =	sdelay $0x3  }
0x96: {  	_ =	strace s3  }
0x97: {  	_ =	strace $0x8FFFFFFF  }
0x98: {  	s19 =	sld [smem:$0x3FDB];
	_ =	sdelay $0x1  }
0x99: {  	s4 =	simm.s32 $_scs_section_size  }
0x9a: {  	s5 =	simm.s32 $_size__tile_overlayer_lowered;
	s6 =	simm.s32 $_tile_overlayer_lowered  }
0x9b: {  	s22 =	simm.s32 $0x1BFF;
	s21 =	sshll.u32 s6, $0x1;
	s3 =	sadd.s32 s4, s19  }
0x9c: {  	s7 =	simm.s32 $0x0;
	s20 =	sshll.u32 s5, $0x1;
	s5 =	sadd.s32 s21, s3  }
0x9d: {  	[timem:s7], [sflag:s22] =	dma.local [hbm:s5], s20  }
0x9e: {  	_ =	swait.ge [sflag:s22], s20  }
0x9f: {  	s4 =	ssub.s32 $0x0, s20;
	[sflag:s22] =	ssyncset.done $0x0  }
0xa0: {  	[sflag:s22] =	ssyncadd.s32 s4;
	_ =	sdelay $0x1  }
0xa1: {  	s23 =	simm.s32 $0x1B8B  }
0xa2: {  	_ =	swait.ge [sflag:s23], $0x1  }
0xa3: {  	[sflag:s23] =	ssyncset.done $0x0  }
0xa4: {  	s25 =	simm.s32 $0x1B8E;
	s24 =	sld [smem:$0x3FFE];
	[sflag:s23] =	ssyncadd.s32 $0xFFFFFFFF  }
0xa5: {  	s26 =	simm.s32 $execute0_lowered;
	[smem:$0x3FD2] =	sst s25  }
0xa6: {  	s5 =	sshll.u32 s26, $0x1;
	_ =	strace $0x80000049;
	[dreg:$0x1] =	wrdreg $0xFFFFFFFF  }
0xa7: {  	s28 =	simm.s32 $_size_execute0_lowered;
	s3 =	sadd.s32 s3, s5;
	[dreg:$0x0] =	wrdreg $0x0  }
0xa8: {  	s5 =	sshll.u32 s28, $0x1;
	[dreg:$0x2] =	wrdreg s3  }
0xa9: {  	[dreg:$0x3] =	wrdreg s5  }
0xaa: {  	[dreg:$0x4] =	wrdreg $0xC0  }
0xab: {  	_ =	task [dreg:s7], $0x5FFFF  }
0xac: {  	[dreg:$0x1] =	wrdreg $0xFFFFFFFF  }
0xad: {  	[dreg:$0x0] =	wrdreg $0x60  }
0xae: {  	[dreg:$0x2] =	wrdreg s2  }
0xaf: {  	[dreg:$0x3] =	wrdreg s24  }
0xb0: {  	[dreg:$0x4] =	wrdreg $0xD0000  }
0xb1: {  	[dreg:$0x5] =	wrdreg $0x9  }
0xb2: {  	_ =	task.clear_ibuf [dreg:s7], $0x6FFFF;
	_ =	strace $0x90000049  }
0xb3: {  	s29 =	simm.s32 $0x9;
	_ =	strace $0x8000004B  }
0xb4: {  	_ =	swait.ge [sflag:s29], $0x1  }
0xb5: {  	[sflag:s29] =	ssyncadd.s32 $0xFFFFFFFF  }
0xb6: {  	_ =	strace $0x9000004B  }
0xb7: {  	_ =	sfence  }
0xb8: {  	s30 =	sld [smem:$0x0];
	_ =	sdelay $0x2  }
0xb9: {  	s31 =	sshll.u32 s1, $0xD;
	s1 =	sshrl.u32 s1, $0x2  }
0xba: {  	s3 =	sand.u32 $0x4000, s31;
	s1 =	sadd.s32 s1, s30  }
0xbb: {  	s0 =	sor.u32 s3, s0;
	s1 =	sshll.u32 s1, $0x11  }
0xbc: {  	s0 =	sor.u32 s1, s0  }
0xbd: {  	s0 =	sadd.s32 $0x8F2B, s0  }
0xbe: {  	[sflag:s0] =	ssyncadd.remote.s32 $0x1  }
0xbf: {  	_ =	sfence.sel $0xFFFF  }
0xc0: {  	[dreg:$0x0] =	wrdreg $0xFFFFFFFF;
	(pc) =	sbr.abs _section_cstart, $3  }
0xc1: {  	[dreg:$0x1] =	wrdreg $0xFFFFFFFF  }
0xc2: {  	_ =	task.clear_ibuf [dreg:s7], $0x2FFFF;
	_ =	strace $0x9FFFFFFF  }
0xc3: {  	(tm) =	ssettm $0x7FFFFFFF  }
tec
execute0_lowered:
.L_overlay_start_1:
0x0: {  	(tag) =	ssettag $0x1  }
0x1: {  	s1 =	rddreg [dreg:$0x0]  }
0x2: {  	s3 =	rddreg [dreg:$0x1]  }
0x3: {  	s2 =	rddreg [dreg:$0x2];
	s30 =	simm.s32 $0x0  }
0x4: {  	s0 =	srdreg.scid;
	s14 =	simm.s32 $0x400;
	[smem:$0x7FF] =	sst s30  }
0x5: {  	s15 =	simm.s32 $0x2A00;
	_ =	strace $0x8000004A;
	[dreg:$0x8] =	wrdreg s14  }
0x6: {  	s20 =	stileid.u32;
	s16 =	simm.s32 $0x600;
	[dreg:$0x9] =	wrdreg s15  }
0x7: {  	s17 =	simm.s32 $0x2C00;
	s18 =	simm.s32 $0x800;
	[dreg:$0xa] =	wrdreg s16  }
0x8: {  	s19 =	simm.s32 $0x2E00;
	s21 =	simm.s32 $0xA00;
	[dreg:$0xb] =	wrdreg s17  }
0x9: {  	s23 =	simm.s32 $0x3000;
	s24 =	simm.s32 $0xC00;
	[dreg:$0xc] =	wrdreg s18  }
0xa: {  	s25 =	simm.s32 $0x3200;
	s9 =	simm.s32 $0x3600;
	[dreg:$0xd] =	wrdreg s19  }
0xb: {  	s10 =	simm.s32 $0x1200;
	s31 =	simm.s32 $0x2800;
	[dreg:$0xe] =	wrdreg s21  }
0xc: {  	s29 =	simm.s32 $0x4600;
	p0 =	por $0x0, $0x0;
	[dreg:$0xf] =	wrdreg s23  }
0xd: {  	s28 =	simm.s32 $0x4800;
	s0 =	sand.u32 $0x1, s0;
	[dreg:$0x10] =	wrdreg s24  }
0xe: {  	s5 =	smul.u32 $0x2780, s20;
	s26 =	sshll.u32 s20, $0x6;
	[dreg:$0x11] =	wrdreg s25  }
0xf: {  	s4 =	sshll.u32 s0, $0x4;
	s7 =	smul.u32 $0x27800, s0;
	[dreg:$0x15] =	wrdreg s9  }
0x10: {  	s0 =	ssub.s32 $0x2, s0;
	[dreg:$0x16] =	wrdreg s10;
	s10 =	simm.s32 $0x7000  }
0x11: {  	s14 =	simm.s32 $0x1600;
	s19 =	simm.s32 $0x1;
	s15 =	simm.s32 $0x3C00  }
0x12: {  	s9 =	simm.s32 $0x9000;
	s16 =	simm.s32 $0x1800;
	[dreg:$0x1a] =	wrdreg s14  }
0x13: {  	s18 =	simm.s32 $0x2;
	s17 =	simm.s32 $0x3E00;
	[dreg:$0x1b] =	wrdreg s15  }
0x14: {  	s21 =	simm.s32 $0x1A00;
	s23 =	simm.s32 $0x1C00;
	[dreg:$0x1c] =	wrdreg s16  }
0x15: {  	s24 =	simm.s32 $0x4200;
	s25 =	simm.s32 $0x1E00;
	[dreg:$0x1d] =	wrdreg s17  }
0x16: {  	s4 =	sor.u32 s20, s4;
	s6 =	sshrl.u32 s5, $0x3;
	[dreg:$0x1e] =	wrdreg s21  }
0x17: {  	s22 =	sshrl.u32 s0, $0x1;
	s17 =	simm.s32 $0x3;
	[smem:$0x7FA] =	sst s23  }
0x18: {  	s15 =	simm.s32 $0x5;
	s16 =	simm.s32 $0x4;
	[smem:$0x7FB] =	sst s24  }
0x19: {  	[smem:$0x7FC] =	sst s25;
	s14 =	simm.s32 $0x8;
	s25 =	simm.s32 $0x2400  }
0x1a: {  	s24 =	simm.s32 $0x4A00;
	s23 =	simm.s32 $0x2600;
	s21 =	simm.s32 $0x4E00  }
0x1b: {  	s4 =	smul.u32 $0x500, s4;
	s6 =	sadd.s32 s6, s3;
	s7 =	sadd.s32 s5, s7  }
0x1c: {  	s0 =	ssub.s32 s0, s22;
	s5 =	sadd.s32 s5, s2;
	s22 =	simm.s32 $0x4000  }
0x1d: {  	s6 =	sadd.s32 $0xB600, s6;
	s7 =	sshrl.u32 s7, $0x3;
	s0 =	smax.u32 s0, $0x1  }
0x1e: {  	s5 =	sshrl.u32 s5, $0x3;
	[dreg:$0x1f] =	wrdreg s22;
	s22 =	simm.s32 $0x4C00  }
0x1f: {  	s8 =	sadd.s32 s4, s3;
	[dreg:$0x4] =	wrdreg s6;
	s1 =	sadd.s32 s1, s4  }
0x20: {  	s11 =	sadd.s32 s7, s3;
	s6 =	simm.s32 $0xE00;
	[dreg:$0x5] =	wrdreg s1  }
0x21: {  	s4 =	sadd.s32 $0x10600, s3;
	s7 =	simm.s32 $0x3400;
	[dreg:$0x12] =	wrdreg s6  }
0x22: {  	s3 =	sor.u32 $0x1C09, s26;
	s26 =	simm.s32 $0x4400;
	[dreg:$0x13] =	wrdreg s7  }
0x23: {  	p1 =	sne.s32 s0, $0x1;
	s12 =	sadd.s32 $0x1600, s8;
	[smem:$0x7FD] =	sst s26  }
0x24: {  	s13 =	sadd.s32 $0x15600, s11;
	s1 =	sadd.s32 $0xFFFFFFFF, s0;
	s0 =	rddreg [dreg:$0x4]  }
0x25: {  	s8 =	simm.s32 $0x1000;
	s6 =	simm.s32 $0x9;
	[dreg:$0x6] =	wrdreg s12  }
.Ltmp0:
0x26: {  	s11 =	simm.s32 $0x3800;
	[dreg:$0x7] =	wrdreg s13;
	(pc) =	sbr.rel @!p1 .LBB2_1-.Ltmp0, $4  }
0x27: {  	s7 =	simm.s32 $0x200;
	s26 =	simm.s32 $0x2000;
	[dreg:$0x14] =	wrdreg s8  }
0x28: {  	[dreg:$0x17] =	wrdreg s11;
	s12 =	simm.s32 $0x1400;
	s11 =	simm.s32 $0x5000  }
0x29: {  	s13 =	simm.s32 $0x3A00;
	s8 =	simm.s32 $0xB000;
	[dreg:$0x18] =	wrdreg s12  }
0x2a: {  	[dreg:$0x19] =	wrdreg s13;
	s12 =	simm.s32 $0x6;
	s13 =	simm.s32 $0x7  }
0x2b: {  	[spmem:s5], [sflag:s3] =	dma.local [hbm:s0], $0x4F0  }
0x2c: {  	_ =	swait.ge [sflag:s6], $0x4F0  }
0x2d: {  	[sflag:s6] =	ssyncset.done $0x0  }
0x2e: {  	s20 =	rddreg [dreg:$0x5];
	[sflag:s6] =	ssyncadd.s32 $0xFFFFFB10  }
0x2f: {  	[tilespmem:s30], [sflag:$0x9] =	stream.linear.gather [hbm4b:s20+s30], $0x2800, $0x38;
	[tilespmem:$0xF780] =	vst v63  }
0x30: {  	_ =	swait.ge [sflag:s6], $0x2800  }
0x31: {  	[sflag:s6] =	ssyncset.done $0x0  }
0x32: {  	s20 =	rddreg [dreg:$0x6];
	[sflag:s6] =	ssyncadd.s32 $0xFFFFD800  }
0x33: {  	[tilespmem:s31], [sflag:$0x9] =	stream.linear.gather [hbm4b:s20+s30], $0x2800, $0x38;
	[tilespmem:$0xF780] =	vst v63  }
0x34: {  	_ =	swait.ge [sflag:s6], $0x2800  }
0x35: {  	[sflag:s6] =	ssyncset.done $0x0  }
0x36: {  	[sflag:s6] =	ssyncadd.s32 $0xFFFFD800  }
0x37: {  	[bflag:$0x0] =	sbarrier.arrive $0xFFFF  }
0x38: {  	[tilespmem:s11], [sflag:$0x1] =	stream.indirect.gather [hbm4b:s4+s7], $0x10, s30, s7, $0xb8;
	[tilespmem:$0xF780] =	vst v63  }
0x39: {  	_ = 	snop  }
0x3a: {  	[tilespmem:s10], [sflag:$0x2] =	stream.indirect.gather [hbm4b:s4+s7], $0x10, s7, s7, $0xb8;
	[tilespmem:$0xF780] =	vst v63  }
0x3b: {  	_ =	swait.ge [sflag:s19], $0x2000  }
0x3c: {  	[sflag:s19] =	ssyncset.done $0x0  }
0x3d: {  	[sflag:s19] =	ssyncadd.s32 $0xFFFFE000  }
0x3e: {  	[spmem:s2] =	stream.indirect.scatter.add.f32 [tilespmem:s11], [sflag:$0x5], $0x10, s31, s7, $0xb8;
	[tilespmem:$0xF780] =	vst v63  }
0x3f: {  	s20 =	rddreg [dreg:$0x8]  }
0x40: {  	[tilespmem:s9], [sflag:$0x3] =	stream.indirect.gather [hbm4b:s4+s7], $0x10, s20, s7, $0xb8;
	[tilespmem:$0xF780] =	vst v63  }
0x41: {  	_ =	swait.ge [sflag:s18], $0x2000  }
0x42: {  	[sflag:s18] =	ssyncset.done $0x0  }
0x43: {  	s0 =	rddreg [dreg:$0x9];
	[sflag:s18] =	ssyncadd.s32 $0xFFFFE000  }
0x44: {  	[spmem:s2] =	stream.indirect.scatter.add.f32 [tilespmem:s10], [sflag:$0x6], $0x10, s0, s7, $0xb8;
	[tilespmem:$0xF780] =	vst v63  }
0x45: {  	s20 =	smov.u32 s1;
	s1 =	rddreg [dreg:$0xa]  }
0x46: {  	[tilespmem:s8], [sflag:$0x4] =	stream.indirect.gather [hbm4b:s4+s7], $0x10, s1, s7, $0xb8;
	[tilespmem:$0xF780] =	vst v63  }
0x47: {  	_ =	swait.ge [sflag:s17], $0x2000  }
0x48: {  	[sflag:s17] =	ssyncset.done $0x0  }
0x49: {  	s1 =	rddreg [dreg:$0xb];
	[sflag:s17] =	ssyncadd.s32 $0xFFFFE000  }
0x4a: {  	[spmem:s2] =	stream.indirect.scatter.add.f32 [tilespmem:s9], [sflag:$0x7], $0x10, s1, s7, $0xb8;
	[tilespmem:$0xF780] =	vst v63  }
0x4b: {  	_ =	swait.ge [sflag:s15], $0x2000  }
0x4c: {  	[sflag:s15] =	ssyncset.done $0x0  }
0x4d: {  	s1 =	rddreg [dreg:$0xc];
	[sflag:s15] =	ssyncadd.s32 $0xFFFFE000  }
0x4e: {  	[tilespmem:s11], [sflag:$0x1] =	stream.indirect.gather [hbm4b:s4+s7], $0x10, s1, s7, $0xb8;
	[tilespmem:$0xF780] =	vst v63  }
0x4f: {  	_ =	swait.ge [sflag:s16], $0x2000  }
0x50: {  	[sflag:s16] =	ssyncset.done $0x0  }
0x51: {  	s1 =	rddreg [dreg:$0xd];
	[sflag:s16] =	ssyncadd.s32 $0xFFFFE000  }
0x52: {  	[spmem:s2] =	stream.indirect.scatter.add.f32 [tilespmem:s8], [sflag:$0x8], $0x10, s1, s7, $0xb8;
	[tilespmem:$0xF780] =	vst v63  }
0x53: {  	_ =	swait.ge [sflag:s12], $0x2000  }
0x54: {  	[sflag:s12] =	ssyncset.done $0x0  }
0x55: {  	s1 =	rddreg [dreg:$0xe];
	[sflag:s12] =	ssyncadd.s32 $0xFFFFE000  }
0x56: {  	[tilespmem:s10], [sflag:$0x2] =	stream.indirect.gather [hbm4b:s4+s7], $0x10, s1, s7, $0xb8;
	[tilespmem:$0xF780] =	vst v63  }
0x57: {  	_ =	swait.ge [sflag:s19], $0x2000  }
0x58: {  	[sflag:s19] =	ssyncset.done $0x0  }
0x59: {  	s1 =	rddreg [dreg:$0xf];
	[sflag:s19] =	ssyncadd.s32 $0xFFFFE000  }
0x5a: {  	[spmem:s2] =	stream.indirect.scatter.add.f32 [tilespmem:s11], [sflag:$0x5], $0x10, s1, s7, $0xb8;
	[tilespmem:$0xF780] =	vst v63  }
0x5b: {  	_ =	swait.ge [sflag:s13], $0x2000  }
0x5c: {  	[sflag:s13] =	ssyncset.done $0x0  }
0x5d: {  	s1 =	rddreg [dreg:$0x10];
	[sflag:s13] =	ssyncadd.s32 $0xFFFFE000  }
0x5e: {  	[tilespmem:s9], [sflag:$0x3] =	stream.indirect.gather [hbm4b:s4+s7], $0x10, s1, s7, $0xb8;
	[tilespmem:$0xF780] =	vst v63  }
0x5f: {  	_ =	swait.ge [sflag:s18], $0x2000  }
0x60: {  	[sflag:s18] =	ssyncset.done $0x0  }
0x61: {  	s1 =	rddreg [dreg:$0x11];
	[sflag:s18] =	ssyncadd.s32 $0xFFFFE000  }
0x62: {  	[spmem:s2] =	stream.indirect.scatter.add.f32 [tilespmem:s10], [sflag:$0x6], $0x10, s1, s7, $0xb8;
	[tilespmem:$0xF780] =	vst v63  }
0x63: {  	_ =	swait.ge [sflag:s14], $0x2000  }
0x64: {  	[sflag:s14] =	ssyncset.done $0x0  }
0x65: {  	s1 =	rddreg [dreg:$0x12];
	[sflag:s14] =	ssyncadd.s32 $0xFFFFE000  }
0x66: {  	[tilespmem:s8], [sflag:$0x4] =	stream.indirect.gather [hbm4b:s4+s7], $0x10, s1, s7, $0xb8;
	[tilespmem:$0xF780] =	vst v63  }
0x67: {  	_ =	swait.ge [sflag:s17], $0x2000  }
0x68: {  	[sflag:s17] =	ssyncset.done $0x0  }
0x69: {  	s1 =	rddreg [dreg:$0x13];
	[sflag:s17] =	ssyncadd.s32 $0xFFFFE000  }
0x6a: {  	[spmem:s2] =	stream.indirect.scatter.add.f32 [tilespmem:s9], [sflag:$0x7], $0x10, s1, s7, $0xb8;
	[tilespmem:$0xF780] =	vst v63  }
0x6b: {  	_ =	swait.ge [sflag:s15], $0x2000  }
0x6c: {  	[sflag:s15] =	ssyncset.done $0x0  }
0x6d: {  	s1 =	rddreg [dreg:$0x14];
	[sflag:s15] =	ssyncadd.s32 $0xFFFFE000  }
0x6e: {  	[tilespmem:s11], [sflag:$0x1] =	stream.indirect.gather [hbm4b:s4+s7], $0x10, s1, s7, $0xb8;
	[tilespmem:$0xF780] =	vst v63  }
0x6f: {  	_ =	swait.ge [sflag:s16], $0x2000  }
0x70: {  	[sflag:s16] =	ssyncset.done $0x0  }
0x71: {  	s1 =	rddreg [dreg:$0x15];
	[sflag:s16] =	ssyncadd.s32 $0xFFFFE000  }
0x72: {  	[spmem:s2] =	stream.indirect.scatter.add.f32 [tilespmem:s8], [sflag:$0x8], $0x10, s1, s7, $0xb8;
	[tilespmem:$0xF780] =	vst v63  }
0x73: {  	_ =	swait.ge [sflag:s12], $0x2000  }
0x74: {  	[sflag:s12] =	ssyncset.done $0x0  }
0x75: {  	s1 =	rddreg [dreg:$0x16];
	[sflag:s12] =	ssyncadd.s32 $0xFFFFE000  }
0x76: {  	[tilespmem:s10], [sflag:$0x2] =	stream.indirect.gather [hbm4b:s4+s7], $0x10, s1, s7, $0xb8;
	[tilespmem:$0xF780] =	vst v63  }
0x77: {  	_ =	swait.ge [sflag:s19], $0x2000  }
0x78: {  	[sflag:s19] =	ssyncset.done $0x0  }
0x79: {  	s1 =	rddreg [dreg:$0x17];
	[sflag:s19] =	ssyncadd.s32 $0xFFFFE000  }
0x7a: {  	[spmem:s2] =	stream.indirect.scatter.add.f32 [tilespmem:s11], [sflag:$0x5], $0x10, s1, s7, $0xb8;
	[tilespmem:$0xF780] =	vst v63  }
0x7b: {  	_ =	swait.ge [sflag:s13], $0x2000  }
0x7c: {  	[sflag:s13] =	ssyncset.done $0x0  }
0x7d: {  	s1 =	rddreg [dreg:$0x18];
	[sflag:s13] =	ssyncadd.s32 $0xFFFFE000  }
0x7e: {  	[tilespmem:s9], [sflag:$0x3] =	stream.indirect.gather [hbm4b:s4+s7], $0x10, s1, s7, $0xb8;
	[tilespmem:$0xF780] =	vst v63  }
0x7f: {  	_ =	swait.ge [sflag:s18], $0x2000  }
0x80: {  	[sflag:s18] =	ssyncset.done $0x0  }
0x81: {  	s1 =	rddreg [dreg:$0x19];
	[sflag:s18] =	ssyncadd.s32 $0xFFFFE000  }
0x82: {  	[spmem:s2] =	stream.indirect.scatter.add.f32 [tilespmem:s10], [sflag:$0x6], $0x10, s1, s7, $0xb8;
	[tilespmem:$0xF780] =	vst v63  }
0x83: {  	_ =	swait.ge [sflag:s14], $0x2000  }
0x84: {  	[sflag:s14] =	ssyncset.done $0x0  }
0x85: {  	s1 =	rddreg [dreg:$0x1a];
	[sflag:s14] =	ssyncadd.s32 $0xFFFFE000  }
0x86: {  	[tilespmem:s8], [sflag:$0x4] =	stream.indirect.gather [hbm4b:s4+s7], $0x10, s1, s7, $0xb8;
	[tilespmem:$0xF780] =	vst v63  }
0x87: {  	_ =	swait.ge [sflag:s17], $0x2000  }
0x88: {  	[sflag:s17] =	ssyncset.done $0x0  }
0x89: {  	s1 =	rddreg [dreg:$0x1b];
	[sflag:s17] =	ssyncadd.s32 $0xFFFFE000  }
0x8a: {  	[spmem:s2] =	stream.indirect.scatter.add.f32 [tilespmem:s9], [sflag:$0x7], $0x10, s1, s7, $0xb8;
	[tilespmem:$0xF780] =	vst v63  }
0x8b: {  	_ =	swait.ge [sflag:s15], $0x2000  }
0x8c: {  	[sflag:s15] =	ssyncset.done $0x0  }
0x8d: {  	s1 =	rddreg [dreg:$0x1c];
	[sflag:s15] =	ssyncadd.s32 $0xFFFFE000  }
0x8e: {  	[tilespmem:s11], [sflag:$0x1] =	stream.indirect.gather [hbm4b:s4+s7], $0x10, s1, s7, $0xb8;
	[tilespmem:$0xF780] =	vst v63  }
0x8f: {  	_ =	swait.ge [sflag:s16], $0x2000  }
0x90: {  	[sflag:s16] =	ssyncset.done $0x0  }
0x91: {  	s1 =	rddreg [dreg:$0x1d];
	[sflag:s16] =	ssyncadd.s32 $0xFFFFE000  }
0x92: {  	[spmem:s2] =	stream.indirect.scatter.add.f32 [tilespmem:s8], [sflag:$0x8], $0x10, s1, s7, $0xb8;
	[tilespmem:$0xF780] =	vst v63  }
0x93: {  	_ =	swait.ge [sflag:s12], $0x2000  }
0x94: {  	[sflag:s12] =	ssyncset.done $0x0  }
0x95: {  	s1 =	rddreg [dreg:$0x1e];
	[sflag:s12] =	ssyncadd.s32 $0xFFFFE000  }
0x96: {  	[tilespmem:s10], [sflag:$0x2] =	stream.indirect.gather [hbm4b:s4+s7], $0x10, s1, s7, $0xb8;
	[tilespmem:$0xF780] =	vst v63  }
0x97: {  	_ =	swait.ge [sflag:s19], $0x2000  }
0x98: {  	[sflag:s19] =	ssyncset.done $0x0  }
0x99: {  	s1 =	rddreg [dreg:$0x1f];
	[sflag:s19] =	ssyncadd.s32 $0xFFFFE000  }
0x9a: {  	[spmem:s2] =	stream.indirect.scatter.add.f32 [tilespmem:s11], [sflag:$0x5], $0x10, s1, s7, $0xb8;
	[tilespmem:$0xF780] =	vst v63  }
0x9b: {  	_ =	swait.ge [sflag:s13], $0x2000  }
0x9c: {  	s1 =	sld [smem:$0x7FA]  }
0x9d: {  	[sflag:s13] =	ssyncset.done $0x0  }
0x9e: {  	[sflag:s13] =	ssyncadd.s32 $0xFFFFE000  }
0x9f: {  	[tilespmem:s9], [sflag:$0x3] =	stream.indirect.gather [hbm4b:s4+s7], $0x10, s1, s7, $0xb8;
	[tilespmem:$0xF780] =	vst v63  }
0xa0: {  	_ =	swait.ge [sflag:s18], $0x2000  }
0xa1: {  	s1 =	sld [smem:$0x7FB]  }
0xa2: {  	[sflag:s18] =	ssyncset.done $0x0  }
0xa3: {  	[sflag:s18] =	ssyncadd.s32 $0xFFFFE000  }
0xa4: {  	[spmem:s2] =	stream.indirect.scatter.add.f32 [tilespmem:s10], [sflag:$0x6], $0x10, s1, s7, $0xb8;
	[tilespmem:$0xF780] =	vst v63  }
0xa5: {  	_ =	swait.ge [sflag:s14], $0x2000  }
0xa6: {  	s1 =	sld [smem:$0x7FC]  }
0xa7: {  	[sflag:s14] =	ssyncset.done $0x0  }
0xa8: {  	[sflag:s14] =	ssyncadd.s32 $0xFFFFE000  }
0xa9: {  	[tilespmem:s8], [sflag:$0x4] =	stream.indirect.gather [hbm4b:s4+s7], $0x10, s1, s7, $0xb8;
	[tilespmem:$0xF780] =	vst v63  }
0xaa: {  	_ =	swait.ge [sflag:s17], $0x2000  }
0xab: {  	s1 =	sld [smem:$0x7FD]  }
0xac: {  	[sflag:s17] =	ssyncset.done $0x0  }
0xad: {  	[sflag:s17] =	ssyncadd.s32 $0xFFFFE000  }
0xae: {  	[spmem:s2] =	stream.indirect.scatter.add.f32 [tilespmem:s9], [sflag:$0x7], $0x10, s1, s7, $0xb8;
	[tilespmem:$0xF780] =	vst v63  }
0xaf: {  	_ =	swait.ge [sflag:s15], $0x2000  }
0xb0: {  	[sflag:s15] =	ssyncset.done $0x0  }
0xb1: {  	[sflag:s15] =	ssyncadd.s32 $0xFFFFE000  }
0xb2: {  	[tilespmem:s11], [sflag:$0x1] =	stream.indirect.gather [hbm4b:s4+s7], $0x10, s26, s7, $0xb8;
	[tilespmem:$0xF780] =	vst v63  }
0xb3: {  	_ =	swait.ge [sflag:s16], $0x2000  }
0xb4: {  	[sflag:s16] =	ssyncset.done $0x0  }
0xb5: {  	[sflag:s16] =	ssyncadd.s32 $0xFFFFE000  }
0xb6: {  	[spmem:s2] =	stream.indirect.scatter.add.f32 [tilespmem:s8], [sflag:$0x8], $0x10, s29, s7, $0xb8;
	[tilespmem:$0xF780] =	vst v63  }
0xb7: {  	_ =	swait.ge [sflag:s12], $0x2000  }
0xb8: {  	[sflag:s12] =	ssyncset.done $0x0  }
0xb9: {  	s1 =	simm.s32 $0x2200;
	[sflag:s12] =	ssyncadd.s32 $0xFFFFE000  }
0xba: {  	[tilespmem:s10], [sflag:$0x2] =	stream.indirect.gather [hbm4b:s4+s7], $0x10, s1, s7, $0xb8;
	[tilespmem:$0xF780] =	vst v63  }
0xbb: {  	_ =	swait.ge [sflag:s19], $0x2000  }
0xbc: {  	[sflag:s19] =	ssyncset.done $0x0  }
0xbd: {  	[sflag:s19] =	ssyncadd.s32 $0xFFFFE000  }
0xbe: {  	[spmem:s2] =	stream.indirect.scatter.add.f32 [tilespmem:s11], [sflag:$0x5], $0x10, s28, s7, $0xb8;
	[tilespmem:$0xF780] =	vst v63  }
0xbf: {  	_ =	swait.ge [sflag:s13], $0x2000  }
0xc0: {  	[sflag:s13] =	ssyncset.done $0x0  }
0xc1: {  	[sflag:s13] =	ssyncadd.s32 $0xFFFFE000  }
0xc2: {  	[tilespmem:s9], [sflag:$0x3] =	stream.indirect.gather [hbm4b:s4+s7], $0x10, s25, s7, $0xb8;
	[tilespmem:$0xF780] =	vst v63  }
0xc3: {  	_ =	swait.ge [sflag:s18], $0x2000  }
0xc4: {  	[sflag:s18] =	ssyncset.done $0x0  }
0xc5: {  	[sflag:s18] =	ssyncadd.s32 $0xFFFFE000  }
0xc6: {  	[spmem:s2] =	stream.indirect.scatter.add.f32 [tilespmem:s10], [sflag:$0x6], $0x10, s24, s7, $0xb8;
	[tilespmem:$0xF780] =	vst v63  }
0xc7: {  	_ =	swait.ge [sflag:s14], $0x2000  }
0xc8: {  	[sflag:s14] =	ssyncset.done $0x0  }
0xc9: {  	[sflag:s14] =	ssyncadd.s32 $0xFFFFE000  }
0xca: {  	[tilespmem:s8], [sflag:$0x4] =	stream.indirect.gather [hbm4b:s4+s7], $0x10, s23, s7, $0xb8;
	[tilespmem:$0xF780] =	vst v63  }
0xcb: {  	_ =	swait.ge [sflag:s17], $0x2000  }
0xcc: {  	[sflag:s17] =	ssyncset.done $0x0  }
0xcd: {  	[sflag:s17] =	ssyncadd.s32 $0xFFFFE000  }
0xce: {  	[spmem:s2] =	stream.indirect.scatter.add.f32 [tilespmem:s9], [sflag:$0x7], $0x10, s22, s7, $0xb8;
	[tilespmem:$0xF780] =	vst v63  }
0xcf: {  	_ =	swait.ge [sflag:s15], $0x2000  }
0xd0: {  	[sflag:s15] =	ssyncset.done $0x0  }
0xd1: {  	[sflag:s15] =	ssyncadd.s32 $0xFFFFE000  }
0xd2: {  	_ =	swait.ge [sflag:s16], $0x2000  }
0xd3: {  	[sflag:s16] =	ssyncset.done $0x0  }
0xd4: {  	[sflag:s16] =	ssyncadd.s32 $0xFFFFE000  }
0xd5: {  	[spmem:s2] =	stream.indirect.scatter.add.f32 [tilespmem:s8], [sflag:$0x8], $0x10, s21, s7, $0xb8;
	[tilespmem:$0xF780] =	vst v63  }
0xd6: {  	_ =	swait.ge [sflag:s12], $0x2000  }
0xd7: {  	[sflag:s12] =	ssyncset.done $0x0  }
0xd8: {  	[sflag:s12] =	ssyncadd.s32 $0xFFFFE000  }
0xd9: {  	_ =	swait.ge [sflag:s13], $0x2000  }
0xda: {  	[sflag:s13] =	ssyncset.done $0x0  }
0xdb: {  	[sflag:s13] =	ssyncadd.s32 $0xFFFFE000  }
0xdc: {  	_ =	swait.ge [sflag:s14], $0x2000  }
0xdd: {  	[sflag:s14] =	ssyncset.done $0x0  }
0xde: {  	p1 =	sne.s32 s20, $0x1;
	[sflag:s14] =	ssyncadd.s32 $0xFFFFE000  }
.Ltmp1:
0xdf: {  	[bflag:$0x0] =	sbarrier.arrive $0xFFFF;
	(pc) =	sbr.rel @!p1 .LBB2_3-.Ltmp1, $4  }
0xe0: {  	s1 =	rddreg [dreg:$0x7]  }
0xe1: {  	[hbm:s1], [sflag:s3] =	dma.local [spmem:s5], $0x4F0  }
0xe2: {  	p0 =	por $0x1, $0x1;
	_ =	swait.ge [sflag:s6], $0x4F0  }
0xe3: {  	s1 =	sadd.s32 $0xFFFFFFFF, s20;
	s0 =	rddreg [dreg:$0x4];
	[sflag:s6] =	ssyncset.done $0x0  }
.LBB2_4:
0xe4: {  	[sflag:s6] =	ssyncadd.s32 $0xFFFFFB10  }
0xe5: {  	[spmem:s5], [sflag:s3] =	dma.local [hbm:s0], $0x4F0  }
0xe6: {  	_ =	swait.ge [sflag:s6], $0x4F0  }
0xe7: {  	[sflag:s6] =	ssyncset.done $0x0  }
0xe8: {  	s20 =	rddreg [dreg:$0x5];
	[sflag:s6] =	ssyncadd.s32 $0xFFFFFB10  }
0xe9: {  	[tilespmem:s30], [sflag:$0x9] =	stream.linear.gather [hbm4b:s20+s30], $0x2800, $0x38;
	[tilespmem:$0xF780] =	vst v63  }
0xea: {  	_ =	swait.ge [sflag:s6], $0x2800  }
0xeb: {  	[sflag:s6] =	ssyncset.done $0x0  }
0xec: {  	s20 =	rddreg [dreg:$0x6];
	[sflag:s6] =	ssyncadd.s32 $0xFFFFD800  }
0xed: {  	[tilespmem:s31], [sflag:$0x9] =	stream.linear.gather [hbm4b:s20+s30], $0x2800, $0x38;
	[tilespmem:$0xF780] =	vst v63  }
0xee: {  	_ =	swait.ge [sflag:s6], $0x2800  }
0xef: {  	[sflag:s6] =	ssyncset.done $0x0  }
0xf0: {  	[sflag:s6] =	ssyncadd.s32 $0xFFFFD800  }
0xf1: {  	[bflag:$0x0] =	sbarrier.arrive $0xFFFF  }
0xf2: {  	[tilespmem:s11], [sflag:$0x1] =	stream.indirect.gather [hbm4b:s4+s7], $0x10, s30, s7, $0xb8;
	[tilespmem:$0xF780] =	vst v63  }
0xf3: {  	_ = 	snop  }
0xf4: {  	[tilespmem:s10], [sflag:$0x2] =	stream.indirect.gather [hbm4b:s4+s7], $0x10, s7, s7, $0xb8;
	[tilespmem:$0xF780] =	vst v63  }
0xf5: {  	_ =	swait.ge [sflag:s19], $0x2000  }
0xf6: {  	[sflag:s19] =	ssyncset.done $0x0  }
0xf7: {  	[sflag:s19] =	ssyncadd.s32 $0xFFFFE000  }
0xf8: {  	[spmem:s2] =	stream.indirect.scatter.add.f32 [tilespmem:s11], [sflag:$0x5], $0x10, s31, s7, $0xb8;
	[tilespmem:$0xF780] =	vst v63  }
0xf9: {  	s20 =	rddreg [dreg:$0x8]  }
0xfa: {  	[tilespmem:s9], [sflag:$0x3] =	stream.indirect.gather [hbm4b:s4+s7], $0x10, s20, s7, $0xb8;
	[tilespmem:$0xF780] =	vst v63  }
0xfb: {  	_ =	swait.ge [sflag:s18], $0x2000  }
0xfc: {  	[sflag:s18] =	ssyncset.done $0x0  }
0xfd: {  	s0 =	rddreg [dreg:$0x9];
	[sflag:s18] =	ssyncadd.s32 $0xFFFFE000  }
0xfe: {  	[spmem:s2] =	stream.indirect.scatter.add.f32 [tilespmem:s10], [sflag:$0x6], $0x10, s0, s7, $0xb8;
	[tilespmem:$0xF780] =	vst v63  }
0xff: {  	s20 =	rddreg [dreg:$0xa]  }
0x100: {  	[tilespmem:s8], [sflag:$0x4] =	stream.indirect.gather [hbm4b:s4+s7], $0x10, s20, s7, $0xb8;
	[tilespmem:$0xF780] =	vst v63  }
0x101: {  	_ =	swait.ge [sflag:s17], $0x2000  }
0x102: {  	[sflag:s17] =	ssyncset.done $0x0  }
0x103: {  	s20 =	rddreg [dreg:$0xb];
	[sflag:s17] =	ssyncadd.s32 $0xFFFFE000  }
0x104: {  	[spmem:s2] =	stream.indirect.scatter.add.f32 [tilespmem:s9], [sflag:$0x7], $0x10, s20, s7, $0xb8;
	[tilespmem:$0xF780] =	vst v63  }
0x105: {  	_ =	swait.ge [sflag:s15], $0x2000  }
0x106: {  	[sflag:s15] =	ssyncset.done $0x0  }
0x107: {  	s20 =	rddreg [dreg:$0xc];
	[sflag:s15] =	ssyncadd.s32 $0xFFFFE000  }
0x108: {  	[tilespmem:s11], [sflag:$0x1] =	stream.indirect.gather [hbm4b:s4+s7], $0x10, s20, s7, $0xb8;
	[tilespmem:$0xF780] =	vst v63  }
0x109: {  	_ =	swait.ge [sflag:s16], $0x2000  }
0x10a: {  	[sflag:s16] =	ssyncset.done $0x0  }
0x10b: {  	s20 =	rddreg [dreg:$0xd];
	[sflag:s16] =	ssyncadd.s32 $0xFFFFE000  }
0x10c: {  	[spmem:s2] =	stream.indirect.scatter.add.f32 [tilespmem:s8], [sflag:$0x8], $0x10, s20, s7, $0xb8;
	[tilespmem:$0xF780] =	vst v63  }
0x10d: {  	_ =	swait.ge [sflag:s12], $0x2000  }
0x10e: {  	[sflag:s12] =	ssyncset.done $0x0  }
0x10f: {  	s20 =	rddreg [dreg:$0xe];
	[sflag:s12] =	ssyncadd.s32 $0xFFFFE000  }
0x110: {  	[tilespmem:s10], [sflag:$0x2] =	stream.indirect.gather [hbm4b:s4+s7], $0x10, s20, s7, $0xb8;
	[tilespmem:$0xF780] =	vst v63  }
0x111: {  	_ =	swait.ge [sflag:s19], $0x2000  }
0x112: {  	[sflag:s19] =	ssyncset.done $0x0  }
0x113: {  	s20 =	rddreg [dreg:$0xf];
	[sflag:s19] =	ssyncadd.s32 $0xFFFFE000  }
0x114: {  	[spmem:s2] =	stream.indirect.scatter.add.f32 [tilespmem:s11], [sflag:$0x5], $0x10, s20, s7, $0xb8;
	[tilespmem:$0xF780] =	vst v63  }
0x115: {  	_ =	swait.ge [sflag:s13], $0x2000  }
0x116: {  	[sflag:s13] =	ssyncset.done $0x0  }
0x117: {  	s20 =	rddreg [dreg:$0x10];
	[sflag:s13] =	ssyncadd.s32 $0xFFFFE000  }
0x118: {  	[tilespmem:s9], [sflag:$0x3] =	stream.indirect.gather [hbm4b:s4+s7], $0x10, s20, s7, $0xb8;
	[tilespmem:$0xF780] =	vst v63  }
0x119: {  	_ =	swait.ge [sflag:s18], $0x2000  }
0x11a: {  	[sflag:s18] =	ssyncset.done $0x0  }
0x11b: {  	s20 =	rddreg [dreg:$0x11];
	[sflag:s18] =	ssyncadd.s32 $0xFFFFE000  }
0x11c: {  	[spmem:s2] =	stream.indirect.scatter.add.f32 [tilespmem:s10], [sflag:$0x6], $0x10, s20, s7, $0xb8;
	[tilespmem:$0xF780] =	vst v63  }
0x11d: {  	_ =	swait.ge [sflag:s14], $0x2000  }
0x11e: {  	[sflag:s14] =	ssyncset.done $0x0  }
0x11f: {  	s20 =	rddreg [dreg:$0x12];
	[sflag:s14] =	ssyncadd.s32 $0xFFFFE000  }
0x120: {  	[tilespmem:s8], [sflag:$0x4] =	stream.indirect.gather [hbm4b:s4+s7], $0x10, s20, s7, $0xb8;
	[tilespmem:$0xF780] =	vst v63  }
0x121: {  	_ =	swait.ge [sflag:s17], $0x2000  }
0x122: {  	[sflag:s17] =	ssyncset.done $0x0  }
0x123: {  	s20 =	rddreg [dreg:$0x13];
	[sflag:s17] =	ssyncadd.s32 $0xFFFFE000  }
0x124: {  	[spmem:s2] =	stream.indirect.scatter.add.f32 [tilespmem:s9], [sflag:$0x7], $0x10, s20, s7, $0xb8;
	[tilespmem:$0xF780] =	vst v63  }
0x125: {  	_ =	swait.ge [sflag:s15], $0x2000  }
0x126: {  	[sflag:s15] =	ssyncset.done $0x0  }
0x127: {  	s20 =	rddreg [dreg:$0x14];
	[sflag:s15] =	ssyncadd.s32 $0xFFFFE000  }
0x128: {  	[tilespmem:s11], [sflag:$0x1] =	stream.indirect.gather [hbm4b:s4+s7], $0x10, s20, s7, $0xb8;
	[tilespmem:$0xF780] =	vst v63  }
0x129: {  	_ =	swait.ge [sflag:s16], $0x2000  }
0x12a: {  	[sflag:s16] =	ssyncset.done $0x0  }
0x12b: {  	s20 =	rddreg [dreg:$0x15];
	[sflag:s16] =	ssyncadd.s32 $0xFFFFE000  }
0x12c: {  	[spmem:s2] =	stream.indirect.scatter.add.f32 [tilespmem:s8], [sflag:$0x8], $0x10, s20, s7, $0xb8;
	[tilespmem:$0xF780] =	vst v63  }
0x12d: {  	_ =	swait.ge [sflag:s12], $0x2000  }
0x12e: {  	[sflag:s12] =	ssyncset.done $0x0  }
0x12f: {  	s20 =	rddreg [dreg:$0x16];
	[sflag:s12] =	ssyncadd.s32 $0xFFFFE000  }
0x130: {  	[tilespmem:s10], [sflag:$0x2] =	stream.indirect.gather [hbm4b:s4+s7], $0x10, s20, s7, $0xb8;
	[tilespmem:$0xF780] =	vst v63  }
0x131: {  	_ =	swait.ge [sflag:s19], $0x2000  }
0x132: {  	[sflag:s19] =	ssyncset.done $0x0  }
0x133: {  	s20 =	rddreg [dreg:$0x17];
	[sflag:s19] =	ssyncadd.s32 $0xFFFFE000  }
0x134: {  	[spmem:s2] =	stream.indirect.scatter.add.f32 [tilespmem:s11], [sflag:$0x5], $0x10, s20, s7, $0xb8;
	[tilespmem:$0xF780] =	vst v63  }
0x135: {  	_ =	swait.ge [sflag:s13], $0x2000  }
0x136: {  	[sflag:s13] =	ssyncset.done $0x0  }
0x137: {  	s20 =	rddreg [dreg:$0x18];
	[sflag:s13] =	ssyncadd.s32 $0xFFFFE000  }
0x138: {  	[tilespmem:s9], [sflag:$0x3] =	stream.indirect.gather [hbm4b:s4+s7], $0x10, s20, s7, $0xb8;
	[tilespmem:$0xF780] =	vst v63  }
0x139: {  	_ =	swait.ge [sflag:s18], $0x2000  }
0x13a: {  	[sflag:s18] =	ssyncset.done $0x0  }
0x13b: {  	s20 =	rddreg [dreg:$0x19];
	[sflag:s18] =	ssyncadd.s32 $0xFFFFE000  }
0x13c: {  	[spmem:s2] =	stream.indirect.scatter.add.f32 [tilespmem:s10], [sflag:$0x6], $0x10, s20, s7, $0xb8;
	[tilespmem:$0xF780] =	vst v63  }
0x13d: {  	_ =	swait.ge [sflag:s14], $0x2000  }
0x13e: {  	[sflag:s14] =	ssyncset.done $0x0  }
0x13f: {  	s20 =	rddreg [dreg:$0x1a];
	[sflag:s14] =	ssyncadd.s32 $0xFFFFE000  }
0x140: {  	[tilespmem:s8], [sflag:$0x4] =	stream.indirect.gather [hbm4b:s4+s7], $0x10, s20, s7, $0xb8;
	[tilespmem:$0xF780] =	vst v63  }
0x141: {  	_ =	swait.ge [sflag:s17], $0x2000  }
0x142: {  	[sflag:s17] =	ssyncset.done $0x0  }
0x143: {  	s20 =	rddreg [dreg:$0x1b];
	[sflag:s17] =	ssyncadd.s32 $0xFFFFE000  }
0x144: {  	[spmem:s2] =	stream.indirect.scatter.add.f32 [tilespmem:s9], [sflag:$0x7], $0x10, s20, s7, $0xb8;
	[tilespmem:$0xF780] =	vst v63  }
0x145: {  	_ =	swait.ge [sflag:s15], $0x2000  }
0x146: {  	[sflag:s15] =	ssyncset.done $0x0  }
0x147: {  	s20 =	rddreg [dreg:$0x1c];
	[sflag:s15] =	ssyncadd.s32 $0xFFFFE000  }
0x148: {  	[tilespmem:s11], [sflag:$0x1] =	stream.indirect.gather [hbm4b:s4+s7], $0x10, s20, s7, $0xb8;
	[tilespmem:$0xF780] =	vst v63  }
0x149: {  	_ =	swait.ge [sflag:s16], $0x2000  }
0x14a: {  	[sflag:s16] =	ssyncset.done $0x0  }
0x14b: {  	s20 =	rddreg [dreg:$0x1d];
	[sflag:s16] =	ssyncadd.s32 $0xFFFFE000  }
0x14c: {  	[spmem:s2] =	stream.indirect.scatter.add.f32 [tilespmem:s8], [sflag:$0x8], $0x10, s20, s7, $0xb8;
	[tilespmem:$0xF780] =	vst v63  }
0x14d: {  	_ =	swait.ge [sflag:s12], $0x2000  }
0x14e: {  	[sflag:s12] =	ssyncset.done $0x0  }
0x14f: {  	s20 =	rddreg [dreg:$0x1e];
	[sflag:s12] =	ssyncadd.s32 $0xFFFFE000  }
0x150: {  	[tilespmem:s10], [sflag:$0x2] =	stream.indirect.gather [hbm4b:s4+s7], $0x10, s20, s7, $0xb8;
	[tilespmem:$0xF780] =	vst v63  }
0x151: {  	_ =	swait.ge [sflag:s19], $0x2000  }
0x152: {  	[sflag:s19] =	ssyncset.done $0x0  }
0x153: {  	s20 =	rddreg [dreg:$0x1f];
	[sflag:s19] =	ssyncadd.s32 $0xFFFFE000  }
0x154: {  	[spmem:s2] =	stream.indirect.scatter.add.f32 [tilespmem:s11], [sflag:$0x5], $0x10, s20, s7, $0xb8;
	[tilespmem:$0xF780] =	vst v63  }
0x155: {  	_ =	swait.ge [sflag:s13], $0x2000  }
0x156: {  	s20 =	sld [smem:$0x7FA]  }
0x157: {  	[sflag:s13] =	ssyncset.done $0x0  }
0x158: {  	[sflag:s13] =	ssyncadd.s32 $0xFFFFE000  }
0x159: {  	[tilespmem:s9], [sflag:$0x3] =	stream.indirect.gather [hbm4b:s4+s7], $0x10, s20, s7, $0xb8;
	[tilespmem:$0xF780] =	vst v63  }
0x15a: {  	_ =	swait.ge [sflag:s18], $0x2000  }
0x15b: {  	s20 =	sld [smem:$0x7FB]  }
0x15c: {  	[sflag:s18] =	ssyncset.done $0x0  }
0x15d: {  	[sflag:s18] =	ssyncadd.s32 $0xFFFFE000  }
0x15e: {  	[spmem:s2] =	stream.indirect.scatter.add.f32 [tilespmem:s10], [sflag:$0x6], $0x10, s20, s7, $0xb8;
	[tilespmem:$0xF780] =	vst v63  }
0x15f: {  	_ =	swait.ge [sflag:s14], $0x2000  }
0x160: {  	s20 =	sld [smem:$0x7FC]  }
0x161: {  	[sflag:s14] =	ssyncset.done $0x0  }
0x162: {  	[sflag:s14] =	ssyncadd.s32 $0xFFFFE000  }
0x163: {  	[tilespmem:s8], [sflag:$0x4] =	stream.indirect.gather [hbm4b:s4+s7], $0x10, s20, s7, $0xb8;
	[tilespmem:$0xF780] =	vst v63  }
0x164: {  	_ =	swait.ge [sflag:s17], $0x2000  }
0x165: {  	s20 =	sld [smem:$0x7FD]  }
0x166: {  	[sflag:s17] =	ssyncset.done $0x0  }
0x167: {  	[sflag:s17] =	ssyncadd.s32 $0xFFFFE000  }
0x168: {  	[spmem:s2] =	stream.indirect.scatter.add.f32 [tilespmem:s9], [sflag:$0x7], $0x10, s20, s7, $0xb8;
	[tilespmem:$0xF780] =	vst v63  }
0x169: {  	_ =	swait.ge [sflag:s15], $0x2000  }
0x16a: {  	[sflag:s15] =	ssyncset.done $0x0  }
0x16b: {  	[sflag:s15] =	ssyncadd.s32 $0xFFFFE000  }
0x16c: {  	[tilespmem:s11], [sflag:$0x1] =	stream.indirect.gather [hbm4b:s4+s7], $0x10, s26, s7, $0xb8;
	[tilespmem:$0xF780] =	vst v63  }
0x16d: {  	_ =	swait.ge [sflag:s16], $0x2000  }
0x16e: {  	[sflag:s16] =	ssyncset.done $0x0  }
0x16f: {  	[sflag:s16] =	ssyncadd.s32 $0xFFFFE000  }
0x170: {  	[spmem:s2] =	stream.indirect.scatter.add.f32 [tilespmem:s8], [sflag:$0x8], $0x10, s29, s7, $0xb8;
	[tilespmem:$0xF780] =	vst v63  }
0x171: {  	_ =	swait.ge [sflag:s12], $0x2000  }
0x172: {  	[sflag:s12] =	ssyncset.done $0x0  }
0x173: {  	s20 =	simm.s32 $0x2200;
	[sflag:s12] =	ssyncadd.s32 $0xFFFFE000  }
0x174: {  	[tilespmem:s10], [sflag:$0x2] =	stream.indirect.gather [hbm4b:s4+s7], $0x10, s20, s7, $0xb8;
	[tilespmem:$0xF780] =	vst v63  }
0x175: {  	_ =	swait.ge [sflag:s19], $0x2000  }
0x176: {  	[sflag:s19] =	ssyncset.done $0x0  }
0x177: {  	[sflag:s19] =	ssyncadd.s32 $0xFFFFE000  }
0x178: {  	[spmem:s2] =	stream.indirect.scatter.add.f32 [tilespmem:s11], [sflag:$0x5], $0x10, s28, s7, $0xb8;
	[tilespmem:$0xF780] =	vst v63  }
0x179: {  	_ =	swait.ge [sflag:s13], $0x2000  }
0x17a: {  	[sflag:s13] =	ssyncset.done $0x0  }
0x17b: {  	[sflag:s13] =	ssyncadd.s32 $0xFFFFE000  }
0x17c: {  	[tilespmem:s9], [sflag:$0x3] =	stream.indirect.gather [hbm4b:s4+s7], $0x10, s25, s7, $0xb8;
	[tilespmem:$0xF780] =	vst v63  }
0x17d: {  	_ =	swait.ge [sflag:s18], $0x2000  }
0x17e: {  	[sflag:s18] =	ssyncset.done $0x0  }
0x17f: {  	[sflag:s18] =	ssyncadd.s32 $0xFFFFE000  }
0x180: {  	[spmem:s2] =	stream.indirect.scatter.add.f32 [tilespmem:s10], [sflag:$0x6], $0x10, s24, s7, $0xb8;
	[tilespmem:$0xF780] =	vst v63  }
0x181: {  	_ =	swait.ge [sflag:s14], $0x2000  }
0x182: {  	[sflag:s14] =	ssyncset.done $0x0  }
0x183: {  	[sflag:s14] =	ssyncadd.s32 $0xFFFFE000  }
0x184: {  	[tilespmem:s8], [sflag:$0x4] =	stream.indirect.gather [hbm4b:s4+s7], $0x10, s23, s7, $0xb8;
	[tilespmem:$0xF780] =	vst v63  }
0x185: {  	_ =	swait.ge [sflag:s17], $0x2000  }
0x186: {  	[sflag:s17] =	ssyncset.done $0x0  }
0x187: {  	[sflag:s17] =	ssyncadd.s32 $0xFFFFE000  }
0x188: {  	[spmem:s2] =	stream.indirect.scatter.add.f32 [tilespmem:s9], [sflag:$0x7], $0x10, s22, s7, $0xb8;
	[tilespmem:$0xF780] =	vst v63  }
0x189: {  	_ =	swait.ge [sflag:s15], $0x2000  }
0x18a: {  	[sflag:s15] =	ssyncset.done $0x0  }
0x18b: {  	[sflag:s15] =	ssyncadd.s32 $0xFFFFE000  }
0x18c: {  	_ =	swait.ge [sflag:s16], $0x2000  }
0x18d: {  	[sflag:s16] =	ssyncset.done $0x0  }
0x18e: {  	[sflag:s16] =	ssyncadd.s32 $0xFFFFE000  }
0x18f: {  	[spmem:s2] =	stream.indirect.scatter.add.f32 [tilespmem:s8], [sflag:$0x8], $0x10, s21, s7, $0xb8;
	[tilespmem:$0xF780] =	vst v63  }
0x190: {  	_ =	swait.ge [sflag:s12], $0x2000  }
0x191: {  	[sflag:s12] =	ssyncset.done $0x0  }
0x192: {  	[sflag:s12] =	ssyncadd.s32 $0xFFFFE000  }
0x193: {  	_ =	swait.ge [sflag:s13], $0x2000  }
0x194: {  	[sflag:s13] =	ssyncset.done $0x0  }
0x195: {  	[sflag:s13] =	ssyncadd.s32 $0xFFFFE000  }
0x196: {  	_ =	swait.ge [sflag:s14], $0x2000  }
0x197: {  	[sflag:s14] =	ssyncset.done $0x0  }
0x198: {  	p1 =	sne.s32 s1, $0x1;
	[sflag:s14] =	ssyncadd.s32 $0xFFFFE000  }
.Ltmp2:
0x199: {  	[bflag:$0x0] =	sbarrier.arrive $0xFFFF;
	(pc) =	sbr.rel @p1 .LBB2_4-.Ltmp2, $4  }
0x19a: {  	s20 =	rddreg [dreg:$0x7]  }
0x19b: {  	[hbm:s20], [sflag:s3] =	dma.local [spmem:s5], $0x4F0  }
0x19c: {  	_ =	swait.ge [sflag:s6], $0x4F0  }
0x19d: {  	s1 =	sadd.s32 $0xFFFFFFFF, s1;
	s0 =	rddreg [dreg:$0x4];
	[sflag:s6] =	ssyncset.done $0x0  }
0x19e: {  	s21 =	simm.s32 $0x2000;
	s29 =	simm.s32 $0x4600;
	s28 =	simm.s32 $0x4800  }
0x19f: {  	s26 =	simm.s32 $0x2200;
	s25 =	simm.s32 $0x2400;
	s24 =	simm.s32 $0x4A00  }
0x1a0: {  	s23 =	simm.s32 $0x2600;
	s22 =	simm.s32 $0x4C00;
	s20 =	stileid.u32  }
.LBB2_6:
0x1a1: {  	[sflag:s6] =	ssyncadd.s32 @p0 $0xFFFFFB10  }
0x1a2: {  	[spmem:s5], [sflag:s3] =	dma.local [hbm:s0], $0x4F0  }
0x1a3: {  	_ =	swait.ge [sflag:s6], $0x4F0  }
0x1a4: {  	[sflag:s6] =	ssyncset.done $0x0  }
0x1a5: {  	s1 =	rddreg [dreg:$0x5];
	[sflag:s6] =	ssyncadd.s32 $0xFFFFFB10  }
0x1a6: {  	[tilespmem:s30], [sflag:$0x9] =	stream.linear.gather [hbm4b:s1+s30], $0x2800, $0x38;
	[tilespmem:$0xF780] =	vst v63  }
0x1a7: {  	_ =	swait.ge [sflag:s6], $0x2800  }
0x1a8: {  	[sflag:s6] =	ssyncset.done $0x0  }
0x1a9: {  	s1 =	rddreg [dreg:$0x6];
	[sflag:s6] =	ssyncadd.s32 $0xFFFFD800  }
0x1aa: {  	[tilespmem:s31], [sflag:$0x9] =	stream.linear.gather [hbm4b:s1+s30], $0x2800, $0x38;
	[tilespmem:$0xF780] =	vst v63  }
0x1ab: {  	_ =	swait.ge [sflag:s6], $0x2800  }
0x1ac: {  	[sflag:s6] =	ssyncset.done $0x0  }
0x1ad: {  	[sflag:s6] =	ssyncadd.s32 $0xFFFFD800  }
0x1ae: {  	[bflag:$0x0] =	sbarrier.arrive $0xFFFF  }
0x1af: {  	[tilespmem:s11], [sflag:$0x1] =	stream.indirect.gather [hbm4b:s4+s7], $0x10, s30, s7, $0xb8;
	[tilespmem:$0xF780] =	vst v63  }
0x1b0: {  	_ = 	snop  }
0x1b1: {  	[tilespmem:s10], [sflag:$0x2] =	stream.indirect.gather [hbm4b:s4+s7], $0x10, s7, s7, $0xb8;
	[tilespmem:$0xF780] =	vst v63  }
0x1b2: {  	_ =	swait.ge [sflag:s19], $0x2000  }
0x1b3: {  	[sflag:s19] =	ssyncset.done $0x0  }
0x1b4: {  	[sflag:s19] =	ssyncadd.s32 $0xFFFFE000  }
0x1b5: {  	[spmem:s2] =	stream.indirect.scatter.add.f32 [tilespmem:s11], [sflag:$0x5], $0x10, s31, s7, $0xb8;
	[tilespmem:$0xF780] =	vst v63  }
0x1b6: {  	s30 =	rddreg [dreg:$0x8]  }
0x1b7: {  	[tilespmem:s9], [sflag:$0x3] =	stream.indirect.gather [hbm4b:s4+s7], $0x10, s30, s7, $0xb8;
	[tilespmem:$0xF780] =	vst v63  }
0x1b8: {  	_ =	swait.ge [sflag:s18], $0x2000  }
0x1b9: {  	[sflag:s18] =	ssyncset.done $0x0  }
0x1ba: {  	s31 =	rddreg [dreg:$0x9];
	[sflag:s18] =	ssyncadd.s32 $0xFFFFE000  }
0x1bb: {  	[spmem:s2] =	stream.indirect.scatter.add.f32 [tilespmem:s10], [sflag:$0x6], $0x10, s31, s7, $0xb8;
	[tilespmem:$0xF780] =	vst v63  }
0x1bc: {  	s1 =	rddreg [dreg:$0xa]  }
0x1bd: {  	[tilespmem:s8], [sflag:$0x4] =	stream.indirect.gather [hbm4b:s4+s7], $0x10, s1, s7, $0xb8;
	[tilespmem:$0xF780] =	vst v63  }
0x1be: {  	_ =	swait.ge [sflag:s17], $0x2000  }
0x1bf: {  	[sflag:s17] =	ssyncset.done $0x0  }
0x1c0: {  	s1 =	rddreg [dreg:$0xb];
	[sflag:s17] =	ssyncadd.s32 $0xFFFFE000  }
0x1c1: {  	[spmem:s2] =	stream.indirect.scatter.add.f32 [tilespmem:s9], [sflag:$0x7], $0x10, s1, s7, $0xb8;
	[tilespmem:$0xF780] =	vst v63  }
0x1c2: {  	_ =	swait.ge [sflag:s15], $0x2000  }
0x1c3: {  	[sflag:s15] =	ssyncset.done $0x0  }
0x1c4: {  	s30 =	rddreg [dreg:$0xc];
	[sflag:s15] =	ssyncadd.s32 $0xFFFFE000  }
0x1c5: {  	[tilespmem:s11], [sflag:$0x1] =	stream.indirect.gather [hbm4b:s4+s7], $0x10, s30, s7, $0xb8;
	[tilespmem:$0xF780] =	vst v63  }
0x1c6: {  	_ =	swait.ge [sflag:s16], $0x2000  }
0x1c7: {  	[sflag:s16] =	ssyncset.done $0x0  }
0x1c8: {  	s31 =	rddreg [dreg:$0xd];
	[sflag:s16] =	ssyncadd.s32 $0xFFFFE000  }
0x1c9: {  	[spmem:s2] =	stream.indirect.scatter.add.f32 [tilespmem:s8], [sflag:$0x8], $0x10, s31, s7, $0xb8;
	[tilespmem:$0xF780] =	vst v63  }
0x1ca: {  	_ =	swait.ge [sflag:s12], $0x2000  }
0x1cb: {  	[sflag:s12] =	ssyncset.done $0x0  }
0x1cc: {  	s1 =	rddreg [dreg:$0xe];
	[sflag:s12] =	ssyncadd.s32 $0xFFFFE000  }
0x1cd: {  	[tilespmem:s10], [sflag:$0x2] =	stream.indirect.gather [hbm4b:s4+s7], $0x10, s1, s7, $0xb8;
	[tilespmem:$0xF780] =	vst v63  }
0x1ce: {  	_ =	swait.ge [sflag:s19], $0x2000  }
0x1cf: {  	[sflag:s19] =	ssyncset.done $0x0  }
0x1d0: {  	s30 =	rddreg [dreg:$0xf];
	[sflag:s19] =	ssyncadd.s32 $0xFFFFE000  }
0x1d1: {  	[spmem:s2] =	stream.indirect.scatter.add.f32 [tilespmem:s11], [sflag:$0x5], $0x10, s30, s7, $0xb8;
	[tilespmem:$0xF780] =	vst v63  }
0x1d2: {  	_ =	swait.ge [sflag:s13], $0x2000  }
0x1d3: {  	[sflag:s13] =	ssyncset.done $0x0  }
0x1d4: {  	s31 =	rddreg [dreg:$0x10];
	[sflag:s13] =	ssyncadd.s32 $0xFFFFE000  }
0x1d5: {  	[tilespmem:s9], [sflag:$0x3] =	stream.indirect.gather [hbm4b:s4+s7], $0x10, s31, s7, $0xb8;
	[tilespmem:$0xF780] =	vst v63  }
0x1d6: {  	_ =	swait.ge [sflag:s18], $0x2000  }
0x1d7: {  	[sflag:s18] =	ssyncset.done $0x0  }
0x1d8: {  	s1 =	rddreg [dreg:$0x11];
	[sflag:s18] =	ssyncadd.s32 $0xFFFFE000  }
0x1d9: {  	[spmem:s2] =	stream.indirect.scatter.add.f32 [tilespmem:s10], [sflag:$0x6], $0x10, s1, s7, $0xb8;
	[tilespmem:$0xF780] =	vst v63  }
0x1da: {  	_ =	swait.ge [sflag:s14], $0x2000  }
0x1db: {  	[sflag:s14] =	ssyncset.done $0x0  }
0x1dc: {  	s30 =	rddreg [dreg:$0x12];
	[sflag:s14] =	ssyncadd.s32 $0xFFFFE000  }
0x1dd: {  	[tilespmem:s8], [sflag:$0x4] =	stream.indirect.gather [hbm4b:s4+s7], $0x10, s30, s7, $0xb8;
	[tilespmem:$0xF780] =	vst v63  }
0x1de: {  	_ =	swait.ge [sflag:s17], $0x2000  }
0x1df: {  	[sflag:s17] =	ssyncset.done $0x0  }
0x1e0: {  	s31 =	rddreg [dreg:$0x13];
	[sflag:s17] =	ssyncadd.s32 $0xFFFFE000  }
0x1e1: {  	[spmem:s2] =	stream.indirect.scatter.add.f32 [tilespmem:s9], [sflag:$0x7], $0x10, s31, s7, $0xb8;
	[tilespmem:$0xF780] =	vst v63  }
0x1e2: {  	_ =	swait.ge [sflag:s15], $0x2000  }
0x1e3: {  	[sflag:s15] =	ssyncset.done $0x0  }
0x1e4: {  	s1 =	rddreg [dreg:$0x14];
	[sflag:s15] =	ssyncadd.s32 $0xFFFFE000  }
0x1e5: {  	[tilespmem:s11], [sflag:$0x1] =	stream.indirect.gather [hbm4b:s4+s7], $0x10, s1, s7, $0xb8;
	[tilespmem:$0xF780] =	vst v63  }
0x1e6: {  	_ =	swait.ge [sflag:s16], $0x2000  }
0x1e7: {  	[sflag:s16] =	ssyncset.done $0x0  }
0x1e8: {  	s30 =	rddreg [dreg:$0x15];
	[sflag:s16] =	ssyncadd.s32 $0xFFFFE000  }
0x1e9: {  	[spmem:s2] =	stream.indirect.scatter.add.f32 [tilespmem:s8], [sflag:$0x8], $0x10, s30, s7, $0xb8;
	[tilespmem:$0xF780] =	vst v63  }
0x1ea: {  	_ =	swait.ge [sflag:s12], $0x2000  }
0x1eb: {  	[sflag:s12] =	ssyncset.done $0x0  }
0x1ec: {  	s31 =	rddreg [dreg:$0x16];
	[sflag:s12] =	ssyncadd.s32 $0xFFFFE000  }
0x1ed: {  	[tilespmem:s10], [sflag:$0x2] =	stream.indirect.gather [hbm4b:s4+s7], $0x10, s31, s7, $0xb8;
	[tilespmem:$0xF780] =	vst v63  }
0x1ee: {  	_ =	swait.ge [sflag:s19], $0x2000  }
0x1ef: {  	[sflag:s19] =	ssyncset.done $0x0  }
0x1f0: {  	s1 =	rddreg [dreg:$0x17];
	[sflag:s19] =	ssyncadd.s32 $0xFFFFE000  }
0x1f1: {  	[spmem:s2] =	stream.indirect.scatter.add.f32 [tilespmem:s11], [sflag:$0x5], $0x10, s1, s7, $0xb8;
	[tilespmem:$0xF780] =	vst v63  }
0x1f2: {  	_ =	swait.ge [sflag:s13], $0x2000  }
0x1f3: {  	[sflag:s13] =	ssyncset.done $0x0  }
0x1f4: {  	s30 =	rddreg [dreg:$0x18];
	[sflag:s13] =	ssyncadd.s32 $0xFFFFE000  }
0x1f5: {  	[tilespmem:s9], [sflag:$0x3] =	stream.indirect.gather [hbm4b:s4+s7], $0x10, s30, s7, $0xb8;
	[tilespmem:$0xF780] =	vst v63  }
0x1f6: {  	_ =	swait.ge [sflag:s18], $0x2000  }
0x1f7: {  	[sflag:s18] =	ssyncset.done $0x0  }
0x1f8: {  	s31 =	rddreg [dreg:$0x19];
	[sflag:s18] =	ssyncadd.s32 $0xFFFFE000  }
0x1f9: {  	[spmem:s2] =	stream.indirect.scatter.add.f32 [tilespmem:s10], [sflag:$0x6], $0x10, s31, s7, $0xb8;
	[tilespmem:$0xF780] =	vst v63  }
0x1fa: {  	_ =	swait.ge [sflag:s14], $0x2000  }
0x1fb: {  	[sflag:s14] =	ssyncset.done $0x0  }
0x1fc: {  	s1 =	rddreg [dreg:$0x1a];
	[sflag:s14] =	ssyncadd.s32 $0xFFFFE000  }
0x1fd: {  	[tilespmem:s8], [sflag:$0x4] =	stream.indirect.gather [hbm4b:s4+s7], $0x10, s1, s7, $0xb8;
	[tilespmem:$0xF780] =	vst v63  }
0x1fe: {  	_ =	swait.ge [sflag:s17], $0x2000  }
0x1ff: {  	[sflag:s17] =	ssyncset.done $0x0  }
0x200: {  	s30 =	rddreg [dreg:$0x1b];
	[sflag:s17] =	ssyncadd.s32 $0xFFFFE000  }
0x201: {  	[spmem:s2] =	stream.indirect.scatter.add.f32 [tilespmem:s9], [sflag:$0x7], $0x10, s30, s7, $0xb8;
	[tilespmem:$0xF780] =	vst v63  }
0x202: {  	_ =	swait.ge [sflag:s15], $0x2000  }
0x203: {  	[sflag:s15] =	ssyncset.done $0x0  }
0x204: {  	s31 =	rddreg [dreg:$0x1c];
	[sflag:s15] =	ssyncadd.s32 $0xFFFFE000  }
0x205: {  	[tilespmem:s11], [sflag:$0x1] =	stream.indirect.gather [hbm4b:s4+s7], $0x10, s31, s7, $0xb8;
	[tilespmem:$0xF780] =	vst v63  }
0x206: {  	_ =	swait.ge [sflag:s16], $0x2000  }
0x207: {  	[sflag:s16] =	ssyncset.done $0x0  }
0x208: {  	s1 =	rddreg [dreg:$0x1d];
	[sflag:s16] =	ssyncadd.s32 $0xFFFFE000  }
0x209: {  	[spmem:s2] =	stream.indirect.scatter.add.f32 [tilespmem:s8], [sflag:$0x8], $0x10, s1, s7, $0xb8;
	[tilespmem:$0xF780] =	vst v63  }
0x20a: {  	_ =	swait.ge [sflag:s12], $0x2000  }
0x20b: {  	[sflag:s12] =	ssyncset.done $0x0  }
0x20c: {  	s30 =	rddreg [dreg:$0x1e];
	[sflag:s12] =	ssyncadd.s32 $0xFFFFE000  }
0x20d: {  	[tilespmem:s10], [sflag:$0x2] =	stream.indirect.gather [hbm4b:s4+s7], $0x10, s30, s7, $0xb8;
	[tilespmem:$0xF780] =	vst v63  }
0x20e: {  	_ =	swait.ge [sflag:s19], $0x2000  }
0x20f: {  	[sflag:s19] =	ssyncset.done $0x0  }
0x210: {  	s31 =	rddreg [dreg:$0x1f];
	[sflag:s19] =	ssyncadd.s32 $0xFFFFE000  }
0x211: {  	[spmem:s2] =	stream.indirect.scatter.add.f32 [tilespmem:s11], [sflag:$0x5], $0x10, s31, s7, $0xb8;
	[tilespmem:$0xF780] =	vst v63  }
0x212: {  	_ =	swait.ge [sflag:s13], $0x2000  }
0x213: {  	s1 =	sld [smem:$0x7FA]  }
0x214: {  	[sflag:s13] =	ssyncset.done $0x0  }
0x215: {  	[sflag:s13] =	ssyncadd.s32 $0xFFFFE000  }
0x216: {  	[tilespmem:s9], [sflag:$0x3] =	stream.indirect.gather [hbm4b:s4+s7], $0x10, s1, s7, $0xb8;
	[tilespmem:$0xF780] =	vst v63  }
0x217: {  	_ =	swait.ge [sflag:s18], $0x2000  }
0x218: {  	s30 =	sld [smem:$0x7FB]  }
0x219: {  	[sflag:s18] =	ssyncset.done $0x0  }
0x21a: {  	[sflag:s18] =	ssyncadd.s32 $0xFFFFE000  }
0x21b: {  	[spmem:s2] =	stream.indirect.scatter.add.f32 [tilespmem:s10], [sflag:$0x6], $0x10, s30, s7, $0xb8;
	[tilespmem:$0xF780] =	vst v63  }
0x21c: {  	_ =	swait.ge [sflag:s14], $0x2000  }
0x21d: {  	s31 =	sld [smem:$0x7FC]  }
0x21e: {  	[sflag:s14] =	ssyncset.done $0x0  }
0x21f: {  	[sflag:s14] =	ssyncadd.s32 $0xFFFFE000  }
0x220: {  	[tilespmem:s8], [sflag:$0x4] =	stream.indirect.gather [hbm4b:s4+s7], $0x10, s31, s7, $0xb8;
	[tilespmem:$0xF780] =	vst v63  }
0x221: {  	_ =	swait.ge [sflag:s17], $0x2000  }
0x222: {  	s1 =	sld [smem:$0x7FD]  }
0x223: {  	[sflag:s17] =	ssyncset.done $0x0  }
0x224: {  	[sflag:s17] =	ssyncadd.s32 $0xFFFFE000  }
0x225: {  	[spmem:s2] =	stream.indirect.scatter.add.f32 [tilespmem:s9], [sflag:$0x7], $0x10, s1, s7, $0xb8;
	[tilespmem:$0xF780] =	vst v63  }
0x226: {  	_ =	swait.ge [sflag:s15], $0x2000  }
0x227: {  	[sflag:s15] =	ssyncset.done $0x0  }
0x228: {  	[sflag:s15] =	ssyncadd.s32 $0xFFFFE000  }
0x229: {  	[tilespmem:s11], [sflag:$0x1] =	stream.indirect.gather [hbm4b:s4+s7], $0x10, s21, s7, $0xb8;
	[tilespmem:$0xF780] =	vst v63  }
0x22a: {  	_ =	swait.ge [sflag:s16], $0x2000  }
0x22b: {  	[sflag:s16] =	ssyncset.done $0x0  }
0x22c: {  	[sflag:s16] =	ssyncadd.s32 $0xFFFFE000  }
0x22d: {  	[spmem:s2] =	stream.indirect.scatter.add.f32 [tilespmem:s8], [sflag:$0x8], $0x10, s29, s7, $0xb8;
	[tilespmem:$0xF780] =	vst v63  }
0x22e: {  	_ =	swait.ge [sflag:s12], $0x2000  }
0x22f: {  	[sflag:s12] =	ssyncset.done $0x0  }
0x230: {  	[sflag:s12] =	ssyncadd.s32 $0xFFFFE000  }
0x231: {  	[tilespmem:s10], [sflag:$0x2] =	stream.indirect.gather [hbm4b:s4+s7], $0x10, s26, s7, $0xb8;
	[tilespmem:$0xF780] =	vst v63  }
0x232: {  	_ =	swait.ge [sflag:s19], $0x2000  }
0x233: {  	[sflag:s19] =	ssyncset.done $0x0  }
0x234: {  	[sflag:s19] =	ssyncadd.s32 $0xFFFFE000  }
0x235: {  	[spmem:s2] =	stream.indirect.scatter.add.f32 [tilespmem:s11], [sflag:$0x5], $0x10, s28, s7, $0xb8;
	[tilespmem:$0xF780] =	vst v63  }
0x236: {  	_ =	swait.ge [sflag:s13], $0x2000  }
0x237: {  	[sflag:s13] =	ssyncset.done $0x0  }
0x238: {  	[sflag:s13] =	ssyncadd.s32 $0xFFFFE000  }
0x239: {  	[tilespmem:s9], [sflag:$0x3] =	stream.indirect.gather [hbm4b:s4+s7], $0x10, s25, s7, $0xb8;
	[tilespmem:$0xF780] =	vst v63  }
0x23a: {  	_ =	swait.ge [sflag:s18], $0x2000  }
0x23b: {  	[sflag:s18] =	ssyncset.done $0x0  }
0x23c: {  	[sflag:s18] =	ssyncadd.s32 $0xFFFFE000  }
0x23d: {  	[spmem:s2] =	stream.indirect.scatter.add.f32 [tilespmem:s10], [sflag:$0x6], $0x10, s24, s7, $0xb8;
	[tilespmem:$0xF780] =	vst v63  }
0x23e: {  	_ =	swait.ge [sflag:s14], $0x2000  }
0x23f: {  	[sflag:s14] =	ssyncset.done $0x0  }
0x240: {  	[sflag:s14] =	ssyncadd.s32 $0xFFFFE000  }
0x241: {  	[tilespmem:s8], [sflag:$0x4] =	stream.indirect.gather [hbm4b:s4+s7], $0x10, s23, s7, $0xb8;
	[tilespmem:$0xF780] =	vst v63  }
0x242: {  	_ =	swait.ge [sflag:s17], $0x2000  }
0x243: {  	[sflag:s17] =	ssyncset.done $0x0  }
0x244: {  	[sflag:s17] =	ssyncadd.s32 $0xFFFFE000  }
0x245: {  	[spmem:s2] =	stream.indirect.scatter.add.f32 [tilespmem:s9], [sflag:$0x7], $0x10, s22, s7, $0xb8;
	[tilespmem:$0xF780] =	vst v63  }
0x246: {  	_ =	swait.ge [sflag:s15], $0x2000  }
0x247: {  	[sflag:s15] =	ssyncset.done $0x0  }
0x248: {  	[sflag:s15] =	ssyncadd.s32 $0xFFFFE000  }
0x249: {  	_ =	swait.ge [sflag:s16], $0x2000  }
0x24a: {  	[sflag:s16] =	ssyncset.done $0x0  }
0x24b: {  	s30 =	simm.s32 $0x4E00;
	[sflag:s16] =	ssyncadd.s32 $0xFFFFE000  }
0x24c: {  	[spmem:s2] =	stream.indirect.scatter.add.f32 [tilespmem:s8], [sflag:$0x8], $0x10, s30, s7, $0xb8;
	[tilespmem:$0xF780] =	vst v63  }
0x24d: {  	_ =	swait.ge [sflag:s12], $0x2000  }
0x24e: {  	[sflag:s12] =	ssyncset.done $0x0  }
0x24f: {  	[sflag:s12] =	ssyncadd.s32 $0xFFFFE000  }
0x250: {  	_ =	swait.ge [sflag:s13], $0x2000  }
0x251: {  	[sflag:s13] =	ssyncset.done $0x0  }
0x252: {  	[sflag:s13] =	ssyncadd.s32 $0xFFFFE000  }
0x253: {  	_ =	swait.ge [sflag:s14], $0x2000  }
0x254: {  	[sflag:s14] =	ssyncset.done $0x0  }
0x255: {  	[sflag:s14] =	ssyncadd.s32 $0xFFFFE000  }
0x256: {  	[bflag:$0x0] =	sbarrier.arrive $0xFFFF  }
0x257: {  	s31 =	rddreg [dreg:$0x7]  }
0x258: {  	[hbm:s31], [sflag:s3] =	dma.local [spmem:s5], $0x4F0  }
0x259: {  	_ =	swait.ge [sflag:s6], $0x4F0  }
0x25a: {  	[sflag:s6] =	ssyncset.done $0x0  }
0x25b: {  	[sflag:s6] =	ssyncadd.s32 $0xFFFFFB10  }
0x25c: {  	_ =	sfence.sel $0x180000  }
0x25d: {  	[bflag:$0x0] =	sbarrier.arrive $0xFFFF  }
0x25e: {  	_ =	strace $0x9000004A  }
0x25f: {  	[bflag:$0x2] =	sbarrier.arrive $0xFFFF  }
0x260: {  	p0 =	sne.s32 s20, $0x0;
	s0 =	rddreg [dreg:$0x3]  }
0x261: {  	s0 =	sadd.s32 @!p0 $0x100000, s0  }
0x262: {  	[sflag:s0] =	ssyncadd.tile.s32 @!p0 $0x1;
	_ =	shalt  }
.LBB2_1:
.Ltmp3:
0x263: {  	(pc) =	sbr.rel .LBB2_6-.Ltmp3, $4  }
0x264: {  	_ = 	snop  }
0x265: {  	s21 =	simm.s32 $0x2000;
	s29 =	simm.s32 $0x4600  }
0x266: {  	s28 =	simm.s32 $0x4800;
	s26 =	simm.s32 $0x2200;
	s25 =	simm.s32 $0x2400  }
0x267: {  	s24 =	simm.s32 $0x4A00;
	s23 =	simm.s32 $0x2600;
	s22 =	simm.s32 $0x4C00  }
.LBB2_3:
.Ltmp4:
0x268: {  	(pc) =	sbr.rel .LBB2_6-.Ltmp4, $4  }
0x269: {  	_ = 	snop  }
0x26a: {  	s21 =	simm.s32 $0x2000;
	s29 =	simm.s32 $0x4600;
	s28 =	simm.s32 $0x4800  }
0x26b: {  	s26 =	simm.s32 $0x2200;
	s25 =	simm.s32 $0x2400;
	s24 =	simm.s32 $0x4A00  }
0x26c: {  	s23 =	simm.s32 $0x2600;
	s22 =	simm.s32 $0x4C00;
	s20 =	stileid.u32  }
.Lfunc_end2:
_tile_overlayer_lowered:
.L_overlay_start_2:
0x26d: {  	(tag) =	ssettag $0x2  }
0x26e: {  	s0 =	rddreg [dreg:$0x0];
	s2 =	stileid.u32  }
0x26f: {  	s1 =	rddreg [dreg:$0x1];
	p0 =	sne.s32 s2, $0x0  }
0x270: {  	s3 =	rddreg [dreg:$0x2];
	[bflag:$0x3] =	sbarrier.arrive $0xFFFF;
	s2 =	simm.s32 @!p0 $0x1C09  }
0x271: {  	[timem:s3], [sflag:s2] =	dma.local @!p0 [hbm:s0], s1  }
0x272: {  	s0 =	simm.s32 @!p0 $0x9  }
0x273: {  	_ =	swait.ge @!p0 [sflag:s0], s1  }
0x274: {  	s1 =	ssub.s32 @!p0 $0x0, s1;
	[sflag:s0] =	ssyncset.done @!p0 $0x0  }
0x275: {  	[sflag:s0] =	ssyncadd.s32 @!p0 s1  }
0x276: {  	[bflag:$0x3] =	sbarrier.arrive $0xFFFF  }
0x277: {  	_ =	shalt  }

// kernel: kernel.15.cloned.1.call-start
scs
__scs_entry_jumppad:
0x0: {  	(pc) =	sbr.rel $0x88, $3  }
0x1: {  	(tag) =	ssettag $0x0;
	lr =	simm.s32 $0x1  }
0x2: {  	[smem:$0x3F9B] =	sst lr;
	_ =	strace $0xD0000000  }
0x3: {  	_ = 	snop  }
0x4: {  	_ = 	snop  }
0x5: {  	_ = 	snop  }
0x6: {  	_ = 	snop  }
0x7: {  	_ = 	snop  }
__scs_overlays_trampoline_lowered:
0x8: {  	[smem:$0x3FAA] =	sst s0  }
0x9: {  	[smem:$0x3FAB] =	sst s1  }
0xa: {  	[smem:$0x3FAC] =	sst s2  }
0xb: {  	[smem:$0x3FAD] =	sst s3  }
0xc: {  	[smem:$0x3FAE] =	sst s4  }
0xd: {  	[smem:$0x3FAF] =	sst s5  }
0xe: {  	[smem:$0x3FB0] =	sst s6  }
0xf: {  	[smem:$0x3FB1] =	sst s7  }
0x10: {  	[smem:$0x3FB2] =	sst s8  }
0x11: {  	[smem:$0x3FB3] =	sst s9;
	s0 =	simm.s32 @!p0 $0x0  }
0x12: {  	s1 =	sld [smem:$0x3F99];
	s0 =	simm.s32 @p0 $0x1  }
0x13: {  	[smem:$0x3FB4] =	sst s0;
	s0 =	simm.s32 @!p1 $0x0  }
0x14: {  	s2 =	sld [smem:$0x3F98];
	s0 =	simm.s32 @p1 $0x1  }
0x15: {  	[smem:$0x3FB5] =	sst s0;
	s0 =	simm.s32 @!p2 $0x0  }
0x16: {  	s3 =	sld [smem:$0x3FDB];
	s0 =	simm.s32 @p2 $0x1  }
0x17: {  	s4 =	simm.s32 $0x1BF5;
	[smem:$0x3FB7] =	sst s0  }
0x18: {  	s0 =	sld [smem:$0x3F9A];
	_ =	swait.ge [sflag:s4], $0x0  }
0x19: {  	s7 =	sld [smem:$0x3F9B]  }
0x1a: {  	s8 =	sadd.s32 $0xFFFFE003, lr  }
0x1b: {  	s9 =	sadd.s32 $0xFFFFFEF7, lr;
	s5 =	simm.s32 $0xFFFFFFFF;
	p2 =	slt.u32 s8, $0xFFFFF086  }
0x1c: {  	p1 =	slt.u32 s9, $0xF7A;
	s5 =	simm.s32 @!p2 $0x0  }
0x1d: {  	s5 =	simm.s32 @p1 $0x1;
	p0 =	seq.s32 s7, s2  }
0x1e: {  	s7 =	smul.u32 @!p0 $0xF7A, s2;
	p2 =	seq.s32 @!p0 s5, $0x0  }
0x1f: {  	s9 =	smul.u32 $0xF7A, s1;
	s8 =	simm.s32 @!p0 $0x1BF5;
	p2 =	por !p2, p0  }
0x20: {  	[sflag:s8] =	ssyncset.s32 @!p0 $0xFFFFF086;
	s6 =	sadd.s32 @!p0 s3, s7;
	s7 =	simm.s32 @!p0 $0x108  }
0x21: {  	s3 =	sadd.s32 s3, s9;
	s6 =	sadd.s32 @!p0 $0x88, s6;
	s7 =	simm.s32 @p2 $0x1082  }
0x22: {  	[simem:s7], [sflag:s8] =	dma.local @!p0 [hbm:s6], $0xF7A  }
0x23: {  	s9 =	sor.u32 $0xD0000000, s2;
	s6 =	simm.s32 $0x108;
	_ =	swait.ge @!p0 [sflag:s8], $0x0  }
0x24: {  	s3 =	sadd.s32 $0x88, s3;
	s6 =	simm.s32 @!p1 $0x1082;
	[sflag:s4] =	ssyncset.s32 $0xFFFFF086  }
0x25: {  	[simem:s6], [sflag:s4] =	dma.local [hbm:s3], $0xF7A  }
0x26: {  	[smem:$0x3F9B] =	sst s1;
	(tag) =	ssettag s2;
	_ =	strace s9  }
0x27: {  	s1 =	sld [smem:$0x3FAB]  }
0x28: {  	s2 =	sld [smem:$0x3FAC]  }
0x29: {  	s4 =	sld [smem:$0x3FAE]  }
0x2a: {  	p0 =	seq.s32 s5, $0x0;
	s5 =	sld [smem:$0x3FAF]  }
0x2b: {  	s6 =	sld [smem:$0x3FB0]  }
0x2c: {  	s7 =	sld [smem:$0x3FB1]  }
0x2d: {  	s3 =	simm.s32 $0x108;
	s8 =	sld [smem:$0x3FB2]  }
0x2e: {  	s3 =	simm.s32 @!p0 $0x1082;
	s9 =	sld [smem:$0x3FB3]  }
0x2f: {  	lr =	sadd.s32 s0, s3;
	s0 =	sld [smem:$0x3FAA]  }
0x30: {  	s3 =	sld [smem:$0x3FAD]  }
0x31: {  	[smem:$0x3FB6] =	sst s10  }
0x32: {  	s10 =	sld [smem:$0x3FB4];
	_ =	sdelay $0x3  }
0x33: {  	p0 =	seq.s32 s10, $0x1;
	s10 =	sld [smem:$0x3FB6];
	_ =	sdelay $0x3  }
0x34: {  	[smem:$0x3FB6] =	sst s10  }
0x35: {  	s10 =	sld [smem:$0x3FB5];
	_ =	sdelay $0x3  }
0x36: {  	p1 =	seq.s32 s10, $0x1;
	s10 =	sld [smem:$0x3FB6];
	_ =	sdelay $0x3  }
0x37: {  	[smem:$0x3FB6] =	sst s10  }
0x38: {  	s10 =	sld [smem:$0x3FB7]  }
0x39: {  	_ = 	snop;
	(pc) =	sbr.ind lr, $3  }
0x3a: {  	_ = 	snop  }
0x3b: {  	_ = 	snop  }
0x3c: {  	p2 =	seq.s32 s10, $0x1;
	s10 =	sld [smem:$0x3FB6]  }
0x3d: {  	_ =	shalt  }
0x3e: {  	_ =	shalt  }
0x3f: {  	_ =	shalt  }
0x40: {  	_ =	shalt  }
0x41: {  	_ =	shalt  }
0x42: {  	_ =	shalt  }
0x43: {  	_ =	shalt  }
0x44: {  	_ =	shalt  }
0x45: {  	_ =	shalt  }
0x46: {  	_ =	shalt  }
0x47: {  	_ =	shalt  }
0x48: {  	_ =	shalt  }
0x49: {  	_ =	shalt  }
0x4a: {  	_ =	shalt  }
0x4b: {  	_ =	shalt  }
0x4c: {  	_ =	shalt  }
0x4d: {  	_ =	shalt  }
0x4e: {  	_ =	shalt  }
0x4f: {  	_ =	shalt  }
0x50: {  	_ =	shalt  }
0x51: {  	_ =	shalt  }
0x52: {  	_ =	shalt  }
0x53: {  	_ =	shalt  }
0x54: {  	_ =	shalt  }
0x55: {  	_ =	shalt  }
0x56: {  	_ =	shalt  }
0x57: {  	_ =	shalt  }
0x58: {  	_ =	shalt  }
0x59: {  	_ =	shalt  }
0x5a: {  	_ =	shalt  }
0x5b: {  	_ =	shalt  }
0x5c: {  	_ =	shalt  }
0x5d: {  	_ =	shalt  }
0x5e: {  	_ =	shalt  }
0x5f: {  	_ =	shalt  }
0x60: {  	_ =	shalt  }
0x61: {  	_ =	shalt  }
0x62: {  	_ =	shalt  }
0x63: {  	_ =	shalt  }
0x64: {  	_ =	shalt  }
0x65: {  	_ =	shalt  }
0x66: {  	_ =	shalt  }
0x67: {  	_ =	shalt  }
0x68: {  	_ =	shalt  }
0x69: {  	_ =	shalt  }
0x6a: {  	_ =	shalt  }
0x6b: {  	_ =	shalt  }
0x6c: {  	_ =	shalt  }
0x6d: {  	_ =	shalt  }
0x6e: {  	_ =	shalt  }
0x6f: {  	_ =	shalt  }
0x70: {  	_ =	shalt  }
0x71: {  	_ =	shalt  }
0x72: {  	_ =	shalt  }
0x73: {  	_ =	shalt  }
0x74: {  	_ =	shalt  }
0x75: {  	_ =	shalt  }
0x76: {  	_ =	shalt  }
0x77: {  	_ =	shalt  }
0x78: {  	_ =	shalt  }
0x79: {  	_ =	shalt  }
0x7a: {  	_ =	shalt  }
0x7b: {  	_ =	shalt  }
0x7c: {  	_ =	shalt  }
0x7d: {  	_ =	shalt  }
0x7e: {  	_ =	shalt  }
0x7f: {  	_ =	shalt  }
0x80: {  	_ =	shalt  }
0x81: {  	_ =	shalt  }
0x82: {  	_ =	shalt  }
0x83: {  	_ =	shalt  }
0x84: {  	_ =	shalt  }
0x85: {  	_ =	shalt  }
0x86: {  	_ =	shalt  }
0x87: {  	_ =	shalt  }
.Lfunc_end0:
.L_simem_size_0:
called_computation.2_lowered:
.L_overlay_start_0:
0x88: {  	s2 =	sld [smem:$0x3FD9]  }
0x89: {  	s3 =	sld [smem:$0x3FFE];
	_ =	sdelay $0x1  }
0x8a: {  	s1 =	srdreg.scid  }
0x8b: {  	s0 =	sand.u32 $0x1, s1  }
0x8c: {  	s17 =	sshll.u32 s0, $0xA;
	s2 =	sadd.s32 s3, s2  }
0x8d: {  	s2 =	sadd.s32 s2, s17  }
0x8e: {  	[smem:$0x3FC2] =	sst s2  }
0x8f: {  	_ = 	snop  }
0x90: {  	s2 =	sld [smem:$0x3FD0];
	(tm) =	ssettm $0x1  }
0x91: {  	s18 =	sld [smem:$0x3FFB];
	_ =	sdelay $0x3  }
0x92: {  	_ =	strace s18  }
0x93: {  	s3 =	sld [smem:$0x3FFC];
	_ =	sdelay $0x3  }
0x94: {  	_ =	strace s3  }
0x95: {  	s3 =	sld [smem:$0x3FFD];
	_ =	sdelay $0x3  }
0x96: {  	_ =	strace s3  }
0x97: {  	_ =	strace $0x8FFFFFFF  }
0x98: {  	s19 =	sld [smem:$0x3FDB];
	_ =	sdelay $0x1  }
0x99: {  	s4 =	simm.s32 $_scs_section_size  }
0x9a: {  	s5 =	simm.s32 $_size__tile_overlayer_lowered;
	s6 =	simm.s32 $_tile_overlayer_lowered  }
0x9b: {  	s22 =	simm.s32 $0x1BFF;
	s21 =	sshll.u32 s6, $0x1;
	s3 =	sadd.s32 s4, s19  }
0x9c: {  	s7 =	simm.s32 $0x0;
	s20 =	sshll.u32 s5, $0x1;
	s5 =	sadd.s32 s21, s3  }
0x9d: {  	[timem:s7], [sflag:s22] =	dma.local [hbm:s5], s20  }
0x9e: {  	_ =	swait.ge [sflag:s22], s20  }
0x9f: {  	s4 =	ssub.s32 $0x0, s20;
	[sflag:s22] =	ssyncset.done $0x0  }
0xa0: {  	[sflag:s22] =	ssyncadd.s32 s4;
	_ =	sdelay $0x1  }
0xa1: {  	s23 =	simm.s32 $0x1B8B  }
0xa2: {  	_ =	swait.ge [sflag:s23], $0x1  }
0xa3: {  	[sflag:s23] =	ssyncset.done $0x0  }
0xa4: {  	s25 =	simm.s32 $0x1B8E;
	s24 =	sld [smem:$0x3FFE];
	[sflag:s23] =	ssyncadd.s32 $0xFFFFFFFF  }
0xa5: {  	s26 =	simm.s32 $execute0_lowered;
	[smem:$0x3FD2] =	sst s25  }
0xa6: {  	s5 =	sshll.u32 s26, $0x1;
	_ =	strace $0x8000004C;
	[dreg:$0x1] =	wrdreg $0xFFFFFFFF  }
0xa7: {  	s28 =	simm.s32 $_size_execute0_lowered;
	s3 =	sadd.s32 s3, s5;
	[dreg:$0x0] =	wrdreg $0x0  }
0xa8: {  	s5 =	sshll.u32 s28, $0x1;
	[dreg:$0x2] =	wrdreg s3  }
0xa9: {  	[dreg:$0x3] =	wrdreg s5  }
0xaa: {  	[dreg:$0x4] =	wrdreg $0xC0  }
0xab: {  	_ =	task [dreg:s7], $0x5FFFF  }
0xac: {  	[dreg:$0x1] =	wrdreg $0xFFFFFFFF  }
0xad: {  	[dreg:$0x0] =	wrdreg $0x60  }
0xae: {  	[dreg:$0x2] =	wrdreg s2  }
0xaf: {  	[dreg:$0x3] =	wrdreg s24  }
0xb0: {  	[dreg:$0x4] =	wrdreg $0xD0000  }
0xb1: {  	[dreg:$0x5] =	wrdreg $0x9  }
0xb2: {  	_ =	task.clear_ibuf [dreg:s7], $0x6FFFF;
	_ =	strace $0x9000004C  }
0xb3: {  	s29 =	simm.s32 $0x9;
	_ =	strace $0x8000004E  }
0xb4: {  	_ =	swait.ge [sflag:s29], $0x1  }
0xb5: {  	[sflag:s29] =	ssyncadd.s32 $0xFFFFFFFF  }
0xb6: {  	_ =	strace $0x9000004E  }
0xb7: {  	_ =	sfence  }
0xb8: {  	s30 =	sld [smem:$0x0];
	_ =	sdelay $0x2  }
0xb9: {  	s31 =	sshll.u32 s1, $0xD;
	s1 =	sshrl.u32 s1, $0x2  }
0xba: {  	s3 =	sand.u32 $0x4000, s31;
	s1 =	sadd.s32 s1, s30  }
0xbb: {  	s0 =	sor.u32 s3, s0;
	s1 =	sshll.u32 s1, $0x11  }
0xbc: {  	s0 =	sor.u32 s1, s0  }
0xbd: {  	s0 =	sadd.s32 $0x8F2B, s0  }
0xbe: {  	[sflag:s0] =	ssyncadd.remote.s32 $0x1  }
0xbf: {  	_ =	sfence.sel $0xFFFF  }
0xc0: {  	[dreg:$0x0] =	wrdreg $0xFFFFFFFF;
	(pc) =	sbr.abs _section_cstart, $3  }
0xc1: {  	[dreg:$0x1] =	wrdreg $0xFFFFFFFF  }
0xc2: {  	_ =	task.clear_ibuf [dreg:s7], $0x2FFFF;
	_ =	strace $0x9FFFFFFF  }
0xc3: {  	(tm) =	ssettm $0x7FFFFFFF  }
tec
execute0_lowered:
.L_overlay_start_1:
0x0: {  	(tag) =	ssettag $0x1  }
0x1: {  	s1 =	rddreg [dreg:$0x0]  }
0x2: {  	s3 =	rddreg [dreg:$0x1]  }
0x3: {  	s2 =	rddreg [dreg:$0x2];
	s30 =	simm.s32 $0x0  }
0x4: {  	s0 =	srdreg.scid;
	s14 =	simm.s32 $0x400;
	[smem:$0x7FF] =	sst s30  }
0x5: {  	s15 =	simm.s32 $0x2A00;
	_ =	strace $0x8000004D;
	[dreg:$0x8] =	wrdreg s14  }
0x6: {  	s20 =	stileid.u32;
	s16 =	simm.s32 $0x600;
	[dreg:$0x9] =	wrdreg s15  }
0x7: {  	s17 =	simm.s32 $0x2C00;
	s18 =	simm.s32 $0x800;
	[dreg:$0xa] =	wrdreg s16  }
0x8: {  	s19 =	simm.s32 $0x2E00;
	s21 =	simm.s32 $0xA00;
	[dreg:$0xb] =	wrdreg s17  }
0x9: {  	s23 =	simm.s32 $0x3000;
	s24 =	simm.s32 $0xC00;
	[dreg:$0xc] =	wrdreg s18  }
0xa: {  	s25 =	simm.s32 $0x3200;
	s9 =	simm.s32 $0x3600;
	[dreg:$0xd] =	wrdreg s19  }
0xb: {  	s10 =	simm.s32 $0x1200;
	s31 =	simm.s32 $0x2800;
	[dreg:$0xe] =	wrdreg s21  }
0xc: {  	s29 =	simm.s32 $0x4600;
	p0 =	por $0x0, $0x0;
	[dreg:$0xf] =	wrdreg s23  }
0xd: {  	s28 =	simm.s32 $0x4800;
	s0 =	sand.u32 $0x1, s0;
	[dreg:$0x10] =	wrdreg s24  }
0xe: {  	s5 =	smul.u32 $0x2780, s20;
	s26 =	sshll.u32 s20, $0x6;
	[dreg:$0x11] =	wrdreg s25  }
0xf: {  	s4 =	sshll.u32 s0, $0x4;
	s7 =	smul.u32 $0x27800, s0;
	[dreg:$0x15] =	wrdreg s9  }
0x10: {  	s0 =	ssub.s32 $0x2, s0;
	[dreg:$0x16] =	wrdreg s10;
	s10 =	simm.s32 $0x7000  }
0x11: {  	s14 =	simm.s32 $0x1600;
	s19 =	simm.s32 $0x1;
	s15 =	simm.s32 $0x3C00  }
0x12: {  	s9 =	simm.s32 $0x9000;
	s16 =	simm.s32 $0x1800;
	[dreg:$0x1a] =	wrdreg s14  }
0x13: {  	s18 =	simm.s32 $0x2;
	s17 =	simm.s32 $0x3E00;
	[dreg:$0x1b] =	wrdreg s15  }
0x14: {  	s21 =	simm.s32 $0x1A00;
	s23 =	simm.s32 $0x1C00;
	[dreg:$0x1c] =	wrdreg s16  }
0x15: {  	s24 =	simm.s32 $0x4200;
	s25 =	simm.s32 $0x1E00;
	[dreg:$0x1d] =	wrdreg s17  }
0x16: {  	s4 =	sor.u32 s20, s4;
	s6 =	sshrl.u32 s5, $0x3;
	[dreg:$0x1e] =	wrdreg s21  }
0x17: {  	s22 =	sshrl.u32 s0, $0x1;
	s17 =	simm.s32 $0x3;
	[smem:$0x7FA] =	sst s23  }
0x18: {  	s15 =	simm.s32 $0x5;
	s16 =	simm.s32 $0x4;
	[smem:$0x7FB] =	sst s24  }
0x19: {  	[smem:$0x7FC] =	sst s25;
	s14 =	simm.s32 $0x8;
	s25 =	simm.s32 $0x2400  }
0x1a: {  	s24 =	simm.s32 $0x4A00;
	s23 =	simm.s32 $0x2600;
	s21 =	simm.s32 $0x4E00  }
0x1b: {  	s4 =	smul.u32 $0x500, s4;
	s6 =	sadd.s32 s6, s3;
	s7 =	sadd.s32 s5, s7  }
0x1c: {  	s0 =	ssub.s32 s0, s22;
	s5 =	sadd.s32 s5, s2;
	s22 =	simm.s32 $0x4000  }
0x1d: {  	s6 =	sadd.s32 $0xB600, s6;
	s7 =	sshrl.u32 s7, $0x3;
	s0 =	smax.u32 s0, $0x1  }
0x1e: {  	s5 =	sshrl.u32 s5, $0x3;
	[dreg:$0x1f] =	wrdreg s22;
	s22 =	simm.s32 $0x4C00  }
0x1f: {  	s8 =	sadd.s32 s4, s3;
	[dreg:$0x4] =	wrdreg s6;
	s1 =	sadd.s32 s1, s4  }
0x20: {  	s11 =	sadd.s32 s7, s3;
	s6 =	simm.s32 $0xE00;
	[dreg:$0x5] =	wrdreg s1  }
0x21: {  	s4 =	sadd.s32 $0x10600, s3;
	s7 =	simm.s32 $0x3400;
	[dreg:$0x12] =	wrdreg s6  }
0x22: {  	s3 =	sor.u32 $0x1C09, s26;
	s26 =	simm.s32 $0x4400;
	[dreg:$0x13] =	wrdreg s7  }
0x23: {  	p1 =	sne.s32 s0, $0x1;
	s12 =	sadd.s32 $0x1600, s8;
	[smem:$0x7FD] =	sst s26  }
0x24: {  	s13 =	sadd.s32 $0x15600, s11;
	s1 =	sadd.s32 $0xFFFFFFFF, s0;
	s0 =	rddreg [dreg:$0x4]  }
0x25: {  	s8 =	simm.s32 $0x1000;
	s6 =	simm.s32 $0x9;
	[dreg:$0x6] =	wrdreg s12  }
.Ltmp0:
0x26: {  	s11 =	simm.s32 $0x3800;
	[dreg:$0x7] =	wrdreg s13;
	(pc) =	sbr.rel @!p1 .LBB2_1-.Ltmp0, $4  }
0x27: {  	s7 =	simm.s32 $0x200;
	s26 =	simm.s32 $0x2000;
	[dreg:$0x14] =	wrdreg s8  }
0x28: {  	[dreg:$0x17] =	wrdreg s11;
	s12 =	simm.s32 $0x1400;
	s11 =	simm.s32 $0x5000  }
0x29: {  	s13 =	simm.s32 $0x3A00;
	s8 =	simm.s32 $0xB000;
	[dreg:$0x18] =	wrdreg s12  }
0x2a: {  	[dreg:$0x19] =	wrdreg s13;
	s12 =	simm.s32 $0x6;
	s13 =	simm.s32 $0x7  }
0x2b: {  	[spmem:s5], [sflag:s3] =	dma.local [hbm:s0], $0x4F0  }
0x2c: {  	_ =	swait.ge [sflag:s6], $0x4F0  }
0x2d: {  	[sflag:s6] =	ssyncset.done $0x0  }
0x2e: {  	s20 =	rddreg [dreg:$0x5];
	[sflag:s6] =	ssyncadd.s32 $0xFFFFFB10  }
0x2f: {  	[tilespmem:s30], [sflag:$0x9] =	stream.linear.gather [hbm4b:s20+s30], $0x2800, $0x38;
	[tilespmem:$0xF780] =	vst v63  }
0x30: {  	_ =	swait.ge [sflag:s6], $0x2800  }
0x31: {  	[sflag:s6] =	ssyncset.done $0x0  }
0x32: {  	s20 =	rddreg [dreg:$0x6];
	[sflag:s6] =	ssyncadd.s32 $0xFFFFD800  }
0x33: {  	[tilespmem:s31], [sflag:$0x9] =	stream.linear.gather [hbm4b:s20+s30], $0x2800, $0x38;
	[tilespmem:$0xF780] =	vst v63  }
0x34: {  	_ =	swait.ge [sflag:s6], $0x2800  }
0x35: {  	[sflag:s6] =	ssyncset.done $0x0  }
0x36: {  	[sflag:s6] =	ssyncadd.s32 $0xFFFFD800  }
0x37: {  	[bflag:$0x0] =	sbarrier.arrive $0xFFFF  }
0x38: {  	[tilespmem:s11], [sflag:$0x1] =	stream.indirect.gather [hbm4b:s4+s7], $0x10, s30, s7, $0xb8;
	[tilespmem:$0xF780] =	vst v63  }
0x39: {  	_ = 	snop  }
0x3a: {  	[tilespmem:s10], [sflag:$0x2] =	stream.indirect.gather [hbm4b:s4+s7], $0x10, s7, s7, $0xb8;
	[tilespmem:$0xF780] =	vst v63  }
0x3b: {  	_ =	swait.ge [sflag:s19], $0x2000  }
0x3c: {  	[sflag:s19] =	ssyncset.done $0x0  }
0x3d: {  	[sflag:s19] =	ssyncadd.s32 $0xFFFFE000  }
0x3e: {  	[spmem:s2] =	stream.indirect.scatter.add.f32 [tilespmem:s11], [sflag:$0x5], $0x10, s31, s7, $0xb8;
	[tilespmem:$0xF780] =	vst v63  }
0x3f: {  	s20 =	rddreg [dreg:$0x8]  }
0x40: {  	[tilespmem:s9], [sflag:$0x3] =	stream.indirect.gather [hbm4b:s4+s7], $0x10, s20, s7, $0xb8;
	[tilespmem:$0xF780] =	vst v63  }
0x41: {  	_ =	swait.ge [sflag:s18], $0x2000  }
0x42: {  	[sflag:s18] =	ssyncset.done $0x0  }
0x43: {  	s0 =	rddreg [dreg:$0x9];
	[sflag:s18] =	ssyncadd.s32 $0xFFFFE000  }
0x44: {  	[spmem:s2] =	stream.indirect.scatter.add.f32 [tilespmem:s10], [sflag:$0x6], $0x10, s0, s7, $0xb8;
	[tilespmem:$0xF780] =	vst v63  }
0x45: {  	s20 =	smov.u32 s1;
	s1 =	rddreg [dreg:$0xa]  }
0x46: {  	[tilespmem:s8], [sflag:$0x4] =	stream.indirect.gather [hbm4b:s4+s7], $0x10, s1, s7, $0xb8;
	[tilespmem:$0xF780] =	vst v63  }
0x47: {  	_ =	swait.ge [sflag:s17], $0x2000  }
0x48: {  	[sflag:s17] =	ssyncset.done $0x0  }
0x49: {  	s1 =	rddreg [dreg:$0xb];
	[sflag:s17] =	ssyncadd.s32 $0xFFFFE000  }
0x4a: {  	[spmem:s2] =	stream.indirect.scatter.add.f32 [tilespmem:s9], [sflag:$0x7], $0x10, s1, s7, $0xb8;
	[tilespmem:$0xF780] =	vst v63  }
0x4b: {  	_ =	swait.ge [sflag:s15], $0x2000  }
0x4c: {  	[sflag:s15] =	ssyncset.done $0x0  }
0x4d: {  	s1 =	rddreg [dreg:$0xc];
	[sflag:s15] =	ssyncadd.s32 $0xFFFFE000  }
0x4e: {  	[tilespmem:s11], [sflag:$0x1] =	stream.indirect.gather [hbm4b:s4+s7], $0x10, s1, s7, $0xb8;
	[tilespmem:$0xF780] =	vst v63  }
0x4f: {  	_ =	swait.ge [sflag:s16], $0x2000  }
0x50: {  	[sflag:s16] =	ssyncset.done $0x0  }
0x51: {  	s1 =	rddreg [dreg:$0xd];
	[sflag:s16] =	ssyncadd.s32 $0xFFFFE000  }
0x52: {  	[spmem:s2] =	stream.indirect.scatter.add.f32 [tilespmem:s8], [sflag:$0x8], $0x10, s1, s7, $0xb8;
	[tilespmem:$0xF780] =	vst v63  }
0x53: {  	_ =	swait.ge [sflag:s12], $0x2000  }
0x54: {  	[sflag:s12] =	ssyncset.done $0x0  }
0x55: {  	s1 =	rddreg [dreg:$0xe];
	[sflag:s12] =	ssyncadd.s32 $0xFFFFE000  }
0x56: {  	[tilespmem:s10], [sflag:$0x2] =	stream.indirect.gather [hbm4b:s4+s7], $0x10, s1, s7, $0xb8;
	[tilespmem:$0xF780] =	vst v63  }
0x57: {  	_ =	swait.ge [sflag:s19], $0x2000  }
0x58: {  	[sflag:s19] =	ssyncset.done $0x0  }
0x59: {  	s1 =	rddreg [dreg:$0xf];
	[sflag:s19] =	ssyncadd.s32 $0xFFFFE000  }
0x5a: {  	[spmem:s2] =	stream.indirect.scatter.add.f32 [tilespmem:s11], [sflag:$0x5], $0x10, s1, s7, $0xb8;
	[tilespmem:$0xF780] =	vst v63  }
0x5b: {  	_ =	swait.ge [sflag:s13], $0x2000  }
0x5c: {  	[sflag:s13] =	ssyncset.done $0x0  }
0x5d: {  	s1 =	rddreg [dreg:$0x10];
	[sflag:s13] =	ssyncadd.s32 $0xFFFFE000  }
0x5e: {  	[tilespmem:s9], [sflag:$0x3] =	stream.indirect.gather [hbm4b:s4+s7], $0x10, s1, s7, $0xb8;
	[tilespmem:$0xF780] =	vst v63  }
0x5f: {  	_ =	swait.ge [sflag:s18], $0x2000  }
0x60: {  	[sflag:s18] =	ssyncset.done $0x0  }
0x61: {  	s1 =	rddreg [dreg:$0x11];
	[sflag:s18] =	ssyncadd.s32 $0xFFFFE000  }
0x62: {  	[spmem:s2] =	stream.indirect.scatter.add.f32 [tilespmem:s10], [sflag:$0x6], $0x10, s1, s7, $0xb8;
	[tilespmem:$0xF780] =	vst v63  }
0x63: {  	_ =	swait.ge [sflag:s14], $0x2000  }
0x64: {  	[sflag:s14] =	ssyncset.done $0x0  }
0x65: {  	s1 =	rddreg [dreg:$0x12];
	[sflag:s14] =	ssyncadd.s32 $0xFFFFE000  }
0x66: {  	[tilespmem:s8], [sflag:$0x4] =	stream.indirect.gather [hbm4b:s4+s7], $0x10, s1, s7, $0xb8;
	[tilespmem:$0xF780] =	vst v63  }
0x67: {  	_ =	swait.ge [sflag:s17], $0x2000  }
0x68: {  	[sflag:s17] =	ssyncset.done $0x0  }
0x69: {  	s1 =	rddreg [dreg:$0x13];
	[sflag:s17] =	ssyncadd.s32 $0xFFFFE000  }
0x6a: {  	[spmem:s2] =	stream.indirect.scatter.add.f32 [tilespmem:s9], [sflag:$0x7], $0x10, s1, s7, $0xb8;
	[tilespmem:$0xF780] =	vst v63  }
0x6b: {  	_ =	swait.ge [sflag:s15], $0x2000  }
0x6c: {  	[sflag:s15] =	ssyncset.done $0x0  }
0x6d: {  	s1 =	rddreg [dreg:$0x14];
	[sflag:s15] =	ssyncadd.s32 $0xFFFFE000  }
0x6e: {  	[tilespmem:s11], [sflag:$0x1] =	stream.indirect.gather [hbm4b:s4+s7], $0x10, s1, s7, $0xb8;
	[tilespmem:$0xF780] =	vst v63  }
0x6f: {  	_ =	swait.ge [sflag:s16], $0x2000  }
0x70: {  	[sflag:s16] =	ssyncset.done $0x0  }
0x71: {  	s1 =	rddreg [dreg:$0x15];
	[sflag:s16] =	ssyncadd.s32 $0xFFFFE000  }
0x72: {  	[spmem:s2] =	stream.indirect.scatter.add.f32 [tilespmem:s8], [sflag:$0x8], $0x10, s1, s7, $0xb8;
	[tilespmem:$0xF780] =	vst v63  }
0x73: {  	_ =	swait.ge [sflag:s12], $0x2000  }
0x74: {  	[sflag:s12] =	ssyncset.done $0x0  }
0x75: {  	s1 =	rddreg [dreg:$0x16];
	[sflag:s12] =	ssyncadd.s32 $0xFFFFE000  }
0x76: {  	[tilespmem:s10], [sflag:$0x2] =	stream.indirect.gather [hbm4b:s4+s7], $0x10, s1, s7, $0xb8;
	[tilespmem:$0xF780] =	vst v63  }
0x77: {  	_ =	swait.ge [sflag:s19], $0x2000  }
0x78: {  	[sflag:s19] =	ssyncset.done $0x0  }
0x79: {  	s1 =	rddreg [dreg:$0x17];
	[sflag:s19] =	ssyncadd.s32 $0xFFFFE000  }
0x7a: {  	[spmem:s2] =	stream.indirect.scatter.add.f32 [tilespmem:s11], [sflag:$0x5], $0x10, s1, s7, $0xb8;
	[tilespmem:$0xF780] =	vst v63  }
0x7b: {  	_ =	swait.ge [sflag:s13], $0x2000  }
0x7c: {  	[sflag:s13] =	ssyncset.done $0x0  }
0x7d: {  	s1 =	rddreg [dreg:$0x18];
	[sflag:s13] =	ssyncadd.s32 $0xFFFFE000  }
0x7e: {  	[tilespmem:s9], [sflag:$0x3] =	stream.indirect.gather [hbm4b:s4+s7], $0x10, s1, s7, $0xb8;
	[tilespmem:$0xF780] =	vst v63  }
0x7f: {  	_ =	swait.ge [sflag:s18], $0x2000  }
0x80: {  	[sflag:s18] =	ssyncset.done $0x0  }
0x81: {  	s1 =	rddreg [dreg:$0x19];
	[sflag:s18] =	ssyncadd.s32 $0xFFFFE000  }
0x82: {  	[spmem:s2] =	stream.indirect.scatter.add.f32 [tilespmem:s10], [sflag:$0x6], $0x10, s1, s7, $0xb8;
	[tilespmem:$0xF780] =	vst v63  }
0x83: {  	_ =	swait.ge [sflag:s14], $0x2000  }
0x84: {  	[sflag:s14] =	ssyncset.done $0x0  }
0x85: {  	s1 =	rddreg [dreg:$0x1a];
	[sflag:s14] =	ssyncadd.s32 $0xFFFFE000  }
0x86: {  	[tilespmem:s8], [sflag:$0x4] =	stream.indirect.gather [hbm4b:s4+s7], $0x10, s1, s7, $0xb8;
	[tilespmem:$0xF780] =	vst v63  }
0x87: {  	_ =	swait.ge [sflag:s17], $0x2000  }
0x88: {  	[sflag:s17] =	ssyncset.done $0x0  }
0x89: {  	s1 =	rddreg [dreg:$0x1b];
	[sflag:s17] =	ssyncadd.s32 $0xFFFFE000  }
0x8a: {  	[spmem:s2] =	stream.indirect.scatter.add.f32 [tilespmem:s9], [sflag:$0x7], $0x10, s1, s7, $0xb8;
	[tilespmem:$0xF780] =	vst v63  }
0x8b: {  	_ =	swait.ge [sflag:s15], $0x2000  }
0x8c: {  	[sflag:s15] =	ssyncset.done $0x0  }
0x8d: {  	s1 =	rddreg [dreg:$0x1c];
	[sflag:s15] =	ssyncadd.s32 $0xFFFFE000  }
0x8e: {  	[tilespmem:s11], [sflag:$0x1] =	stream.indirect.gather [hbm4b:s4+s7], $0x10, s1, s7, $0xb8;
	[tilespmem:$0xF780] =	vst v63  }
0x8f: {  	_ =	swait.ge [sflag:s16], $0x2000  }
0x90: {  	[sflag:s16] =	ssyncset.done $0x0  }
0x91: {  	s1 =	rddreg [dreg:$0x1d];
	[sflag:s16] =	ssyncadd.s32 $0xFFFFE000  }
0x92: {  	[spmem:s2] =	stream.indirect.scatter.add.f32 [tilespmem:s8], [sflag:$0x8], $0x10, s1, s7, $0xb8;
	[tilespmem:$0xF780] =	vst v63  }
0x93: {  	_ =	swait.ge [sflag:s12], $0x2000  }
0x94: {  	[sflag:s12] =	ssyncset.done $0x0  }
0x95: {  	s1 =	rddreg [dreg:$0x1e];
	[sflag:s12] =	ssyncadd.s32 $0xFFFFE000  }
0x96: {  	[tilespmem:s10], [sflag:$0x2] =	stream.indirect.gather [hbm4b:s4+s7], $0x10, s1, s7, $0xb8;
	[tilespmem:$0xF780] =	vst v63  }
0x97: {  	_ =	swait.ge [sflag:s19], $0x2000  }
0x98: {  	[sflag:s19] =	ssyncset.done $0x0  }
0x99: {  	s1 =	rddreg [dreg:$0x1f];
	[sflag:s19] =	ssyncadd.s32 $0xFFFFE000  }
0x9a: {  	[spmem:s2] =	stream.indirect.scatter.add.f32 [tilespmem:s11], [sflag:$0x5], $0x10, s1, s7, $0xb8;
	[tilespmem:$0xF780] =	vst v63  }
0x9b: {  	_ =	swait.ge [sflag:s13], $0x2000  }
0x9c: {  	s1 =	sld [smem:$0x7FA]  }
0x9d: {  	[sflag:s13] =	ssyncset.done $0x0  }
0x9e: {  	[sflag:s13] =	ssyncadd.s32 $0xFFFFE000  }
0x9f: {  	[tilespmem:s9], [sflag:$0x3] =	stream.indirect.gather [hbm4b:s4+s7], $0x10, s1, s7, $0xb8;
	[tilespmem:$0xF780] =	vst v63  }
0xa0: {  	_ =	swait.ge [sflag:s18], $0x2000  }
0xa1: {  	s1 =	sld [smem:$0x7FB]  }
0xa2: {  	[sflag:s18] =	ssyncset.done $0x0  }
0xa3: {  	[sflag:s18] =	ssyncadd.s32 $0xFFFFE000  }
0xa4: {  	[spmem:s2] =	stream.indirect.scatter.add.f32 [tilespmem:s10], [sflag:$0x6], $0x10, s1, s7, $0xb8;
	[tilespmem:$0xF780] =	vst v63  }
0xa5: {  	_ =	swait.ge [sflag:s14], $0x2000  }
0xa6: {  	s1 =	sld [smem:$0x7FC]  }
0xa7: {  	[sflag:s14] =	ssyncset.done $0x0  }
0xa8: {  	[sflag:s14] =	ssyncadd.s32 $0xFFFFE000  }
0xa9: {  	[tilespmem:s8], [sflag:$0x4] =	stream.indirect.gather [hbm4b:s4+s7], $0x10, s1, s7, $0xb8;
	[tilespmem:$0xF780] =	vst v63  }
0xaa: {  	_ =	swait.ge [sflag:s17], $0x2000  }
0xab: {  	s1 =	sld [smem:$0x7FD]  }
0xac: {  	[sflag:s17] =	ssyncset.done $0x0  }
0xad: {  	[sflag:s17] =	ssyncadd.s32 $0xFFFFE000  }
0xae: {  	[spmem:s2] =	stream.indirect.scatter.add.f32 [tilespmem:s9], [sflag:$0x7], $0x10, s1, s7, $0xb8;
	[tilespmem:$0xF780] =	vst v63  }
0xaf: {  	_ =	swait.ge [sflag:s15], $0x2000  }
0xb0: {  	[sflag:s15] =	ssyncset.done $0x0  }
0xb1: {  	[sflag:s15] =	ssyncadd.s32 $0xFFFFE000  }
0xb2: {  	[tilespmem:s11], [sflag:$0x1] =	stream.indirect.gather [hbm4b:s4+s7], $0x10, s26, s7, $0xb8;
	[tilespmem:$0xF780] =	vst v63  }
0xb3: {  	_ =	swait.ge [sflag:s16], $0x2000  }
0xb4: {  	[sflag:s16] =	ssyncset.done $0x0  }
0xb5: {  	[sflag:s16] =	ssyncadd.s32 $0xFFFFE000  }
0xb6: {  	[spmem:s2] =	stream.indirect.scatter.add.f32 [tilespmem:s8], [sflag:$0x8], $0x10, s29, s7, $0xb8;
	[tilespmem:$0xF780] =	vst v63  }
0xb7: {  	_ =	swait.ge [sflag:s12], $0x2000  }
0xb8: {  	[sflag:s12] =	ssyncset.done $0x0  }
0xb9: {  	s1 =	simm.s32 $0x2200;
	[sflag:s12] =	ssyncadd.s32 $0xFFFFE000  }
0xba: {  	[tilespmem:s10], [sflag:$0x2] =	stream.indirect.gather [hbm4b:s4+s7], $0x10, s1, s7, $0xb8;
	[tilespmem:$0xF780] =	vst v63  }
0xbb: {  	_ =	swait.ge [sflag:s19], $0x2000  }
0xbc: {  	[sflag:s19] =	ssyncset.done $0x0  }
0xbd: {  	[sflag:s19] =	ssyncadd.s32 $0xFFFFE000  }
0xbe: {  	[spmem:s2] =	stream.indirect.scatter.add.f32 [tilespmem:s11], [sflag:$0x5], $0x10, s28, s7, $0xb8;
	[tilespmem:$0xF780] =	vst v63  }
0xbf: {  	_ =	swait.ge [sflag:s13], $0x2000  }
0xc0: {  	[sflag:s13] =	ssyncset.done $0x0  }
0xc1: {  	[sflag:s13] =	ssyncadd.s32 $0xFFFFE000  }
0xc2: {  	[tilespmem:s9], [sflag:$0x3] =	stream.indirect.gather [hbm4b:s4+s7], $0x10, s25, s7, $0xb8;
	[tilespmem:$0xF780] =	vst v63  }
0xc3: {  	_ =	swait.ge [sflag:s18], $0x2000  }
0xc4: {  	[sflag:s18] =	ssyncset.done $0x0  }
0xc5: {  	[sflag:s18] =	ssyncadd.s32 $0xFFFFE000  }
0xc6: {  	[spmem:s2] =	stream.indirect.scatter.add.f32 [tilespmem:s10], [sflag:$0x6], $0x10, s24, s7, $0xb8;
	[tilespmem:$0xF780] =	vst v63  }
0xc7: {  	_ =	swait.ge [sflag:s14], $0x2000  }
0xc8: {  	[sflag:s14] =	ssyncset.done $0x0  }
0xc9: {  	[sflag:s14] =	ssyncadd.s32 $0xFFFFE000  }
0xca: {  	[tilespmem:s8], [sflag:$0x4] =	stream.indirect.gather [hbm4b:s4+s7], $0x10, s23, s7, $0xb8;
	[tilespmem:$0xF780] =	vst v63  }
0xcb: {  	_ =	swait.ge [sflag:s17], $0x2000  }
0xcc: {  	[sflag:s17] =	ssyncset.done $0x0  }
0xcd: {  	[sflag:s17] =	ssyncadd.s32 $0xFFFFE000  }
0xce: {  	[spmem:s2] =	stream.indirect.scatter.add.f32 [tilespmem:s9], [sflag:$0x7], $0x10, s22, s7, $0xb8;
	[tilespmem:$0xF780] =	vst v63  }
0xcf: {  	_ =	swait.ge [sflag:s15], $0x2000  }
0xd0: {  	[sflag:s15] =	ssyncset.done $0x0  }
0xd1: {  	[sflag:s15] =	ssyncadd.s32 $0xFFFFE000  }
0xd2: {  	_ =	swait.ge [sflag:s16], $0x2000  }
0xd3: {  	[sflag:s16] =	ssyncset.done $0x0  }
0xd4: {  	[sflag:s16] =	ssyncadd.s32 $0xFFFFE000  }
0xd5: {  	[spmem:s2] =	stream.indirect.scatter.add.f32 [tilespmem:s8], [sflag:$0x8], $0x10, s21, s7, $0xb8;
	[tilespmem:$0xF780] =	vst v63  }
0xd6: {  	_ =	swait.ge [sflag:s12], $0x2000  }
0xd7: {  	[sflag:s12] =	ssyncset.done $0x0  }
0xd8: {  	[sflag:s12] =	ssyncadd.s32 $0xFFFFE000  }
0xd9: {  	_ =	swait.ge [sflag:s13], $0x2000  }
0xda: {  	[sflag:s13] =	ssyncset.done $0x0  }
0xdb: {  	[sflag:s13] =	ssyncadd.s32 $0xFFFFE000  }
0xdc: {  	_ =	swait.ge [sflag:s14], $0x2000  }
0xdd: {  	[sflag:s14] =	ssyncset.done $0x0  }
0xde: {  	p1 =	sne.s32 s20, $0x1;
	[sflag:s14] =	ssyncadd.s32 $0xFFFFE000  }
.Ltmp1:
0xdf: {  	[bflag:$0x0] =	sbarrier.arrive $0xFFFF;
	(pc) =	sbr.rel @!p1 .LBB2_3-.Ltmp1, $4  }
0xe0: {  	s1 =	rddreg [dreg:$0x7]  }
0xe1: {  	[hbm:s1], [sflag:s3] =	dma.local [spmem:s5], $0x4F0  }
0xe2: {  	p0 =	por $0x1, $0x1;
	_ =	swait.ge [sflag:s6], $0x4F0  }
0xe3: {  	s1 =	sadd.s32 $0xFFFFFFFF, s20;
	s0 =	rddreg [dreg:$0x4];
	[sflag:s6] =	ssyncset.done $0x0  }
.LBB2_4:
0xe4: {  	[sflag:s6] =	ssyncadd.s32 $0xFFFFFB10  }
0xe5: {  	[spmem:s5], [sflag:s3] =	dma.local [hbm:s0], $0x4F0  }
0xe6: {  	_ =	swait.ge [sflag:s6], $0x4F0  }
0xe7: {  	[sflag:s6] =	ssyncset.done $0x0  }
0xe8: {  	s20 =	rddreg [dreg:$0x5];
	[sflag:s6] =	ssyncadd.s32 $0xFFFFFB10  }
0xe9: {  	[tilespmem:s30], [sflag:$0x9] =	stream.linear.gather [hbm4b:s20+s30], $0x2800, $0x38;
	[tilespmem:$0xF780] =	vst v63  }
0xea: {  	_ =	swait.ge [sflag:s6], $0x2800  }
0xeb: {  	[sflag:s6] =	ssyncset.done $0x0  }
0xec: {  	s20 =	rddreg [dreg:$0x6];
	[sflag:s6] =	ssyncadd.s32 $0xFFFFD800  }
0xed: {  	[tilespmem:s31], [sflag:$0x9] =	stream.linear.gather [hbm4b:s20+s30], $0x2800, $0x38;
	[tilespmem:$0xF780] =	vst v63  }
0xee: {  	_ =	swait.ge [sflag:s6], $0x2800  }
0xef: {  	[sflag:s6] =	ssyncset.done $0x0  }
0xf0: {  	[sflag:s6] =	ssyncadd.s32 $0xFFFFD800  }
0xf1: {  	[bflag:$0x0] =	sbarrier.arrive $0xFFFF  }
0xf2: {  	[tilespmem:s11], [sflag:$0x1] =	stream.indirect.gather [hbm4b:s4+s7], $0x10, s30, s7, $0xb8;
	[tilespmem:$0xF780] =	vst v63  }
0xf3: {  	_ = 	snop  }
0xf4: {  	[tilespmem:s10], [sflag:$0x2] =	stream.indirect.gather [hbm4b:s4+s7], $0x10, s7, s7, $0xb8;
	[tilespmem:$0xF780] =	vst v63  }
0xf5: {  	_ =	swait.ge [sflag:s19], $0x2000  }
0xf6: {  	[sflag:s19] =	ssyncset.done $0x0  }
0xf7: {  	[sflag:s19] =	ssyncadd.s32 $0xFFFFE000  }
0xf8: {  	[spmem:s2] =	stream.indirect.scatter.add.f32 [tilespmem:s11], [sflag:$0x5], $0x10, s31, s7, $0xb8;
	[tilespmem:$0xF780] =	vst v63  }
0xf9: {  	s20 =	rddreg [dreg:$0x8]  }
0xfa: {  	[tilespmem:s9], [sflag:$0x3] =	stream.indirect.gather [hbm4b:s4+s7], $0x10, s20, s7, $0xb8;
	[tilespmem:$0xF780] =	vst v63  }
0xfb: {  	_ =	swait.ge [sflag:s18], $0x2000  }
0xfc: {  	[sflag:s18] =	ssyncset.done $0x0  }
0xfd: {  	s0 =	rddreg [dreg:$0x9];
	[sflag:s18] =	ssyncadd.s32 $0xFFFFE000  }
0xfe: {  	[spmem:s2] =	stream.indirect.scatter.add.f32 [tilespmem:s10], [sflag:$0x6], $0x10, s0, s7, $0xb8;
	[tilespmem:$0xF780] =	vst v63  }
0xff: {  	s20 =	rddreg [dreg:$0xa]  }
0x100: {  	[tilespmem:s8], [sflag:$0x4] =	stream.indirect.gather [hbm4b:s4+s7], $0x10, s20, s7, $0xb8;
	[tilespmem:$0xF780] =	vst v63  }
0x101: {  	_ =	swait.ge [sflag:s17], $0x2000  }
0x102: {  	[sflag:s17] =	ssyncset.done $0x0  }
0x103: {  	s20 =	rddreg [dreg:$0xb];
	[sflag:s17] =	ssyncadd.s32 $0xFFFFE000  }
0x104: {  	[spmem:s2] =	stream.indirect.scatter.add.f32 [tilespmem:s9], [sflag:$0x7], $0x10, s20, s7, $0xb8;
	[tilespmem:$0xF780] =	vst v63  }
0x105: {  	_ =	swait.ge [sflag:s15], $0x2000  }
0x106: {  	[sflag:s15] =	ssyncset.done $0x0  }
0x107: {  	s20 =	rddreg [dreg:$0xc];
	[sflag:s15] =	ssyncadd.s32 $0xFFFFE000  }
0x108: {  	[tilespmem:s11], [sflag:$0x1] =	stream.indirect.gather [hbm4b:s4+s7], $0x10, s20, s7, $0xb8;
	[tilespmem:$0xF780] =	vst v63  }
0x109: {  	_ =	swait.ge [sflag:s16], $0x2000  }
0x10a: {  	[sflag:s16] =	ssyncset.done $0x0  }
0x10b: {  	s20 =	rddreg [dreg:$0xd];
	[sflag:s16] =	ssyncadd.s32 $0xFFFFE000  }
0x10c: {  	[spmem:s2] =	stream.indirect.scatter.add.f32 [tilespmem:s8], [sflag:$0x8], $0x10, s20, s7, $0xb8;
	[tilespmem:$0xF780] =	vst v63  }
0x10d: {  	_ =	swait.ge [sflag:s12], $0x2000  }
0x10e: {  	[sflag:s12] =	ssyncset.done $0x0  }
0x10f: {  	s20 =	rddreg [dreg:$0xe];
	[sflag:s12] =	ssyncadd.s32 $0xFFFFE000  }
0x110: {  	[tilespmem:s10], [sflag:$0x2] =	stream.indirect.gather [hbm4b:s4+s7], $0x10, s20, s7, $0xb8;
	[tilespmem:$0xF780] =	vst v63  }
0x111: {  	_ =	swait.ge [sflag:s19], $0x2000  }
0x112: {  	[sflag:s19] =	ssyncset.done $0x0  }
0x113: {  	s20 =	rddreg [dreg:$0xf];
	[sflag:s19] =	ssyncadd.s32 $0xFFFFE000  }
0x114: {  	[spmem:s2] =	stream.indirect.scatter.add.f32 [tilespmem:s11], [sflag:$0x5], $0x10, s20, s7, $0xb8;
	[tilespmem:$0xF780] =	vst v63  }
0x115: {  	_ =	swait.ge [sflag:s13], $0x2000  }
0x116: {  	[sflag:s13] =	ssyncset.done $0x0  }
0x117: {  	s20 =	rddreg [dreg:$0x10];
	[sflag:s13] =	ssyncadd.s32 $0xFFFFE000  }
0x118: {  	[tilespmem:s9], [sflag:$0x3] =	stream.indirect.gather [hbm4b:s4+s7], $0x10, s20, s7, $0xb8;
	[tilespmem:$0xF780] =	vst v63  }
0x119: {  	_ =	swait.ge [sflag:s18], $0x2000  }
0x11a: {  	[sflag:s18] =	ssyncset.done $0x0  }
0x11b: {  	s20 =	rddreg [dreg:$0x11];
	[sflag:s18] =	ssyncadd.s32 $0xFFFFE000  }
0x11c: {  	[spmem:s2] =	stream.indirect.scatter.add.f32 [tilespmem:s10], [sflag:$0x6], $0x10, s20, s7, $0xb8;
	[tilespmem:$0xF780] =	vst v63  }
0x11d: {  	_ =	swait.ge [sflag:s14], $0x2000  }
0x11e: {  	[sflag:s14] =	ssyncset.done $0x0  }
0x11f: {  	s20 =	rddreg [dreg:$0x12];
	[sflag:s14] =	ssyncadd.s32 $0xFFFFE000  }
0x120: {  	[tilespmem:s8], [sflag:$0x4] =	stream.indirect.gather [hbm4b:s4+s7], $0x10, s20, s7, $0xb8;
	[tilespmem:$0xF780] =	vst v63  }
0x121: {  	_ =	swait.ge [sflag:s17], $0x2000  }
0x122: {  	[sflag:s17] =	ssyncset.done $0x0  }
0x123: {  	s20 =	rddreg [dreg:$0x13];
	[sflag:s17] =	ssyncadd.s32 $0xFFFFE000  }
0x124: {  	[spmem:s2] =	stream.indirect.scatter.add.f32 [tilespmem:s9], [sflag:$0x7], $0x10, s20, s7, $0xb8;
	[tilespmem:$0xF780] =	vst v63  }
0x125: {  	_ =	swait.ge [sflag:s15], $0x2000  }
0x126: {  	[sflag:s15] =	ssyncset.done $0x0  }
0x127: {  	s20 =	rddreg [dreg:$0x14];
	[sflag:s15] =	ssyncadd.s32 $0xFFFFE000  }
0x128: {  	[tilespmem:s11], [sflag:$0x1] =	stream.indirect.gather [hbm4b:s4+s7], $0x10, s20, s7, $0xb8;
	[tilespmem:$0xF780] =	vst v63  }
0x129: {  	_ =	swait.ge [sflag:s16], $0x2000  }
0x12a: {  	[sflag:s16] =	ssyncset.done $0x0  }
0x12b: {  	s20 =	rddreg [dreg:$0x15];
	[sflag:s16] =	ssyncadd.s32 $0xFFFFE000  }
0x12c: {  	[spmem:s2] =	stream.indirect.scatter.add.f32 [tilespmem:s8], [sflag:$0x8], $0x10, s20, s7, $0xb8;
	[tilespmem:$0xF780] =	vst v63  }
0x12d: {  	_ =	swait.ge [sflag:s12], $0x2000  }
0x12e: {  	[sflag:s12] =	ssyncset.done $0x0  }
0x12f: {  	s20 =	rddreg [dreg:$0x16];
	[sflag:s12] =	ssyncadd.s32 $0xFFFFE000  }
0x130: {  	[tilespmem:s10], [sflag:$0x2] =	stream.indirect.gather [hbm4b:s4+s7], $0x10, s20, s7, $0xb8;
	[tilespmem:$0xF780] =	vst v63  }
0x131: {  	_ =	swait.ge [sflag:s19], $0x2000  }
0x132: {  	[sflag:s19] =	ssyncset.done $0x0  }
0x133: {  	s20 =	rddreg [dreg:$0x17];
	[sflag:s19] =	ssyncadd.s32 $0xFFFFE000  }
0x134: {  	[spmem:s2] =	stream.indirect.scatter.add.f32 [tilespmem:s11], [sflag:$0x5], $0x10, s20, s7, $0xb8;
	[tilespmem:$0xF780] =	vst v63  }
0x135: {  	_ =	swait.ge [sflag:s13], $0x2000  }
0x136: {  	[sflag:s13] =	ssyncset.done $0x0  }
0x137: {  	s20 =	rddreg [dreg:$0x18];
	[sflag:s13] =	ssyncadd.s32 $0xFFFFE000  }
0x138: {  	[tilespmem:s9], [sflag:$0x3] =	stream.indirect.gather [hbm4b:s4+s7], $0x10, s20, s7, $0xb8;
	[tilespmem:$0xF780] =	vst v63  }
0x139: {  	_ =	swait.ge [sflag:s18], $0x2000  }
0x13a: {  	[sflag:s18] =	ssyncset.done $0x0  }
0x13b: {  	s20 =	rddreg [dreg:$0x19];
	[sflag:s18] =	ssyncadd.s32 $0xFFFFE000  }
0x13c: {  	[spmem:s2] =	stream.indirect.scatter.add.f32 [tilespmem:s10], [sflag:$0x6], $0x10, s20, s7, $0xb8;
	[tilespmem:$0xF780] =	vst v63  }
0x13d: {  	_ =	swait.ge [sflag:s14], $0x2000  }
0x13e: {  	[sflag:s14] =	ssyncset.done $0x0  }
0x13f: {  	s20 =	rddreg [dreg:$0x1a];
	[sflag:s14] =	ssyncadd.s32 $0xFFFFE000  }
0x140: {  	[tilespmem:s8], [sflag:$0x4] =	stream.indirect.gather [hbm4b:s4+s7], $0x10, s20, s7, $0xb8;
	[tilespmem:$0xF780] =	vst v63  }
0x141: {  	_ =	swait.ge [sflag:s17], $0x2000  }
0x142: {  	[sflag:s17] =	ssyncset.done $0x0  }
0x143: {  	s20 =	rddreg [dreg:$0x1b];
	[sflag:s17] =	ssyncadd.s32 $0xFFFFE000  }
0x144: {  	[spmem:s2] =	stream.indirect.scatter.add.f32 [tilespmem:s9], [sflag:$0x7], $0x10, s20, s7, $0xb8;
	[tilespmem:$0xF780] =	vst v63  }
0x145: {  	_ =	swait.ge [sflag:s15], $0x2000  }
0x146: {  	[sflag:s15] =	ssyncset.done $0x0  }
0x147: {  	s20 =	rddreg [dreg:$0x1c];
	[sflag:s15] =	ssyncadd.s32 $0xFFFFE000  }
0x148: {  	[tilespmem:s11], [sflag:$0x1] =	stream.indirect.gather [hbm4b:s4+s7], $0x10, s20, s7, $0xb8;
	[tilespmem:$0xF780] =	vst v63  }
0x149: {  	_ =	swait.ge [sflag:s16], $0x2000  }
0x14a: {  	[sflag:s16] =	ssyncset.done $0x0  }
0x14b: {  	s20 =	rddreg [dreg:$0x1d];
	[sflag:s16] =	ssyncadd.s32 $0xFFFFE000  }
0x14c: {  	[spmem:s2] =	stream.indirect.scatter.add.f32 [tilespmem:s8], [sflag:$0x8], $0x10, s20, s7, $0xb8;
	[tilespmem:$0xF780] =	vst v63  }
0x14d: {  	_ =	swait.ge [sflag:s12], $0x2000  }
0x14e: {  	[sflag:s12] =	ssyncset.done $0x0  }
0x14f: {  	s20 =	rddreg [dreg:$0x1e];
	[sflag:s12] =	ssyncadd.s32 $0xFFFFE000  }
0x150: {  	[tilespmem:s10], [sflag:$0x2] =	stream.indirect.gather [hbm4b:s4+s7], $0x10, s20, s7, $0xb8;
	[tilespmem:$0xF780] =	vst v63  }
0x151: {  	_ =	swait.ge [sflag:s19], $0x2000  }
0x152: {  	[sflag:s19] =	ssyncset.done $0x0  }
0x153: {  	s20 =	rddreg [dreg:$0x1f];
	[sflag:s19] =	ssyncadd.s32 $0xFFFFE000  }
0x154: {  	[spmem:s2] =	stream.indirect.scatter.add.f32 [tilespmem:s11], [sflag:$0x5], $0x10, s20, s7, $0xb8;
	[tilespmem:$0xF780] =	vst v63  }
0x155: {  	_ =	swait.ge [sflag:s13], $0x2000  }
0x156: {  	s20 =	sld [smem:$0x7FA]  }
0x157: {  	[sflag:s13] =	ssyncset.done $0x0  }
0x158: {  	[sflag:s13] =	ssyncadd.s32 $0xFFFFE000  }
0x159: {  	[tilespmem:s9], [sflag:$0x3] =	stream.indirect.gather [hbm4b:s4+s7], $0x10, s20, s7, $0xb8;
	[tilespmem:$0xF780] =	vst v63  }
0x15a: {  	_ =	swait.ge [sflag:s18], $0x2000  }
0x15b: {  	s20 =	sld [smem:$0x7FB]  }
0x15c: {  	[sflag:s18] =	ssyncset.done $0x0  }
0x15d: {  	[sflag:s18] =	ssyncadd.s32 $0xFFFFE000  }
0x15e: {  	[spmem:s2] =	stream.indirect.scatter.add.f32 [tilespmem:s10], [sflag:$0x6], $0x10, s20, s7, $0xb8;
	[tilespmem:$0xF780] =	vst v63  }
0x15f: {  	_ =	swait.ge [sflag:s14], $0x2000  }
0x160: {  	s20 =	sld [smem:$0x7FC]  }
0x161: {  	[sflag:s14] =	ssyncset.done $0x0  }
0x162: {  	[sflag:s14] =	ssyncadd.s32 $0xFFFFE000  }
0x163: {  	[tilespmem:s8], [sflag:$0x4] =	stream.indirect.gather [hbm4b:s4+s7], $0x10, s20, s7, $0xb8;
	[tilespmem:$0xF780] =	vst v63  }
0x164: {  	_ =	swait.ge [sflag:s17], $0x2000  }
0x165: {  	s20 =	sld [smem:$0x7FD]  }
0x166: {  	[sflag:s17] =	ssyncset.done $0x0  }
0x167: {  	[sflag:s17] =	ssyncadd.s32 $0xFFFFE000  }
0x168: {  	[spmem:s2] =	stream.indirect.scatter.add.f32 [tilespmem:s9], [sflag:$0x7], $0x10, s20, s7, $0xb8;
	[tilespmem:$0xF780] =	vst v63  }
0x169: {  	_ =	swait.ge [sflag:s15], $0x2000  }
0x16a: {  	[sflag:s15] =	ssyncset.done $0x0  }
0x16b: {  	[sflag:s15] =	ssyncadd.s32 $0xFFFFE000  }
0x16c: {  	[tilespmem:s11], [sflag:$0x1] =	stream.indirect.gather [hbm4b:s4+s7], $0x10, s26, s7, $0xb8;
	[tilespmem:$0xF780] =	vst v63  }
0x16d: {  	_ =	swait.ge [sflag:s16], $0x2000  }
0x16e: {  	[sflag:s16] =	ssyncset.done $0x0  }
0x16f: {  	[sflag:s16] =	ssyncadd.s32 $0xFFFFE000  }
0x170: {  	[spmem:s2] =	stream.indirect.scatter.add.f32 [tilespmem:s8], [sflag:$0x8], $0x10, s29, s7, $0xb8;
	[tilespmem:$0xF780] =	vst v63  }
0x171: {  	_ =	swait.ge [sflag:s12], $0x2000  }
0x172: {  	[sflag:s12] =	ssyncset.done $0x0  }
0x173: {  	s20 =	simm.s32 $0x2200;
	[sflag:s12] =	ssyncadd.s32 $0xFFFFE000  }
0x174: {  	[tilespmem:s10], [sflag:$0x2] =	stream.indirect.gather [hbm4b:s4+s7], $0x10, s20, s7, $0xb8;
	[tilespmem:$0xF780] =	vst v63  }
0x175: {  	_ =	swait.ge [sflag:s19], $0x2000  }
0x176: {  	[sflag:s19] =	ssyncset.done $0x0  }
0x177: {  	[sflag:s19] =	ssyncadd.s32 $0xFFFFE000  }
0x178: {  	[spmem:s2] =	stream.indirect.scatter.add.f32 [tilespmem:s11], [sflag:$0x5], $0x10, s28, s7, $0xb8;
	[tilespmem:$0xF780] =	vst v63  }
0x179: {  	_ =	swait.ge [sflag:s13], $0x2000  }
0x17a: {  	[sflag:s13] =	ssyncset.done $0x0  }
0x17b: {  	[sflag:s13] =	ssyncadd.s32 $0xFFFFE000  }
0x17c: {  	[tilespmem:s9], [sflag:$0x3] =	stream.indirect.gather [hbm4b:s4+s7], $0x10, s25, s7, $0xb8;
	[tilespmem:$0xF780] =	vst v63  }
0x17d: {  	_ =	swait.ge [sflag:s18], $0x2000  }
0x17e: {  	[sflag:s18] =	ssyncset.done $0x0  }
0x17f: {  	[sflag:s18] =	ssyncadd.s32 $0xFFFFE000  }
0x180: {  	[spmem:s2] =	stream.indirect.scatter.add.f32 [tilespmem:s10], [sflag:$0x6], $0x10, s24, s7, $0xb8;
	[tilespmem:$0xF780] =	vst v63  }
0x181: {  	_ =	swait.ge [sflag:s14], $0x2000  }
0x182: {  	[sflag:s14] =	ssyncset.done $0x0  }
0x183: {  	[sflag:s14] =	ssyncadd.s32 $0xFFFFE000  }
0x184: {  	[tilespmem:s8], [sflag:$0x4] =	stream.indirect.gather [hbm4b:s4+s7], $0x10, s23, s7, $0xb8;
	[tilespmem:$0xF780] =	vst v63  }
0x185: {  	_ =	swait.ge [sflag:s17], $0x2000  }
0x186: {  	[sflag:s17] =	ssyncset.done $0x0  }
0x187: {  	[sflag:s17] =	ssyncadd.s32 $0xFFFFE000  }
0x188: {  	[spmem:s2] =	stream.indirect.scatter.add.f32 [tilespmem:s9], [sflag:$0x7], $0x10, s22, s7, $0xb8;
	[tilespmem:$0xF780] =	vst v63  }
0x189: {  	_ =	swait.ge [sflag:s15], $0x2000  }
0x18a: {  	[sflag:s15] =	ssyncset.done $0x0  }
0x18b: {  	[sflag:s15] =	ssyncadd.s32 $0xFFFFE000  }
0x18c: {  	_ =	swait.ge [sflag:s16], $0x2000  }
0x18d: {  	[sflag:s16] =	ssyncset.done $0x0  }
0x18e: {  	[sflag:s16] =	ssyncadd.s32 $0xFFFFE000  }
0x18f: {  	[spmem:s2] =	stream.indirect.scatter.add.f32 [tilespmem:s8], [sflag:$0x8], $0x10, s21, s7, $0xb8;
	[tilespmem:$0xF780] =	vst v63  }
0x190: {  	_ =	swait.ge [sflag:s12], $0x2000  }
0x191: {  	[sflag:s12] =	ssyncset.done $0x0  }
0x192: {  	[sflag:s12] =	ssyncadd.s32 $0xFFFFE000  }
0x193: {  	_ =	swait.ge [sflag:s13], $0x2000  }
0x194: {  	[sflag:s13] =	ssyncset.done $0x0  }
0x195: {  	[sflag:s13] =	ssyncadd.s32 $0xFFFFE000  }
0x196: {  	_ =	swait.ge [sflag:s14], $0x2000  }
0x197: {  	[sflag:s14] =	ssyncset.done $0x0  }
0x198: {  	p1 =	sne.s32 s1, $0x1;
	[sflag:s14] =	ssyncadd.s32 $0xFFFFE000  }
.Ltmp2:
0x199: {  	[bflag:$0x0] =	sbarrier.arrive $0xFFFF;
	(pc) =	sbr.rel @p1 .LBB2_4-.Ltmp2, $4  }
0x19a: {  	s20 =	rddreg [dreg:$0x7]  }
0x19b: {  	[hbm:s20], [sflag:s3] =	dma.local [spmem:s5], $0x4F0  }
0x19c: {  	_ =	swait.ge [sflag:s6], $0x4F0  }
0x19d: {  	s1 =	sadd.s32 $0xFFFFFFFF, s1;
	s0 =	rddreg [dreg:$0x4];
	[sflag:s6] =	ssyncset.done $0x0  }
0x19e: {  	s21 =	simm.s32 $0x2000;
	s29 =	simm.s32 $0x4600;
	s28 =	simm.s32 $0x4800  }
0x19f: {  	s26 =	simm.s32 $0x2200;
	s25 =	simm.s32 $0x2400;
	s24 =	simm.s32 $0x4A00  }
0x1a0: {  	s23 =	simm.s32 $0x2600;
	s22 =	simm.s32 $0x4C00;
	s20 =	stileid.u32  }
.LBB2_6:
0x1a1: {  	[sflag:s6] =	ssyncadd.s32 @p0 $0xFFFFFB10  }
0x1a2: {  	[spmem:s5], [sflag:s3] =	dma.local [hbm:s0], $0x4F0  }
0x1a3: {  	_ =	swait.ge [sflag:s6], $0x4F0  }
0x1a4: {  	[sflag:s6] =	ssyncset.done $0x0  }
0x1a5: {  	s1 =	rddreg [dreg:$0x5];
	[sflag:s6] =	ssyncadd.s32 $0xFFFFFB10  }
0x1a6: {  	[tilespmem:s30], [sflag:$0x9] =	stream.linear.gather [hbm4b:s1+s30], $0x2800, $0x38;
	[tilespmem:$0xF780] =	vst v63  }
0x1a7: {  	_ =	swait.ge [sflag:s6], $0x2800  }
0x1a8: {  	[sflag:s6] =	ssyncset.done $0x0  }
0x1a9: {  	s1 =	rddreg [dreg:$0x6];
	[sflag:s6] =	ssyncadd.s32 $0xFFFFD800  }
0x1aa: {  	[tilespmem:s31], [sflag:$0x9] =	stream.linear.gather [hbm4b:s1+s30], $0x2800, $0x38;
	[tilespmem:$0xF780] =	vst v63  }
0x1ab: {  	_ =	swait.ge [sflag:s6], $0x2800  }
0x1ac: {  	[sflag:s6] =	ssyncset.done $0x0  }
0x1ad: {  	[sflag:s6] =	ssyncadd.s32 $0xFFFFD800  }
0x1ae: {  	[bflag:$0x0] =	sbarrier.arrive $0xFFFF  }
0x1af: {  	[tilespmem:s11], [sflag:$0x1] =	stream.indirect.gather [hbm4b:s4+s7], $0x10, s30, s7, $0xb8;
	[tilespmem:$0xF780] =	vst v63  }
0x1b0: {  	_ = 	snop  }
0x1b1: {  	[tilespmem:s10], [sflag:$0x2] =	stream.indirect.gather [hbm4b:s4+s7], $0x10, s7, s7, $0xb8;
	[tilespmem:$0xF780] =	vst v63  }
0x1b2: {  	_ =	swait.ge [sflag:s19], $0x2000  }
0x1b3: {  	[sflag:s19] =	ssyncset.done $0x0  }
0x1b4: {  	[sflag:s19] =	ssyncadd.s32 $0xFFFFE000  }
0x1b5: {  	[spmem:s2] =	stream.indirect.scatter.add.f32 [tilespmem:s11], [sflag:$0x5], $0x10, s31, s7, $0xb8;
	[tilespmem:$0xF780] =	vst v63  }
0x1b6: {  	s30 =	rddreg [dreg:$0x8]  }
0x1b7: {  	[tilespmem:s9], [sflag:$0x3] =	stream.indirect.gather [hbm4b:s4+s7], $0x10, s30, s7, $0xb8;
	[tilespmem:$0xF780] =	vst v63  }
0x1b8: {  	_ =	swait.ge [sflag:s18], $0x2000  }
0x1b9: {  	[sflag:s18] =	ssyncset.done $0x0  }
0x1ba: {  	s31 =	rddreg [dreg:$0x9];
	[sflag:s18] =	ssyncadd.s32 $0xFFFFE000  }
0x1bb: {  	[spmem:s2] =	stream.indirect.scatter.add.f32 [tilespmem:s10], [sflag:$0x6], $0x10, s31, s7, $0xb8;
	[tilespmem:$0xF780] =	vst v63  }
0x1bc: {  	s1 =	rddreg [dreg:$0xa]  }
0x1bd: {  	[tilespmem:s8], [sflag:$0x4] =	stream.indirect.gather [hbm4b:s4+s7], $0x10, s1, s7, $0xb8;
	[tilespmem:$0xF780] =	vst v63  }
0x1be: {  	_ =	swait.ge [sflag:s17], $0x2000  }
0x1bf: {  	[sflag:s17] =	ssyncset.done $0x0  }
0x1c0: {  	s1 =	rddreg [dreg:$0xb];
	[sflag:s17] =	ssyncadd.s32 $0xFFFFE000  }
0x1c1: {  	[spmem:s2] =	stream.indirect.scatter.add.f32 [tilespmem:s9], [sflag:$0x7], $0x10, s1, s7, $0xb8;
	[tilespmem:$0xF780] =	vst v63  }
0x1c2: {  	_ =	swait.ge [sflag:s15], $0x2000  }
0x1c3: {  	[sflag:s15] =	ssyncset.done $0x0  }
0x1c4: {  	s30 =	rddreg [dreg:$0xc];
	[sflag:s15] =	ssyncadd.s32 $0xFFFFE000  }
0x1c5: {  	[tilespmem:s11], [sflag:$0x1] =	stream.indirect.gather [hbm4b:s4+s7], $0x10, s30, s7, $0xb8;
	[tilespmem:$0xF780] =	vst v63  }
0x1c6: {  	_ =	swait.ge [sflag:s16], $0x2000  }
0x1c7: {  	[sflag:s16] =	ssyncset.done $0x0  }
0x1c8: {  	s31 =	rddreg [dreg:$0xd];
	[sflag:s16] =	ssyncadd.s32 $0xFFFFE000  }
0x1c9: {  	[spmem:s2] =	stream.indirect.scatter.add.f32 [tilespmem:s8], [sflag:$0x8], $0x10, s31, s7, $0xb8;
	[tilespmem:$0xF780] =	vst v63  }
0x1ca: {  	_ =	swait.ge [sflag:s12], $0x2000  }
0x1cb: {  	[sflag:s12] =	ssyncset.done $0x0  }
0x1cc: {  	s1 =	rddreg [dreg:$0xe];
	[sflag:s12] =	ssyncadd.s32 $0xFFFFE000  }
0x1cd: {  	[tilespmem:s10], [sflag:$0x2] =	stream.indirect.gather [hbm4b:s4+s7], $0x10, s1, s7, $0xb8;
	[tilespmem:$0xF780] =	vst v63  }
0x1ce: {  	_ =	swait.ge [sflag:s19], $0x2000  }
0x1cf: {  	[sflag:s19] =	ssyncset.done $0x0  }
0x1d0: {  	s30 =	rddreg [dreg:$0xf];
	[sflag:s19] =	ssyncadd.s32 $0xFFFFE000  }
0x1d1: {  	[spmem:s2] =	stream.indirect.scatter.add.f32 [tilespmem:s11], [sflag:$0x5], $0x10, s30, s7, $0xb8;
	[tilespmem:$0xF780] =	vst v63  }
0x1d2: {  	_ =	swait.ge [sflag:s13], $0x2000  }
0x1d3: {  	[sflag:s13] =	ssyncset.done $0x0  }
0x1d4: {  	s31 =	rddreg [dreg:$0x10];
	[sflag:s13] =	ssyncadd.s32 $0xFFFFE000  }
0x1d5: {  	[tilespmem:s9], [sflag:$0x3] =	stream.indirect.gather [hbm4b:s4+s7], $0x10, s31, s7, $0xb8;
	[tilespmem:$0xF780] =	vst v63  }
0x1d6: {  	_ =	swait.ge [sflag:s18], $0x2000  }
0x1d7: {  	[sflag:s18] =	ssyncset.done $0x0  }
0x1d8: {  	s1 =	rddreg [dreg:$0x11];
	[sflag:s18] =	ssyncadd.s32 $0xFFFFE000  }
0x1d9: {  	[spmem:s2] =	stream.indirect.scatter.add.f32 [tilespmem:s10], [sflag:$0x6], $0x10, s1, s7, $0xb8;
	[tilespmem:$0xF780] =	vst v63  }
0x1da: {  	_ =	swait.ge [sflag:s14], $0x2000  }
0x1db: {  	[sflag:s14] =	ssyncset.done $0x0  }
0x1dc: {  	s30 =	rddreg [dreg:$0x12];
	[sflag:s14] =	ssyncadd.s32 $0xFFFFE000  }
0x1dd: {  	[tilespmem:s8], [sflag:$0x4] =	stream.indirect.gather [hbm4b:s4+s7], $0x10, s30, s7, $0xb8;
	[tilespmem:$0xF780] =	vst v63  }
0x1de: {  	_ =	swait.ge [sflag:s17], $0x2000  }
0x1df: {  	[sflag:s17] =	ssyncset.done $0x0  }
0x1e0: {  	s31 =	rddreg [dreg:$0x13];
	[sflag:s17] =	ssyncadd.s32 $0xFFFFE000  }
0x1e1: {  	[spmem:s2] =	stream.indirect.scatter.add.f32 [tilespmem:s9], [sflag:$0x7], $0x10, s31, s7, $0xb8;
	[tilespmem:$0xF780] =	vst v63  }
0x1e2: {  	_ =	swait.ge [sflag:s15], $0x2000  }
0x1e3: {  	[sflag:s15] =	ssyncset.done $0x0  }
0x1e4: {  	s1 =	rddreg [dreg:$0x14];
	[sflag:s15] =	ssyncadd.s32 $0xFFFFE000  }
0x1e5: {  	[tilespmem:s11], [sflag:$0x1] =	stream.indirect.gather [hbm4b:s4+s7], $0x10, s1, s7, $0xb8;
	[tilespmem:$0xF780] =	vst v63  }
0x1e6: {  	_ =	swait.ge [sflag:s16], $0x2000  }
0x1e7: {  	[sflag:s16] =	ssyncset.done $0x0  }
0x1e8: {  	s30 =	rddreg [dreg:$0x15];
	[sflag:s16] =	ssyncadd.s32 $0xFFFFE000  }
0x1e9: {  	[spmem:s2] =	stream.indirect.scatter.add.f32 [tilespmem:s8], [sflag:$0x8], $0x10, s30, s7, $0xb8;
	[tilespmem:$0xF780] =	vst v63  }
0x1ea: {  	_ =	swait.ge [sflag:s12], $0x2000  }
0x1eb: {  	[sflag:s12] =	ssyncset.done $0x0  }
0x1ec: {  	s31 =	rddreg [dreg:$0x16];
	[sflag:s12] =	ssyncadd.s32 $0xFFFFE000  }
0x1ed: {  	[tilespmem:s10], [sflag:$0x2] =	stream.indirect.gather [hbm4b:s4+s7], $0x10, s31, s7, $0xb8;
	[tilespmem:$0xF780] =	vst v63  }
0x1ee: {  	_ =	swait.ge [sflag:s19], $0x2000  }
0x1ef: {  	[sflag:s19] =	ssyncset.done $0x0  }
0x1f0: {  	s1 =	rddreg [dreg:$0x17];
	[sflag:s19] =	ssyncadd.s32 $0xFFFFE000  }
0x1f1: {  	[spmem:s2] =	stream.indirect.scatter.add.f32 [tilespmem:s11], [sflag:$0x5], $0x10, s1, s7, $0xb8;
	[tilespmem:$0xF780] =	vst v63  }
0x1f2: {  	_ =	swait.ge [sflag:s13], $0x2000  }
0x1f3: {  	[sflag:s13] =	ssyncset.done $0x0  }
0x1f4: {  	s30 =	rddreg [dreg:$0x18];
	[sflag:s13] =	ssyncadd.s32 $0xFFFFE000  }
0x1f5: {  	[tilespmem:s9], [sflag:$0x3] =	stream.indirect.gather [hbm4b:s4+s7], $0x10, s30, s7, $0xb8;
	[tilespmem:$0xF780] =	vst v63  }
0x1f6: {  	_ =	swait.ge [sflag:s18], $0x2000  }
0x1f7: {  	[sflag:s18] =	ssyncset.done $0x0  }
0x1f8: {  	s31 =	rddreg [dreg:$0x19];
	[sflag:s18] =	ssyncadd.s32 $0xFFFFE000  }
0x1f9: {  	[spmem:s2] =	stream.indirect.scatter.add.f32 [tilespmem:s10], [sflag:$0x6], $0x10, s31, s7, $0xb8;
	[tilespmem:$0xF780] =	vst v63  }
0x1fa: {  	_ =	swait.ge [sflag:s14], $0x2000  }
0x1fb: {  	[sflag:s14] =	ssyncset.done $0x0  }
0x1fc: {  	s1 =	rddreg [dreg:$0x1a];
	[sflag:s14] =	ssyncadd.s32 $0xFFFFE000  }
0x1fd: {  	[tilespmem:s8], [sflag:$0x4] =	stream.indirect.gather [hbm4b:s4+s7], $0x10, s1, s7, $0xb8;
	[tilespmem:$0xF780] =	vst v63  }
0x1fe: {  	_ =	swait.ge [sflag:s17], $0x2000  }
0x1ff: {  	[sflag:s17] =	ssyncset.done $0x0  }
0x200: {  	s30 =	rddreg [dreg:$0x1b];
	[sflag:s17] =	ssyncadd.s32 $0xFFFFE000  }
0x201: {  	[spmem:s2] =	stream.indirect.scatter.add.f32 [tilespmem:s9], [sflag:$0x7], $0x10, s30, s7, $0xb8;
	[tilespmem:$0xF780] =	vst v63  }
0x202: {  	_ =	swait.ge [sflag:s15], $0x2000  }
0x203: {  	[sflag:s15] =	ssyncset.done $0x0  }
0x204: {  	s31 =	rddreg [dreg:$0x1c];
	[sflag:s15] =	ssyncadd.s32 $0xFFFFE000  }
0x205: {  	[tilespmem:s11], [sflag:$0x1] =	stream.indirect.gather [hbm4b:s4+s7], $0x10, s31, s7, $0xb8;
	[tilespmem:$0xF780] =	vst v63  }
0x206: {  	_ =	swait.ge [sflag:s16], $0x2000  }
0x207: {  	[sflag:s16] =	ssyncset.done $0x0  }
0x208: {  	s1 =	rddreg [dreg:$0x1d];
	[sflag:s16] =	ssyncadd.s32 $0xFFFFE000  }
0x209: {  	[spmem:s2] =	stream.indirect.scatter.add.f32 [tilespmem:s8], [sflag:$0x8], $0x10, s1, s7, $0xb8;
	[tilespmem:$0xF780] =	vst v63  }
0x20a: {  	_ =	swait.ge [sflag:s12], $0x2000  }
0x20b: {  	[sflag:s12] =	ssyncset.done $0x0  }
0x20c: {  	s30 =	rddreg [dreg:$0x1e];
	[sflag:s12] =	ssyncadd.s32 $0xFFFFE000  }
0x20d: {  	[tilespmem:s10], [sflag:$0x2] =	stream.indirect.gather [hbm4b:s4+s7], $0x10, s30, s7, $0xb8;
	[tilespmem:$0xF780] =	vst v63  }
0x20e: {  	_ =	swait.ge [sflag:s19], $0x2000  }
0x20f: {  	[sflag:s19] =	ssyncset.done $0x0  }
0x210: {  	s31 =	rddreg [dreg:$0x1f];
	[sflag:s19] =	ssyncadd.s32 $0xFFFFE000  }
0x211: {  	[spmem:s2] =	stream.indirect.scatter.add.f32 [tilespmem:s11], [sflag:$0x5], $0x10, s31, s7, $0xb8;
	[tilespmem:$0xF780] =	vst v63  }
0x212: {  	_ =	swait.ge [sflag:s13], $0x2000  }
0x213: {  	s1 =	sld [smem:$0x7FA]  }
0x214: {  	[sflag:s13] =	ssyncset.done $0x0  }
0x215: {  	[sflag:s13] =	ssyncadd.s32 $0xFFFFE000  }
0x216: {  	[tilespmem:s9], [sflag:$0x3] =	stream.indirect.gather [hbm4b:s4+s7], $0x10, s1, s7, $0xb8;
	[tilespmem:$0xF780] =	vst v63  }
0x217: {  	_ =	swait.ge [sflag:s18], $0x2000  }
0x218: {  	s30 =	sld [smem:$0x7FB]  }
0x219: {  	[sflag:s18] =	ssyncset.done $0x0  }
0x21a: {  	[sflag:s18] =	ssyncadd.s32 $0xFFFFE000  }
0x21b: {  	[spmem:s2] =	stream.indirect.scatter.add.f32 [tilespmem:s10], [sflag:$0x6], $0x10, s30, s7, $0xb8;
	[tilespmem:$0xF780] =	vst v63  }
0x21c: {  	_ =	swait.ge [sflag:s14], $0x2000  }
0x21d: {  	s31 =	sld [smem:$0x7FC]  }
0x21e: {  	[sflag:s14] =	ssyncset.done $0x0  }
0x21f: {  	[sflag:s14] =	ssyncadd.s32 $0xFFFFE000  }
0x220: {  	[tilespmem:s8], [sflag:$0x4] =	stream.indirect.gather [hbm4b:s4+s7], $0x10, s31, s7, $0xb8;
	[tilespmem:$0xF780] =	vst v63  }
0x221: {  	_ =	swait.ge [sflag:s17], $0x2000  }
0x222: {  	s1 =	sld [smem:$0x7FD]  }
0x223: {  	[sflag:s17] =	ssyncset.done $0x0  }
0x224: {  	[sflag:s17] =	ssyncadd.s32 $0xFFFFE000  }
0x225: {  	[spmem:s2] =	stream.indirect.scatter.add.f32 [tilespmem:s9], [sflag:$0x7], $0x10, s1, s7, $0xb8;
	[tilespmem:$0xF780] =	vst v63  }
0x226: {  	_ =	swait.ge [sflag:s15], $0x2000  }
0x227: {  	[sflag:s15] =	ssyncset.done $0x0  }
0x228: {  	[sflag:s15] =	ssyncadd.s32 $0xFFFFE000  }
0x229: {  	[tilespmem:s11], [sflag:$0x1] =	stream.indirect.gather [hbm4b:s4+s7], $0x10, s21, s7, $0xb8;
	[tilespmem:$0xF780] =	vst v63  }
0x22a: {  	_ =	swait.ge [sflag:s16], $0x2000  }
0x22b: {  	[sflag:s16] =	ssyncset.done $0x0  }
0x22c: {  	[sflag:s16] =	ssyncadd.s32 $0xFFFFE000  }
0x22d: {  	[spmem:s2] =	stream.indirect.scatter.add.f32 [tilespmem:s8], [sflag:$0x8], $0x10, s29, s7, $0xb8;
	[tilespmem:$0xF780] =	vst v63  }
0x22e: {  	_ =	swait.ge [sflag:s12], $0x2000  }
0x22f: {  	[sflag:s12] =	ssyncset.done $0x0  }
0x230: {  	[sflag:s12] =	ssyncadd.s32 $0xFFFFE000  }
0x231: {  	[tilespmem:s10], [sflag:$0x2] =	stream.indirect.gather [hbm4b:s4+s7], $0x10, s26, s7, $0xb8;
	[tilespmem:$0xF780] =	vst v63  }
0x232: {  	_ =	swait.ge [sflag:s19], $0x2000  }
0x233: {  	[sflag:s19] =	ssyncset.done $0x0  }
0x234: {  	[sflag:s19] =	ssyncadd.s32 $0xFFFFE000  }
0x235: {  	[spmem:s2] =	stream.indirect.scatter.add.f32 [tilespmem:s11], [sflag:$0x5], $0x10, s28, s7, $0xb8;
	[tilespmem:$0xF780] =	vst v63  }
0x236: {  	_ =	swait.ge [sflag:s13], $0x2000  }
0x237: {  	[sflag:s13] =	ssyncset.done $0x0  }
0x238: {  	[sflag:s13] =	ssyncadd.s32 $0xFFFFE000  }
0x239: {  	[tilespmem:s9], [sflag:$0x3] =	stream.indirect.gather [hbm4b:s4+s7], $0x10, s25, s7, $0xb8;
	[tilespmem:$0xF780] =	vst v63  }
0x23a: {  	_ =	swait.ge [sflag:s18], $0x2000  }
0x23b: {  	[sflag:s18] =	ssyncset.done $0x0  }
0x23c: {  	[sflag:s18] =	ssyncadd.s32 $0xFFFFE000  }
0x23d: {  	[spmem:s2] =	stream.indirect.scatter.add.f32 [tilespmem:s10], [sflag:$0x6], $0x10, s24, s7, $0xb8;
	[tilespmem:$0xF780] =	vst v63  }
0x23e: {  	_ =	swait.ge [sflag:s14], $0x2000  }
0x23f: {  	[sflag:s14] =	ssyncset.done $0x0  }
0x240: {  	[sflag:s14] =	ssyncadd.s32 $0xFFFFE000  }
0x241: {  	[tilespmem:s8], [sflag:$0x4] =	stream.indirect.gather [hbm4b:s4+s7], $0x10, s23, s7, $0xb8;
	[tilespmem:$0xF780] =	vst v63  }
0x242: {  	_ =	swait.ge [sflag:s17], $0x2000  }
0x243: {  	[sflag:s17] =	ssyncset.done $0x0  }
0x244: {  	[sflag:s17] =	ssyncadd.s32 $0xFFFFE000  }
0x245: {  	[spmem:s2] =	stream.indirect.scatter.add.f32 [tilespmem:s9], [sflag:$0x7], $0x10, s22, s7, $0xb8;
	[tilespmem:$0xF780] =	vst v63  }
0x246: {  	_ =	swait.ge [sflag:s15], $0x2000  }
0x247: {  	[sflag:s15] =	ssyncset.done $0x0  }
0x248: {  	[sflag:s15] =	ssyncadd.s32 $0xFFFFE000  }
0x249: {  	_ =	swait.ge [sflag:s16], $0x2000  }
0x24a: {  	[sflag:s16] =	ssyncset.done $0x0  }
0x24b: {  	s30 =	simm.s32 $0x4E00;
	[sflag:s16] =	ssyncadd.s32 $0xFFFFE000  }
0x24c: {  	[spmem:s2] =	stream.indirect.scatter.add.f32 [tilespmem:s8], [sflag:$0x8], $0x10, s30, s7, $0xb8;
	[tilespmem:$0xF780] =	vst v63  }
0x24d: {  	_ =	swait.ge [sflag:s12], $0x2000  }
0x24e: {  	[sflag:s12] =	ssyncset.done $0x0  }
0x24f: {  	[sflag:s12] =	ssyncadd.s32 $0xFFFFE000  }
0x250: {  	_ =	swait.ge [sflag:s13], $0x2000  }
0x251: {  	[sflag:s13] =	ssyncset.done $0x0  }
0x252: {  	[sflag:s13] =	ssyncadd.s32 $0xFFFFE000  }
0x253: {  	_ =	swait.ge [sflag:s14], $0x2000  }
0x254: {  	[sflag:s14] =	ssyncset.done $0x0  }
0x255: {  	[sflag:s14] =	ssyncadd.s32 $0xFFFFE000  }
0x256: {  	[bflag:$0x0] =	sbarrier.arrive $0xFFFF  }
0x257: {  	s31 =	rddreg [dreg:$0x7]  }
0x258: {  	[hbm:s31], [sflag:s3] =	dma.local [spmem:s5], $0x4F0  }
0x259: {  	_ =	swait.ge [sflag:s6], $0x4F0  }
0x25a: {  	[sflag:s6] =	ssyncset.done $0x0  }
0x25b: {  	[sflag:s6] =	ssyncadd.s32 $0xFFFFFB10  }
0x25c: {  	_ =	sfence.sel $0x180000  }
0x25d: {  	[bflag:$0x0] =	sbarrier.arrive $0xFFFF  }
0x25e: {  	_ =	strace $0x9000004D  }
0x25f: {  	[bflag:$0x2] =	sbarrier.arrive $0xFFFF  }
0x260: {  	p0 =	sne.s32 s20, $0x0;
	s0 =	rddreg [dreg:$0x3]  }
0x261: {  	s0 =	sadd.s32 @!p0 $0x100000, s0  }
0x262: {  	[sflag:s0] =	ssyncadd.tile.s32 @!p0 $0x1;
	_ =	shalt  }
.LBB2_1:
.Ltmp3:
0x263: {  	(pc) =	sbr.rel .LBB2_6-.Ltmp3, $4  }
0x264: {  	_ = 	snop  }
0x265: {  	s21 =	simm.s32 $0x2000;
	s29 =	simm.s32 $0x4600  }
0x266: {  	s28 =	simm.s32 $0x4800;
	s26 =	simm.s32 $0x2200;
	s25 =	simm.s32 $0x2400  }
0x267: {  	s24 =	simm.s32 $0x4A00;
	s23 =	simm.s32 $0x2600;
	s22 =	simm.s32 $0x4C00  }
.LBB2_3:
.Ltmp4:
0x268: {  	(pc) =	sbr.rel .LBB2_6-.Ltmp4, $4  }
0x269: {  	_ = 	snop  }
0x26a: {  	s21 =	simm.s32 $0x2000;
	s29 =	simm.s32 $0x4600;
	s28 =	simm.s32 $0x4800  }
0x26b: {  	s26 =	simm.s32 $0x2200;
	s25 =	simm.s32 $0x2400;
	s24 =	simm.s32 $0x4A00  }
0x26c: {  	s23 =	simm.s32 $0x2600;
	s22 =	simm.s32 $0x4C00;
	s20 =	stileid.u32  }
.Lfunc_end2:
_tile_overlayer_lowered:
.L_overlay_start_2:
0x26d: {  	(tag) =	ssettag $0x2  }
0x26e: {  	s0 =	rddreg [dreg:$0x0];
	s2 =	stileid.u32  }
0x26f: {  	s1 =	rddreg [dreg:$0x1];
	p0 =	sne.s32 s2, $0x0  }
0x270: {  	s3 =	rddreg [dreg:$0x2];
	[bflag:$0x3] =	sbarrier.arrive $0xFFFF;
	s2 =	simm.s32 @!p0 $0x1C09  }
0x271: {  	[timem:s3], [sflag:s2] =	dma.local @!p0 [hbm:s0], s1  }
0x272: {  	s0 =	simm.s32 @!p0 $0x9  }
0x273: {  	_ =	swait.ge @!p0 [sflag:s0], s1  }
0x274: {  	s1 =	ssub.s32 @!p0 $0x0, s1;
	[sflag:s0] =	ssyncset.done @!p0 $0x0  }
0x275: {  	[sflag:s0] =	ssyncadd.s32 @!p0 s1  }
0x276: {  	[bflag:$0x3] =	sbarrier.arrive $0xFFFF  }
0x277: {  	_ =	shalt  }

// kernel: kernel.9.cloned.1.call-start
scs
__scs_entry_jumppad:
0x0: {  	(pc) =	sbr.rel $0x88, $3  }
0x1: {  	(tag) =	ssettag $0x0;
	lr =	simm.s32 $0x1  }
0x2: {  	[smem:$0x3F9B] =	sst lr;
	_ =	strace $0xD0000000  }
0x3: {  	_ = 	snop  }
0x4: {  	_ = 	snop  }
0x5: {  	_ = 	snop  }
0x6: {  	_ = 	snop  }
0x7: {  	_ = 	snop  }
__scs_overlays_trampoline_lowered:
0x8: {  	[smem:$0x3FAA] =	sst s0  }
0x9: {  	[smem:$0x3FAB] =	sst s1  }
0xa: {  	[smem:$0x3FAC] =	sst s2  }
0xb: {  	[smem:$0x3FAD] =	sst s3  }
0xc: {  	[smem:$0x3FAE] =	sst s4  }
0xd: {  	[smem:$0x3FAF] =	sst s5  }
0xe: {  	[smem:$0x3FB0] =	sst s6  }
0xf: {  	[smem:$0x3FB1] =	sst s7  }
0x10: {  	[smem:$0x3FB2] =	sst s8  }
0x11: {  	[smem:$0x3FB3] =	sst s9;
	s0 =	simm.s32 @!p0 $0x0  }
0x12: {  	s1 =	sld [smem:$0x3F99];
	s0 =	simm.s32 @p0 $0x1  }
0x13: {  	[smem:$0x3FB4] =	sst s0;
	s0 =	simm.s32 @!p1 $0x0  }
0x14: {  	s2 =	sld [smem:$0x3F98];
	s0 =	simm.s32 @p1 $0x1  }
0x15: {  	[smem:$0x3FB5] =	sst s0;
	s0 =	simm.s32 @!p2 $0x0  }
0x16: {  	s3 =	sld [smem:$0x3FDB];
	s0 =	simm.s32 @p2 $0x1  }
0x17: {  	s4 =	simm.s32 $0x1BF5;
	[smem:$0x3FB7] =	sst s0  }
0x18: {  	s0 =	sld [smem:$0x3F9A];
	_ =	swait.ge [sflag:s4], $0x0  }
0x19: {  	s7 =	sld [smem:$0x3F9B]  }
0x1a: {  	s8 =	sadd.s32 $0xFFFFE003, lr  }
0x1b: {  	s9 =	sadd.s32 $0xFFFFFEF7, lr;
	s5 =	simm.s32 $0xFFFFFFFF;
	p2 =	slt.u32 s8, $0xFFFFF086  }
0x1c: {  	p1 =	slt.u32 s9, $0xF7A;
	s5 =	simm.s32 @!p2 $0x0  }
0x1d: {  	s5 =	simm.s32 @p1 $0x1;
	p0 =	seq.s32 s7, s2  }
0x1e: {  	s7 =	smul.u32 @!p0 $0xF7A, s2;
	p2 =	seq.s32 @!p0 s5, $0x0  }
0x1f: {  	s9 =	smul.u32 $0xF7A, s1;
	s8 =	simm.s32 @!p0 $0x1BF5;
	p2 =	por !p2, p0  }
0x20: {  	[sflag:s8] =	ssyncset.s32 @!p0 $0xFFFFF086;
	s6 =	sadd.s32 @!p0 s3, s7;
	s7 =	simm.s32 @!p0 $0x108  }
0x21: {  	s3 =	sadd.s32 s3, s9;
	s6 =	sadd.s32 @!p0 $0x88, s6;
	s7 =	simm.s32 @p2 $0x1082  }
0x22: {  	[simem:s7], [sflag:s8] =	dma.local @!p0 [hbm:s6], $0xF7A  }
0x23: {  	s9 =	sor.u32 $0xD0000000, s2;
	s6 =	simm.s32 $0x108;
	_ =	swait.ge @!p0 [sflag:s8], $0x0  }
0x24: {  	s3 =	sadd.s32 $0x88, s3;
	s6 =	simm.s32 @!p1 $0x1082;
	[sflag:s4] =	ssyncset.s32 $0xFFFFF086  }
0x25: {  	[simem:s6], [sflag:s4] =	dma.local [hbm:s3], $0xF7A  }
0x26: {  	[smem:$0x3F9B] =	sst s1;
	(tag) =	ssettag s2;
	_ =	strace s9  }
0x27: {  	s1 =	sld [smem:$0x3FAB]  }
0x28: {  	s2 =	sld [smem:$0x3FAC]  }
0x29: {  	s4 =	sld [smem:$0x3FAE]  }
0x2a: {  	p0 =	seq.s32 s5, $0x0;
	s5 =	sld [smem:$0x3FAF]  }
0x2b: {  	s6 =	sld [smem:$0x3FB0]  }
0x2c: {  	s7 =	sld [smem:$0x3FB1]  }
0x2d: {  	s3 =	simm.s32 $0x108;
	s8 =	sld [smem:$0x3FB2]  }
0x2e: {  	s3 =	simm.s32 @!p0 $0x1082;
	s9 =	sld [smem:$0x3FB3]  }
0x2f: {  	lr =	sadd.s32 s0, s3;
	s0 =	sld [smem:$0x3FAA]  }
0x30: {  	s3 =	sld [smem:$0x3FAD]  }
0x31: {  	[smem:$0x3FB6] =	sst s10  }
0x32: {  	s10 =	sld [smem:$0x3FB4];
	_ =	sdelay $0x3  }
0x33: {  	p0 =	seq.s32 s10, $0x1;
	s10 =	sld [smem:$0x3FB6];
	_ =	sdelay $0x3  }
0x34: {  	[smem:$0x3FB6] =	sst s10  }
0x35: {  	s10 =	sld [smem:$0x3FB5];
	_ =	sdelay $0x3  }
0x36: {  	p1 =	seq.s32 s10, $0x1;
	s10 =	sld [smem:$0x3FB6];
	_ =	sdelay $0x3  }
0x37: {  	[smem:$0x3FB6] =	sst s10  }
0x38: {  	s10 =	sld [smem:$0x3FB7]  }
0x39: {  	_ = 	snop;
	(pc) =	sbr.ind lr, $3  }
0x3a: {  	_ = 	snop  }
0x3b: {  	_ = 	snop  }
0x3c: {  	p2 =	seq.s32 s10, $0x1;
	s10 =	sld [smem:$0x3FB6]  }
0x3d: {  	_ =	shalt  }
0x3e: {  	_ =	shalt  }
0x3f: {  	_ =	shalt  }
0x40: {  	_ =	shalt  }
0x41: {  	_ =	shalt  }
0x42: {  	_ =	shalt  }
0x43: {  	_ =	shalt  }
0x44: {  	_ =	shalt  }
0x45: {  	_ =	shalt  }
0x46: {  	_ =	shalt  }
0x47: {  	_ =	shalt  }
0x48: {  	_ =	shalt  }
0x49: {  	_ =	shalt  }
0x4a: {  	_ =	shalt  }
0x4b: {  	_ =	shalt  }
0x4c: {  	_ =	shalt  }
0x4d: {  	_ =	shalt  }
0x4e: {  	_ =	shalt  }
0x4f: {  	_ =	shalt  }
0x50: {  	_ =	shalt  }
0x51: {  	_ =	shalt  }
0x52: {  	_ =	shalt  }
0x53: {  	_ =	shalt  }
0x54: {  	_ =	shalt  }
0x55: {  	_ =	shalt  }
0x56: {  	_ =	shalt  }
0x57: {  	_ =	shalt  }
0x58: {  	_ =	shalt  }
0x59: {  	_ =	shalt  }
0x5a: {  	_ =	shalt  }
0x5b: {  	_ =	shalt  }
0x5c: {  	_ =	shalt  }
0x5d: {  	_ =	shalt  }
0x5e: {  	_ =	shalt  }
0x5f: {  	_ =	shalt  }
0x60: {  	_ =	shalt  }
0x61: {  	_ =	shalt  }
0x62: {  	_ =	shalt  }
0x63: {  	_ =	shalt  }
0x64: {  	_ =	shalt  }
0x65: {  	_ =	shalt  }
0x66: {  	_ =	shalt  }
0x67: {  	_ =	shalt  }
0x68: {  	_ =	shalt  }
0x69: {  	_ =	shalt  }
0x6a: {  	_ =	shalt  }
0x6b: {  	_ =	shalt  }
0x6c: {  	_ =	shalt  }
0x6d: {  	_ =	shalt  }
0x6e: {  	_ =	shalt  }
0x6f: {  	_ =	shalt  }
0x70: {  	_ =	shalt  }
0x71: {  	_ =	shalt  }
0x72: {  	_ =	shalt  }
0x73: {  	_ =	shalt  }
0x74: {  	_ =	shalt  }
0x75: {  	_ =	shalt  }
0x76: {  	_ =	shalt  }
0x77: {  	_ =	shalt  }
0x78: {  	_ =	shalt  }
0x79: {  	_ =	shalt  }
0x7a: {  	_ =	shalt  }
0x7b: {  	_ =	shalt  }
0x7c: {  	_ =	shalt  }
0x7d: {  	_ =	shalt  }
0x7e: {  	_ =	shalt  }
0x7f: {  	_ =	shalt  }
0x80: {  	_ =	shalt  }
0x81: {  	_ =	shalt  }
0x82: {  	_ =	shalt  }
0x83: {  	_ =	shalt  }
0x84: {  	_ =	shalt  }
0x85: {  	_ =	shalt  }
0x86: {  	_ =	shalt  }
0x87: {  	_ =	shalt  }
.Lfunc_end0:
.L_simem_size_0:
called_computation_lowered:
.L_overlay_start_0:
0x88: {  	s2 =	sld [smem:$0x3FD9]  }
0x89: {  	s3 =	sld [smem:$0x3FFE];
	_ =	sdelay $0x1  }
0x8a: {  	s1 =	srdreg.scid  }
0x8b: {  	s0 =	sand.u32 $0x1, s1  }
0x8c: {  	s16 =	sshll.u32 s0, $0xA;
	s2 =	sadd.s32 s3, s2  }
0x8d: {  	s2 =	sadd.s32 s2, s16  }
0x8e: {  	[smem:$0x3FC2] =	sst s2  }
0x8f: {  	_ = 	snop  }
0x90: {  	(tm) =	ssettm $0x1  }
0x91: {  	s17 =	sld [smem:$0x3FFB];
	_ =	sdelay $0x3  }
0x92: {  	_ =	strace s17  }
0x93: {  	s2 =	sld [smem:$0x3FFC];
	_ =	sdelay $0x3  }
0x94: {  	_ =	strace s2  }
0x95: {  	s2 =	sld [smem:$0x3FFD];
	_ =	sdelay $0x3  }
0x96: {  	_ =	strace s2  }
0x97: {  	_ =	strace $0x8FFFFFFF  }
0x98: {  	s18 =	sld [smem:$0x3FDB];
	_ =	sdelay $0x1  }
0x99: {  	s19 =	simm.s32 $_scs_section_size  }
0x9a: {  	s4 =	simm.s32 $_size__tile_overlayer_lowered;
	s5 =	simm.s32 $_tile_overlayer_lowered  }
0x9b: {  	s22 =	simm.s32 $0x1BFF;
	s21 =	sshll.u32 s5, $0x1;
	s2 =	sadd.s32 s19, s18  }
0x9c: {  	s6 =	simm.s32 $0x0;
	s20 =	sshll.u32 s4, $0x1;
	s4 =	sadd.s32 s21, s2  }
0x9d: {  	[timem:s6], [sflag:s22] =	dma.local [hbm:s4], s20  }
0x9e: {  	_ =	swait.ge [sflag:s22], s20  }
0x9f: {  	s3 =	ssub.s32 $0x0, s20;
	[sflag:s22] =	ssyncset.done $0x0  }
0xa0: {  	[sflag:s22] =	ssyncadd.s32 s3;
	_ =	sdelay $0x1  }
0xa1: {  	s23 =	simm.s32 $0x1B8B  }
0xa2: {  	_ =	swait.ge [sflag:s23], $0x1  }
0xa3: {  	[sflag:s23] =	ssyncset.done $0x0  }
0xa4: {  	s25 =	simm.s32 $0x1B8E;
	s24 =	sld [smem:$0x3FFE];
	[sflag:s23] =	ssyncadd.s32 $0xFFFFFFFF  }
0xa5: {  	s26 =	simm.s32 $execute0_lowered;
	[smem:$0x3FD2] =	sst s25  }
0xa6: {  	s4 =	sshll.u32 s26, $0x1;
	_ =	strace $0x80000046;
	[dreg:$0x1] =	wrdreg $0xFFFFFFFF  }
0xa7: {  	s28 =	simm.s32 $_size_execute0_lowered;
	s2 =	sadd.s32 s2, s4;
	[dreg:$0x0] =	wrdreg $0x0  }
0xa8: {  	s4 =	sshll.u32 s28, $0x1;
	[dreg:$0x2] =	wrdreg s2  }
0xa9: {  	[dreg:$0x3] =	wrdreg s4  }
0xaa: {  	[dreg:$0x4] =	wrdreg $0xC0  }
0xab: {  	_ =	task [dreg:s6], $0x5FFFF  }
0xac: {  	[dreg:$0x1] =	wrdreg $0xFFFFFFFF  }
0xad: {  	[dreg:$0x0] =	wrdreg $0x60  }
0xae: {  	[dreg:$0x2] =	wrdreg s24  }
0xaf: {  	[dreg:$0x3] =	wrdreg $0x48000  }
0xb0: {  	[dreg:$0x4] =	wrdreg $0x9  }
0xb1: {  	_ =	task.clear_ibuf [dreg:s6], $0x5FFFF;
	_ =	strace $0x90000046  }
0xb2: {  	s29 =	simm.s32 $0x9;
	_ =	strace $0x80000048  }
0xb3: {  	_ =	swait.ge [sflag:s29], $0x1  }
0xb4: {  	[sflag:s29] =	ssyncadd.s32 $0xFFFFFFFF  }
0xb5: {  	_ =	strace $0x90000048  }
0xb6: {  	_ =	sfence  }
0xb7: {  	s30 =	sld [smem:$0x0];
	_ =	sdelay $0x2  }
0xb8: {  	s31 =	sshll.u32 s1, $0xD;
	s1 =	sshrl.u32 s1, $0x2  }
0xb9: {  	s3 =	sand.u32 $0x4000, s31;
	s1 =	sadd.s32 s1, s30  }
0xba: {  	s0 =	sor.u32 s3, s0;
	s1 =	sshll.u32 s1, $0x11  }
0xbb: {  	s0 =	sor.u32 s1, s0  }
0xbc: {  	s0 =	sadd.s32 $0x8F2B, s0  }
0xbd: {  	[sflag:s0] =	ssyncadd.remote.s32 $0x1  }
0xbe: {  	_ =	sfence.sel $0xFFFF  }
0xbf: {  	[dreg:$0x0] =	wrdreg $0xFFFFFFFF;
	(pc) =	sbr.abs _section_cstart, $3  }
0xc0: {  	[dreg:$0x1] =	wrdreg $0xFFFFFFFF  }
0xc1: {  	_ =	task.clear_ibuf [dreg:s6], $0x2FFFF;
	_ =	strace $0x9FFFFFFF  }
0xc2: {  	(tm) =	ssettm $0x7FFFFFFF  }
0xc3: {  	_ =	shalt  }
tec
execute0_lowered:
.L_overlay_start_1:
0x0: {  	(tag) =	ssettag $0x1  }
0x1: {  	s9 =	rddreg [dreg:$0x0]  }
0x2: {  	s2 =	rddreg [dreg:$0x1];
	s3 =	simm.s32 $0x0;
	s1 =	srdreg.scid  }
0x3: {  	s0 =	stileid.u32;
	[smem:$0x7FF] =	sst s3;
	s31 =	sand.u32 $0x1, s1  }
0x4: {  	s1 =	smul.u32 $0x2780, s0;
	s5 =	sadd.s32 $0x10600, s9;
	s4 =	sshll.u32 s31, $0x4  }
0x5: {  	_ =	strace $0x80000047;
	[dreg:$0x3] =	wrdreg s5;
	s4 =	sor.u32 s0, s4  }
0x6: {  	s6 =	sshrl.u32 s1, $0x3;
	s26 =	sadd.s32 s1, s2;
	s0 =	sshll.u32 s0, $0x6  }
0x7: {  	s8 =	smul.u32 $0x500, s4;
	s25 =	sadd.s32 s6, s9;
	s5 =	sor.u32 $0x1C02, s0  }
0x8: {  	s7 =	sshrl.u32 s26, $0x3;
	s6 =	simm.s32 $0x2;
	s4 =	sadd.s32 $0xB600, s25  }
0x9: {  	[spmem:s7], [sflag:s5] =	dma.local [hbm:s4], $0x4F0  }
0xa: {  	_ =	swait.ge [sflag:s6], $0x4F0  }
0xb: {  	s8 =	sadd.s32 s8, s9;
	[sflag:s6] =	ssyncset.done $0x0  }
0xc: {  	s8 =	sadd.s32 $0x1600, s8;
	[sflag:s6] =	ssyncadd.s32 $0xFFFFFB10  }
0xd: {  	[tilespmem:s3], [sflag:$0x2] =	stream.linear.gather [hbm4b:s8+s3], $0x2800, $0x38;
	[tilespmem:$0x6F80] =	vst v63  }
0xe: {  	_ =	swait.ge [sflag:s6], $0x2800  }
0xf: {  	[sflag:s6] =	ssyncset.done $0x0  }
0x10: {  	s9 =	simm.s32 $0x2800;
	s10 =	rddreg [dreg:$0x3];
	[sflag:s6] =	ssyncadd.s32 $0xFFFFD800  }
0x11: {  	[tilespmem:s9], [sflag:$0x2] =	stream.linear.gather [hbm4b:s10+s3], $0x2000, $0x38;
	[tilespmem:$0x6F80] =	vst v63  }
0x12: {  	_ =	swait.ge [sflag:s6], $0x2000  }
0x13: {  	[sflag:s6] =	ssyncset.done $0x0  }
0x14: {  	[sflag:s6] =	ssyncadd.s32 $0xFFFFE000  }
0x15: {  	s10 =	simm.s32 $0x200;
	[bflag:$0x0] =	sbarrier.arrive $0xFFFF  }
0x16: {  	[spmem:s2] =	stream.indirect.scatter.add.f32 [tilespmem:s9], [sflag:$0x1], $0x10, s3, s10, $0xb8;
	[tilespmem:$0x6F80] =	vst v63  }
0x17: {  	_ = 	snop  }
0x18: {  	[spmem:s2] =	stream.indirect.scatter.add.f32 [tilespmem:s9], [sflag:$0x1], $0x10, s10, s10, $0xb8;
	[tilespmem:$0x6F80] =	vst v63  }
0x19: {  	s11 =	simm.s32 $0x400  }
0x1a: {  	[spmem:s2] =	stream.indirect.scatter.add.f32 [tilespmem:s9], [sflag:$0x1], $0x10, s11, s10, $0xb8;
	[tilespmem:$0x6F80] =	vst v63  }
0x1b: {  	s12 =	simm.s32 $0x600;
	s13 =	simm.s32 $0x1  }
0x1c: {  	[spmem:s2] =	stream.indirect.scatter.add.f32 [tilespmem:s9], [sflag:$0x1], $0x10, s12, s10, $0xb8;
	[tilespmem:$0x6F80] =	vst v63  }
0x1d: {  	_ =	swait.ge [sflag:s13], $0x2000  }
0x1e: {  	[sflag:s13] =	ssyncset.done $0x0  }
0x1f: {  	[sflag:s13] =	ssyncadd.s32 $0xFFFFE000  }
0x20: {  	_ =	swait.ge [sflag:s13], $0x2000  }
0x21: {  	[sflag:s13] =	ssyncset.done $0x0  }
0x22: {  	[sflag:s13] =	ssyncadd.s32 $0xFFFFE000  }
0x23: {  	_ =	swait.ge [sflag:s13], $0x2000  }
0x24: {  	[sflag:s13] =	ssyncset.done $0x0  }
0x25: {  	[sflag:s13] =	ssyncadd.s32 $0xFFFFE000  }
0x26: {  	_ =	swait.ge [sflag:s13], $0x2000  }
0x27: {  	[sflag:s13] =	ssyncset.done $0x0  }
0x28: {  	s14 =	simm.s32 $0x800;
	[sflag:s13] =	ssyncadd.s32 $0xFFFFE000  }
0x29: {  	[spmem:s2] =	stream.indirect.scatter.add.f32 [tilespmem:s9], [sflag:$0x1], $0x10, s14, s10, $0xb8;
	[tilespmem:$0x6F80] =	vst v63  }
0x2a: {  	s15 =	simm.s32 $0xA00  }
0x2b: {  	[spmem:s2] =	stream.indirect.scatter.add.f32 [tilespmem:s9], [sflag:$0x1], $0x10, s15, s10, $0xb8;
	[tilespmem:$0x6F80] =	vst v63  }
0x2c: {  	s16 =	simm.s32 $0xC00  }
0x2d: {  	[spmem:s2] =	stream.indirect.scatter.add.f32 [tilespmem:s9], [sflag:$0x1], $0x10, s16, s10, $0xb8;
	[tilespmem:$0x6F80] =	vst v63  }
0x2e: {  	s17 =	simm.s32 $0xE00  }
0x2f: {  	[spmem:s2] =	stream.indirect.scatter.add.f32 [tilespmem:s9], [sflag:$0x1], $0x10, s17, s10, $0xb8;
	[tilespmem:$0x6F80] =	vst v63  }
0x30: {  	_ =	swait.ge [sflag:s13], $0x2000  }
0x31: {  	[sflag:s13] =	ssyncset.done $0x0  }
0x32: {  	[sflag:s13] =	ssyncadd.s32 $0xFFFFE000  }
0x33: {  	_ =	swait.ge [sflag:s13], $0x2000  }
0x34: {  	[sflag:s13] =	ssyncset.done $0x0  }
0x35: {  	[sflag:s13] =	ssyncadd.s32 $0xFFFFE000  }
0x36: {  	_ =	swait.ge [sflag:s13], $0x2000  }
0x37: {  	[sflag:s13] =	ssyncset.done $0x0  }
0x38: {  	[sflag:s13] =	ssyncadd.s32 $0xFFFFE000  }
0x39: {  	_ =	swait.ge [sflag:s13], $0x2000  }
0x3a: {  	[sflag:s13] =	ssyncset.done $0x0  }
0x3b: {  	s18 =	simm.s32 $0x1000;
	[sflag:s13] =	ssyncadd.s32 $0xFFFFE000  }
0x3c: {  	[spmem:s2] =	stream.indirect.scatter.add.f32 [tilespmem:s9], [sflag:$0x1], $0x10, s18, s10, $0xb8;
	[tilespmem:$0x6F80] =	vst v63  }
0x3d: {  	s19 =	simm.s32 $0x1200  }
0x3e: {  	[spmem:s2] =	stream.indirect.scatter.add.f32 [tilespmem:s9], [sflag:$0x1], $0x10, s19, s10, $0xb8;
	[tilespmem:$0x6F80] =	vst v63  }
0x3f: {  	s20 =	simm.s32 $0x1400  }
0x40: {  	[spmem:s2] =	stream.indirect.scatter.add.f32 [tilespmem:s9], [sflag:$0x1], $0x10, s20, s10, $0xb8;
	[tilespmem:$0x6F80] =	vst v63  }
0x41: {  	s21 =	simm.s32 $0x1600  }
0x42: {  	[spmem:s2] =	stream.indirect.scatter.add.f32 [tilespmem:s9], [sflag:$0x1], $0x10, s21, s10, $0xb8;
	[tilespmem:$0x6F80] =	vst v63  }
0x43: {  	_ =	swait.ge [sflag:s13], $0x2000  }
0x44: {  	[sflag:s13] =	ssyncset.done $0x0  }
0x45: {  	[sflag:s13] =	ssyncadd.s32 $0xFFFFE000  }
0x46: {  	_ =	swait.ge [sflag:s13], $0x2000  }
0x47: {  	[sflag:s13] =	ssyncset.done $0x0  }
0x48: {  	[sflag:s13] =	ssyncadd.s32 $0xFFFFE000  }
0x49: {  	_ =	swait.ge [sflag:s13], $0x2000  }
0x4a: {  	[sflag:s13] =	ssyncset.done $0x0  }
0x4b: {  	[sflag:s13] =	ssyncadd.s32 $0xFFFFE000  }
0x4c: {  	_ =	swait.ge [sflag:s13], $0x2000  }
0x4d: {  	[sflag:s13] =	ssyncset.done $0x0  }
0x4e: {  	s22 =	simm.s32 $0x1800;
	[sflag:s13] =	ssyncadd.s32 $0xFFFFE000  }
0x4f: {  	[spmem:s2] =	stream.indirect.scatter.add.f32 [tilespmem:s9], [sflag:$0x1], $0x10, s22, s10, $0xb8;
	[tilespmem:$0x6F80] =	vst v63  }
0x50: {  	s23 =	simm.s32 $0x1A00  }
0x51: {  	[spmem:s2] =	stream.indirect.scatter.add.f32 [tilespmem:s9], [sflag:$0x1], $0x10, s23, s10, $0xb8;
	[tilespmem:$0x6F80] =	vst v63  }
0x52: {  	s24 =	simm.s32 $0x1C00  }
0x53: {  	[spmem:s2] =	stream.indirect.scatter.add.f32 [tilespmem:s9], [sflag:$0x1], $0x10, s24, s10, $0xb8;
	[tilespmem:$0x6F80] =	vst v63  }
0x54: {  	s25 =	simm.s32 $0x1E00  }
0x55: {  	[spmem:s2] =	stream.indirect.scatter.add.f32 [tilespmem:s9], [sflag:$0x1], $0x10, s25, s10, $0xb8;
	[tilespmem:$0x6F80] =	vst v63  }
0x56: {  	_ =	swait.ge [sflag:s13], $0x2000  }
0x57: {  	[sflag:s13] =	ssyncset.done $0x0  }
0x58: {  	[sflag:s13] =	ssyncadd.s32 $0xFFFFE000  }
0x59: {  	_ =	swait.ge [sflag:s13], $0x2000  }
0x5a: {  	[sflag:s13] =	ssyncset.done $0x0  }
0x5b: {  	[sflag:s13] =	ssyncadd.s32 $0xFFFFE000  }
0x5c: {  	_ =	swait.ge [sflag:s13], $0x2000  }
0x5d: {  	[sflag:s13] =	ssyncset.done $0x0  }
0x5e: {  	[sflag:s13] =	ssyncadd.s32 $0xFFFFE000  }
0x5f: {  	_ =	swait.ge [sflag:s13], $0x2000  }
0x60: {  	[sflag:s13] =	ssyncset.done $0x0  }
0x61: {  	s26 =	simm.s32 $0x2000;
	[sflag:s13] =	ssyncadd.s32 $0xFFFFE000  }
0x62: {  	[spmem:s2] =	stream.indirect.scatter.add.f32 [tilespmem:s9], [sflag:$0x1], $0x10, s26, s10, $0xb8;
	[tilespmem:$0x6F80] =	vst v63  }
0x63: {  	s28 =	simm.s32 $0x2200  }
0x64: {  	[spmem:s2] =	stream.indirect.scatter.add.f32 [tilespmem:s9], [sflag:$0x1], $0x10, s28, s10, $0xb8;
	[tilespmem:$0x6F80] =	vst v63  }
0x65: {  	s29 =	simm.s32 $0x2400  }
0x66: {  	[spmem:s2] =	stream.indirect.scatter.add.f32 [tilespmem:s9], [sflag:$0x1], $0x10, s29, s10, $0xb8;
	[tilespmem:$0x6F80] =	vst v63  }
0x67: {  	s30 =	simm.s32 $0x2600  }
0x68: {  	[spmem:s2] =	stream.indirect.scatter.add.f32 [tilespmem:s9], [sflag:$0x1], $0x10, s30, s10, $0xb8;
	[tilespmem:$0x6F80] =	vst v63  }
0x69: {  	_ =	swait.ge [sflag:s13], $0x2000  }
0x6a: {  	[sflag:s13] =	ssyncset.done $0x0  }
0x6b: {  	[sflag:s13] =	ssyncadd.s32 $0xFFFFE000  }
0x6c: {  	_ =	swait.ge [sflag:s13], $0x2000  }
0x6d: {  	[sflag:s13] =	ssyncset.done $0x0  }
0x6e: {  	s0 =	smul.u32 $0x27800, s31;
	[sflag:s13] =	ssyncadd.s32 $0xFFFFE000  }
0x6f: {  	_ =	swait.ge [sflag:s13], $0x2000  }
0x70: {  	s0 =	sadd.s32 s1, s0;
	[sflag:s13] =	ssyncset.done $0x0  }
0x71: {  	s1 =	ssub.s32 $0x2, s31;
	s0 =	sshrl.u32 s0, $0x3;
	[sflag:s13] =	ssyncadd.s32 $0xFFFFE000  }
0x72: {  	_ =	swait.ge [sflag:s13], $0x2000;
	[dreg:$0x4] =	wrdreg s0;
	s0 =	sshrl.u32 s1, $0x1  }
0x73: {  	[dreg:$0x5] =	wrdreg s0  }
0x74: {  	[sflag:s13] =	ssyncset.done $0x0;
	s31 =	rddreg [dreg:$0x4]  }
0x75: {  	s0 =	rddreg [dreg:$0x0]  }
0x76: {  	s0 =	sadd.s32 s31, s0;
	s31 =	rddreg [dreg:$0x5]  }
0x77: {  	s1 =	ssub.s32 s1, s31  }
0x78: {  	s1 =	smax.u32 s1, $0x1  }
0x79: {  	p0 =	sne.s32 s1, $0x1  }
.Ltmp0:
0x7a: {  	[sflag:s13] =	ssyncadd.s32 $0xFFFFE000;
	(pc) =	sbr.rel @!p0 .LBB2_2-.Ltmp0, $4  }
0x7b: {  	[bflag:$0x0] =	sbarrier.arrive $0xFFFF;
	s31 =	sadd.s32 $0x10A00, s0  }
0x7c: {  	[hbm:s31], [sflag:s5] =	dma.local [spmem:s7], $0x4F0  }
0x7d: {  	_ =	swait.ge [sflag:s6], $0x4F0  }
0x7e: {  	s0 =	sadd.s32 $0xFFFFFFFF, s1;
	[sflag:s6] =	ssyncset.done $0x0  }
.LBB2_1:
0x7f: {  	[sflag:s6] =	ssyncadd.s32 $0xFFFFFB10  }
0x80: {  	[spmem:s7], [sflag:s5] =	dma.local [hbm:s4], $0x4F0  }
0x81: {  	_ =	swait.ge [sflag:s6], $0x4F0  }
0x82: {  	[sflag:s6] =	ssyncset.done $0x0  }
0x83: {  	[sflag:s6] =	ssyncadd.s32 $0xFFFFFB10  }
0x84: {  	[tilespmem:s3], [sflag:$0x2] =	stream.linear.gather [hbm4b:s8+s3], $0x2800, $0x38;
	[tilespmem:$0x6F80] =	vst v63  }
0x85: {  	_ =	swait.ge [sflag:s6], $0x2800  }
0x86: {  	[sflag:s6] =	ssyncset.done $0x0  }
0x87: {  	s1 =	rddreg [dreg:$0x3];
	[sflag:s6] =	ssyncadd.s32 $0xFFFFD800  }
0x88: {  	[tilespmem:s9], [sflag:$0x2] =	stream.linear.gather [hbm4b:s1+s3], $0x2000, $0x38;
	[tilespmem:$0x6F80] =	vst v63  }
0x89: {  	_ =	swait.ge [sflag:s6], $0x2000  }
0x8a: {  	[sflag:s6] =	ssyncset.done $0x0  }
0x8b: {  	[sflag:s6] =	ssyncadd.s32 $0xFFFFE000  }
0x8c: {  	[bflag:$0x0] =	sbarrier.arrive $0xFFFF  }
0x8d: {  	[spmem:s2] =	stream.indirect.scatter.add.f32 [tilespmem:s9], [sflag:$0x1], $0x10, s3, s10, $0xb8;
	[tilespmem:$0x6F80] =	vst v63  }
0x8e: {  	_ = 	snop  }
0x8f: {  	[spmem:s2] =	stream.indirect.scatter.add.f32 [tilespmem:s9], [sflag:$0x1], $0x10, s10, s10, $0xb8;
	[tilespmem:$0x6F80] =	vst v63  }
0x90: {  	_ = 	snop  }
0x91: {  	[spmem:s2] =	stream.indirect.scatter.add.f32 [tilespmem:s9], [sflag:$0x1], $0x10, s11, s10, $0xb8;
	[tilespmem:$0x6F80] =	vst v63  }
0x92: {  	_ = 	snop  }
0x93: {  	[spmem:s2] =	stream.indirect.scatter.add.f32 [tilespmem:s9], [sflag:$0x1], $0x10, s12, s10, $0xb8;
	[tilespmem:$0x6F80] =	vst v63  }
0x94: {  	_ =	swait.ge [sflag:s13], $0x2000  }
0x95: {  	[sflag:s13] =	ssyncset.done $0x0  }
0x96: {  	[sflag:s13] =	ssyncadd.s32 $0xFFFFE000  }
0x97: {  	_ =	swait.ge [sflag:s13], $0x2000  }
0x98: {  	[sflag:s13] =	ssyncset.done $0x0  }
0x99: {  	[sflag:s13] =	ssyncadd.s32 $0xFFFFE000  }
0x9a: {  	_ =	swait.ge [sflag:s13], $0x2000  }
0x9b: {  	[sflag:s13] =	ssyncset.done $0x0  }
0x9c: {  	[sflag:s13] =	ssyncadd.s32 $0xFFFFE000  }
0x9d: {  	_ =	swait.ge [sflag:s13], $0x2000  }
0x9e: {  	[sflag:s13] =	ssyncset.done $0x0  }
0x9f: {  	[sflag:s13] =	ssyncadd.s32 $0xFFFFE000  }
0xa0: {  	[spmem:s2] =	stream.indirect.scatter.add.f32 [tilespmem:s9], [sflag:$0x1], $0x10, s14, s10, $0xb8;
	[tilespmem:$0x6F80] =	vst v63  }
0xa1: {  	_ = 	snop  }
0xa2: {  	[spmem:s2] =	stream.indirect.scatter.add.f32 [tilespmem:s9], [sflag:$0x1], $0x10, s15, s10, $0xb8;
	[tilespmem:$0x6F80] =	vst v63  }
0xa3: {  	_ = 	snop  }
0xa4: {  	[spmem:s2] =	stream.indirect.scatter.add.f32 [tilespmem:s9], [sflag:$0x1], $0x10, s16, s10, $0xb8;
	[tilespmem:$0x6F80] =	vst v63  }
0xa5: {  	_ = 	snop  }
0xa6: {  	[spmem:s2] =	stream.indirect.scatter.add.f32 [tilespmem:s9], [sflag:$0x1], $0x10, s17, s10, $0xb8;
	[tilespmem:$0x6F80] =	vst v63  }
0xa7: {  	_ =	swait.ge [sflag:s13], $0x2000  }
0xa8: {  	[sflag:s13] =	ssyncset.done $0x0  }
0xa9: {  	[sflag:s13] =	ssyncadd.s32 $0xFFFFE000  }
0xaa: {  	_ =	swait.ge [sflag:s13], $0x2000  }
0xab: {  	[sflag:s13] =	ssyncset.done $0x0  }
0xac: {  	[sflag:s13] =	ssyncadd.s32 $0xFFFFE000  }
0xad: {  	_ =	swait.ge [sflag:s13], $0x2000  }
0xae: {  	[sflag:s13] =	ssyncset.done $0x0  }
0xaf: {  	[sflag:s13] =	ssyncadd.s32 $0xFFFFE000  }
0xb0: {  	_ =	swait.ge [sflag:s13], $0x2000  }
0xb1: {  	[sflag:s13] =	ssyncset.done $0x0  }
0xb2: {  	[sflag:s13] =	ssyncadd.s32 $0xFFFFE000  }
0xb3: {  	[spmem:s2] =	stream.indirect.scatter.add.f32 [tilespmem:s9], [sflag:$0x1], $0x10, s18, s10, $0xb8;
	[tilespmem:$0x6F80] =	vst v63  }
0xb4: {  	_ = 	snop  }
0xb5: {  	[spmem:s2] =	stream.indirect.scatter.add.f32 [tilespmem:s9], [sflag:$0x1], $0x10, s19, s10, $0xb8;
	[tilespmem:$0x6F80] =	vst v63  }
0xb6: {  	_ = 	snop  }
0xb7: {  	[spmem:s2] =	stream.indirect.scatter.add.f32 [tilespmem:s9], [sflag:$0x1], $0x10, s20, s10, $0xb8;
	[tilespmem:$0x6F80] =	vst v63  }
0xb8: {  	_ = 	snop  }
0xb9: {  	[spmem:s2] =	stream.indirect.scatter.add.f32 [tilespmem:s9], [sflag:$0x1], $0x10, s21, s10, $0xb8;
	[tilespmem:$0x6F80] =	vst v63  }
0xba: {  	_ =	swait.ge [sflag:s13], $0x2000  }
0xbb: {  	[sflag:s13] =	ssyncset.done $0x0  }
0xbc: {  	[sflag:s13] =	ssyncadd.s32 $0xFFFFE000  }
0xbd: {  	_ =	swait.ge [sflag:s13], $0x2000  }
0xbe: {  	[sflag:s13] =	ssyncset.done $0x0  }
0xbf: {  	[sflag:s13] =	ssyncadd.s32 $0xFFFFE000  }
0xc0: {  	_ =	swait.ge [sflag:s13], $0x2000  }
0xc1: {  	[sflag:s13] =	ssyncset.done $0x0  }
0xc2: {  	[sflag:s13] =	ssyncadd.s32 $0xFFFFE000  }
0xc3: {  	_ =	swait.ge [sflag:s13], $0x2000  }
0xc4: {  	[sflag:s13] =	ssyncset.done $0x0  }
0xc5: {  	[sflag:s13] =	ssyncadd.s32 $0xFFFFE000  }
0xc6: {  	[spmem:s2] =	stream.indirect.scatter.add.f32 [tilespmem:s9], [sflag:$0x1], $0x10, s22, s10, $0xb8;
	[tilespmem:$0x6F80] =	vst v63  }
0xc7: {  	_ = 	snop  }
0xc8: {  	[spmem:s2] =	stream.indirect.scatter.add.f32 [tilespmem:s9], [sflag:$0x1], $0x10, s23, s10, $0xb8;
	[tilespmem:$0x6F80] =	vst v63  }
0xc9: {  	_ = 	snop  }
0xca: {  	[spmem:s2] =	stream.indirect.scatter.add.f32 [tilespmem:s9], [sflag:$0x1], $0x10, s24, s10, $0xb8;
	[tilespmem:$0x6F80] =	vst v63  }
0xcb: {  	_ = 	snop  }
0xcc: {  	[spmem:s2] =	stream.indirect.scatter.add.f32 [tilespmem:s9], [sflag:$0x1], $0x10, s25, s10, $0xb8;
	[tilespmem:$0x6F80] =	vst v63  }
0xcd: {  	_ =	swait.ge [sflag:s13], $0x2000  }
0xce: {  	[sflag:s13] =	ssyncset.done $0x0  }
0xcf: {  	[sflag:s13] =	ssyncadd.s32 $0xFFFFE000  }
0xd0: {  	_ =	swait.ge [sflag:s13], $0x2000  }
0xd1: {  	[sflag:s13] =	ssyncset.done $0x0  }
0xd2: {  	[sflag:s13] =	ssyncadd.s32 $0xFFFFE000  }
0xd3: {  	_ =	swait.ge [sflag:s13], $0x2000  }
0xd4: {  	[sflag:s13] =	ssyncset.done $0x0  }
0xd5: {  	[sflag:s13] =	ssyncadd.s32 $0xFFFFE000  }
0xd6: {  	_ =	swait.ge [sflag:s13], $0x2000  }
0xd7: {  	[sflag:s13] =	ssyncset.done $0x0  }
0xd8: {  	[sflag:s13] =	ssyncadd.s32 $0xFFFFE000  }
0xd9: {  	[spmem:s2] =	stream.indirect.scatter.add.f32 [tilespmem:s9], [sflag:$0x1], $0x10, s26, s10, $0xb8;
	[tilespmem:$0x6F80] =	vst v63  }
0xda: {  	_ = 	snop  }
0xdb: {  	[spmem:s2] =	stream.indirect.scatter.add.f32 [tilespmem:s9], [sflag:$0x1], $0x10, s28, s10, $0xb8;
	[tilespmem:$0x6F80] =	vst v63  }
0xdc: {  	_ = 	snop  }
0xdd: {  	[spmem:s2] =	stream.indirect.scatter.add.f32 [tilespmem:s9], [sflag:$0x1], $0x10, s29, s10, $0xb8;
	[tilespmem:$0x6F80] =	vst v63  }
0xde: {  	_ = 	snop  }
0xdf: {  	[spmem:s2] =	stream.indirect.scatter.add.f32 [tilespmem:s9], [sflag:$0x1], $0x10, s30, s10, $0xb8;
	[tilespmem:$0x6F80] =	vst v63  }
0xe0: {  	_ =	swait.ge [sflag:s13], $0x2000  }
0xe1: {  	[sflag:s13] =	ssyncset.done $0x0  }
0xe2: {  	[sflag:s13] =	ssyncadd.s32 $0xFFFFE000  }
0xe3: {  	_ =	swait.ge [sflag:s13], $0x2000  }
0xe4: {  	[sflag:s13] =	ssyncset.done $0x0  }
0xe5: {  	[sflag:s13] =	ssyncadd.s32 $0xFFFFE000  }
0xe6: {  	_ =	swait.ge [sflag:s13], $0x2000  }
0xe7: {  	[sflag:s13] =	ssyncset.done $0x0  }
0xe8: {  	[sflag:s13] =	ssyncadd.s32 $0xFFFFE000  }
0xe9: {  	_ =	swait.ge [sflag:s13], $0x2000  }
0xea: {  	p0 =	sne.s32 s0, $0x1;
	[sflag:s13] =	ssyncset.done $0x0  }
.Ltmp1:
0xeb: {  	[sflag:s13] =	ssyncadd.s32 $0xFFFFE000;
	(pc) =	sbr.rel @p0 .LBB2_1-.Ltmp1, $4  }
0xec: {  	[bflag:$0x0] =	sbarrier.arrive $0xFFFF  }
0xed: {  	[hbm:s31], [sflag:s5] =	dma.local [spmem:s7], $0x4F0  }
0xee: {  	_ =	swait.ge [sflag:s6], $0x4F0  }
0xef: {  	s0 =	sadd.s32 $0xFFFFFFFF, s0;
	[sflag:s6] =	ssyncset.done $0x0  }
.LBB2_2:
0xf0: {  	[sflag:s6] =	ssyncadd.s32 $0xFFFFFB10  }
0xf1: {  	_ =	sfence.sel $0x180000  }
0xf2: {  	[bflag:$0x0] =	sbarrier.arrive $0xFFFF  }
0xf3: {  	_ =	strace $0x90000047  }
0xf4: {  	s0 =	stileid.u32;
	[bflag:$0x2] =	sbarrier.arrive $0xFFFF  }
0xf5: {  	p0 =	sne.s32 s0, $0x0;
	s0 =	rddreg [dreg:$0x2]  }
0xf6: {  	s0 =	sadd.s32 @!p0 $0x100000, s0  }
0xf7: {  	[sflag:s0] =	ssyncadd.tile.s32 @!p0 $0x1;
	_ =	shalt  }
.Lfunc_end2:
_tile_overlayer_lowered:
.L_overlay_start_2:
0xf8: {  	(tag) =	ssettag $0x2  }
0xf9: {  	s0 =	rddreg [dreg:$0x0];
	s2 =	stileid.u32  }
0xfa: {  	s1 =	rddreg [dreg:$0x1];
	p0 =	sne.s32 s2, $0x0  }
0xfb: {  	s3 =	rddreg [dreg:$0x2];
	[bflag:$0x3] =	sbarrier.arrive $0xFFFF;
	s2 =	simm.s32 @!p0 $0x1C02  }
0xfc: {  	[timem:s3], [sflag:s2] =	dma.local @!p0 [hbm:s0], s1  }
0xfd: {  	s0 =	simm.s32 @!p0 $0x2  }
0xfe: {  	_ =	swait.ge @!p0 [sflag:s0], s1  }
0xff: {  	s1 =	ssub.s32 @!p0 $0x0, s1;
	[sflag:s0] =	ssyncset.done @!p0 $0x0  }
0x100: {  	[sflag:s0] =	ssyncadd.s32 @!p0 s1  }
0x101: {  	[bflag:$0x3] =	sbarrier.arrive $0xFFFF  }
0x102: {  	_ =	shalt  }

</sc_bundles>
